<compile_context>
chip_gen: v7x
topology: tpu7x:2x2x1
jax: 0.10.2.dev20260603
libtpu: 0.0.44.dev20260713+nightly
codegen_flags: <defaults>
</compile_context>

<pallas_src>
import functools

import jax
import jax.numpy as jnp
from jax import lax
from jax.experimental import pallas as pl
from jax.experimental.pallas import tpu as pltpu
from jax.experimental.pallas import tpu_sc as plsc

T = 1024
V = 50258
JW = 1152
VBLK = 2048
NVB = (V + VBLK - 1) // VBLK
ALPHA = 0.2


def _lse_body(x_ref, lse_ref, m_ref, s_ref):
    v = pl.program_id(0)

    def step(x):
        bm = jnp.max(x, axis=1, keepdims=True)

        @pl.when(v == 0)
        def _():
            m_ref[...] = bm
            s_ref[...] = jnp.sum(jnp.exp(x - bm), axis=1, keepdims=True)

        @pl.when(v > 0)
        def _():
            m_old = m_ref[...]
            m_new = jnp.maximum(m_old, bm)
            s_ref[...] = s_ref[...] * jnp.exp(m_old - m_new) + jnp.sum(
                jnp.exp(x - m_new), axis=1, keepdims=True)
            m_ref[...] = m_new

    @pl.when(v < NVB - 1)
    def _():
        step(x_ref[...])

    @pl.when(v == NVB - 1)
    def _():
        col = lax.broadcasted_iota(jnp.int32, (T, VBLK), 1) + v * VBLK
        step(jnp.where(col < V, x_ref[...], jnp.float32(-jnp.inf)))
        lse_ref[...] = m_ref[...] + jnp.log(s_ref[...])


def _lse(x2d):
    return pl.pallas_call(
        _lse_body,
        grid=(NVB,),
        in_specs=[pl.BlockSpec((T, VBLK), lambda v: (jnp.int32(0), v))],
        out_specs=pl.BlockSpec(
            (T, 1), lambda v: (jnp.int32(0), jnp.int32(0))),
        out_shape=jax.ShapeDtypeStruct((T, 1), jnp.float32),
        scratch_shapes=[
            pltpu.VMEM((T, 1), jnp.float32),
            pltpu.VMEM((T, 1), jnp.float32),
        ],
        compiler_params=pltpu.CompilerParams(
            dimension_semantics=("arbitrary",)),
    )(x2d)


def _sc_gather(x2d, ext_t):
    info = plsc.get_sparse_core_info()
    nc, ns = info.num_cores, info.num_subcores
    nw = nc * ns
    rpw = T // nw
    half = rpw // 2
    mesh = plsc.VectorSubcoreMesh(core_axis_name="c", subcore_axis_name="s")

    @functools.partial(
        pl.kernel,
        out_type=jax.ShapeDtypeStruct((T, JW), jnp.float32),
        mesh=mesh,
        scratch_types=[
            pltpu.VMEM((JW,), jnp.int32),
            pltpu.VMEM((V,), jnp.float32),
            pltpu.VMEM((V,), jnp.float32),
            pltpu.VMEM((JW,), jnp.float32),
            pltpu.SemaphoreType.DMA,
            pltpu.SemaphoreType.DMA,
        ],
        compiler_params=pltpu.CompilerParams(needs_layout_passes=False),
    )
    def gather_kernel(x_hbm, t_hbm, g_hbm, t_v, row_a, row_b, row_v,
                      sem_a, sem_b):
        wid = lax.axis_index("s") * nc + lax.axis_index("c")
        base = wid * jnp.int32(rpw)
        pltpu.sync_copy(t_hbm, t_v)

        def extract(src, i):
            for c in range(JW // 16):
                idx = t_v[pl.ds(c * 16, 16)]
                row_v[pl.ds(c * 16, 16)] = plsc.load_gather(src, [idx])
            pltpu.sync_copy(row_v, g_hbm.at[i])

        pltpu.async_copy(x_hbm.at[base], row_a, sem_a)

        @pl.loop(jnp.int32(0), jnp.int32(half))
        def pair_body(u):
            i_a = base + jnp.int32(2) * u
            i_b = i_a + jnp.int32(1)
            cp_b = pltpu.async_copy(x_hbm.at[i_b], row_b, sem_b)
            pltpu.make_async_copy(x_hbm.at[i_a], row_a, sem_a).wait()
            extract(row_a, i_a)

            @pl.when(u < jnp.int32(half - 1))
            def _():
                pltpu.async_copy(x_hbm.at[i_a + jnp.int32(2)], row_a, sem_a)

            cp_b.wait()
            extract(row_b, i_b)

    return gather_kernel(x2d, ext_t)


def _reduce_body(g_ref, lse_ref, tcol_ref, trow_ref, out_ref):
    gg = g_ref[...]
    lse = lse_ref[...]
    tc = tcol_ref[...]
    tr = trow_ref[...]
    ir = lax.broadcasted_iota(jnp.int32, (T, JW), 0)
    jc = lax.broadcasted_iota(jnp.int32, (T, JW), 1)
    eq = tc == tr
    dup = jnp.sum(
        jnp.where(eq & (ir < jc), jnp.int32(1), jnp.int32(0)),
        axis=0, keepdims=True, dtype=jnp.int32)
    firstocc = dup == jnp.int32(0)
    lp = gg - lse
    f = -jnp.log(jnp.maximum(jnp.float32(1.0) - jnp.exp(lp),
                             jnp.float32(1e-5)))
    mask = (jc < ir) & jnp.logical_not(eq) & firstocc & (jc < T)
    mask = mask | (jc == T)
    zero = jnp.float32(0.0)
    custom = jnp.sum(jnp.where(mask, f, zero))
    mle = jnp.sum(lse) - jnp.sum(jnp.where(ir == jc, gg, zero))
    out_ref[...] = jnp.reshape(mle + jnp.float32(ALPHA) * custom, (1, 1))


def _reduce(g, lse, tcol, trow):
    z2 = lambda i: (jnp.int32(0), jnp.int32(0))
    return pl.pallas_call(
        _reduce_body,
        grid=(1,),
        in_specs=[
            pl.BlockSpec((T, JW), z2),
            pl.BlockSpec((T, 1), z2),
            pl.BlockSpec((T, 1), z2),
            pl.BlockSpec((1, JW), z2),
        ],
        out_specs=pl.BlockSpec((1, 1), z2),
        out_shape=jax.ShapeDtypeStruct((1, 1), jnp.float32),
    )(g, lse, tcol, trow)


def kernel(logits, targets):
    x2d = logits.reshape(T, V)
    t = targets.reshape(T).astype(jnp.int32)
    ext_t = jnp.concatenate([t, jnp.full((JW - T,), V - 1, jnp.int32)])
    trow = jnp.concatenate(
        [t, jnp.full((JW - T,), -1, jnp.int32)]).reshape(1, JW)
    tcol = t.reshape(T, 1)

    g = _sc_gather(x2d, ext_t)
    lse = _lse(x2d)
    out = _reduce(g, lse, tcol, trow)
    return out.reshape(())

# --- scband reference (transcript-rebuilt; emitter-appended) ---
"""Pipeline reference for scband-sequence-unlikelihood-loss-71992241816094 (READ-ONLY COPY).

The authoritative reference and input builder live on the scoring server;
editing this copy changes nothing except your own understanding.
"""

import jax, jax.numpy as jnp
import numpy as np

jax.config.update("jax_enable_x64", True)

PADDING_IDX = 50257
RANK_ALPHA = 0.2


def setup_inputs(seed: int = 0) -> dict:
    key = jax.random.key(seed)
    k1, k2 = jax.random.split(key)
    logits = jax.random.normal(k1, (1, 1024, 50258), dtype=jnp.float32)
    targets = jax.random.randint(k2, (1, 1024), 0, 50257, dtype=jnp.int64)
    return {"logits": logits, "targets": targets}


def reference(logits, targets):
    V = logits.shape[-1]
    logits_flat = logits.reshape(-1, V)
    lprobs = jax.nn.log_softmax(logits_flat, axis=-1)
    target = targets.reshape(-1).astype(jnp.int64)
    T = target.shape[0]
    # nll_loss with ignore_index=PADDING_IDX, reduction='none'
    true_token_lprobs = -jnp.take_along_axis(lprobs, target[:, None], axis=1)[:, 0]
    true_token_lprobs = jnp.where(target == PADDING_IDX, 0.0, true_token_lprobs)
    mle_loss = true_token_lprobs.sum()
    # prev_context candidate construction (no-grad in original)
    ctx_cands = jnp.broadcast_to(target[None, :], (T, T))
    ctx_cands_ = jnp.tril(ctx_cands, -1) + PADDING_IDX
    ctx_cands_ = ctx_cands_ * jnp.triu(ctx_cands_)
    ctx_cands = jnp.tril(ctx_cands, -1) + ctx_cands_
    ctx_cands = jnp.where(ctx_cands == target[:, None], PADDING_IDX, ctx_cands)
    ctx_cands = jnp.where(ctx_cands == PADDING_IDX ** 2, PADDING_IDX, ctx_cands)
    rows = jnp.arange(T)[:, None]
    negative_targets = jnp.zeros_like(lprobs).at[rows, ctx_cands].set(1.0)
    negative_targets = jax.lax.stop_gradient(negative_targets)
    one_minus_probs = jnp.clip(1.0 - jnp.exp(lprobs), 1e-05, None)
    custom_loss = (-jnp.log(one_minus_probs) * negative_targets).sum()
    loss = mle_loss + RANK_ALPHA * custom_loss
    return loss

if __name__ == "__main__":
    import jax
    _d = setup_inputs()
    print(jax.jit(kernel)(*tuple(_d.values())))

</pallas_src>

<mosaic_0001>
#map = affine_map<(d0, d1) -> (0, 0)>
#map1 = affine_map<(d0, d1) -> (0)>
module attributes {stable_mosaic.version = 14 : i64} {
  func.func @gather_kernel(%arg0: i32, %arg1: i32, %arg2: memref<1024x50258xf32, #tpu.memory_space<hbm>>, %arg3: memref<1152xi32, #tpu.memory_space<hbm>>, %arg4: memref<1024x1152xf32, #tpu.memory_space<hbm>>, %arg5: memref<1152xi32, #tpu.memory_space<vmem>>, %arg6: memref<50258xf32, #tpu.memory_space<vmem>>, %arg7: memref<50258xf32, #tpu.memory_space<vmem>>, %arg8: memref<1152xf32, #tpu.memory_space<vmem>>, %arg9: memref<!tpu.dma_semaphore, #tpu.memory_space<semaphore_mem>>, %arg10: memref<!tpu.dma_semaphore, #tpu.memory_space<semaphore_mem>>) attributes {dimension_semantics = [#tpu.dimension_semantics<core_parallel>, #tpu.dimension_semantics<subcore_parallel>], iteration_bounds = array<i64: 2, 16>, scalar_prefetch = 0 : i64, scratch_operands = 6 : i64, tpu.core_type = #tpu.core_type<sc_vector_subcore>, window_params = [{transform_indices = #map}, {transform_indices = #map1}, {transform_indices = #map}]} {
    %mul3A = arith.constant 2 : i32
    %mul3A_0 = arith.muli %arg1, %mul3A : i32
    %add3A = arith.addi %mul3A_0, %arg0 : i32
    %mul3A_1 = arith.constant 32 : i32
    %mul3A_2 = arith.muli %add3A, %mul3A_1 : i32
    "tpu.region"() ({
      %run_scoped3A = tpu.sem_alloc : memref<!tpu.dma_semaphore, #tpu.memory_space<semaphore_mem>>
      tpu.enqueue_dma source(%arg3 : memref<1152xi32, #tpu.memory_space<hbm>>) target(%arg5 : memref<1152xi32, #tpu.memory_space<vmem>>) target_semaphore(%run_scoped3A : memref<!tpu.dma_semaphore, #tpu.memory_space<semaphore_mem>>)
      tpu.wait_dma2 semaphore(%run_scoped3A : memref<!tpu.dma_semaphore, #tpu.memory_space<semaphore_mem>>) src(%arg3 : memref<1152xi32, #tpu.memory_space<hbm>>) dst(%arg5 : memref<1152xi32, #tpu.memory_space<vmem>>)
      tpu.yield
    }) : () -> ()
    %dma_start3A = arith.constant 0 : i32
    %dma_start3A_3 = tpu.memref_slice %arg2[%mul3A_2, %dma_start3A] : memref<1024x50258xf32, #tpu.memory_space<hbm>> -> memref<1x50258xf32, #tpu.memory_space<hbm>>
    %dma_start3A_4 = tpu.memref_squeeze %dma_start3A_3 : memref<1x50258xf32, #tpu.memory_space<hbm>> -> memref<50258xf32, #tpu.memory_space<hbm>>
    %dma_start3A_5 = arith.constant 0 : i32
    %dma_start3A_6 = tpu.memref_slice %arg2[%mul3A_2, %dma_start3A_5] : memref<1024x50258xf32, #tpu.memory_space<hbm>> -> memref<1x50258xf32, #tpu.memory_space<hbm>>
    %dma_start3A_7 = tpu.memref_squeeze %dma_start3A_6 : memref<1x50258xf32, #tpu.memory_space<hbm>> -> memref<50258xf32, #tpu.memory_space<hbm>>
    tpu.enqueue_dma source(%dma_start3A_7 : memref<50258xf32, #tpu.memory_space<hbm>>) target(%arg6 : memref<50258xf32, #tpu.memory_space<vmem>>) target_semaphore(%arg9 : memref<!tpu.dma_semaphore, #tpu.memory_space<semaphore_mem>>)
    %sub3A = arith.constant 16 : i32
    %sub3A_8 = arith.constant 0 : i32
    %sub3A_9 = arith.subi %sub3A, %sub3A_8 : i32
    %sub3A_10 = arith.constant 1 : i32
    %sub3A_11 = arith.constant 1 : i32
    %sub3A_12 = arith.subi %sub3A_10, %sub3A_11 : i32
    %add3A_13 = arith.addi %sub3A_9, %sub3A_12 : i32
    %div3A = arith.constant 1 : i32
    %div3A_14 = arith.divsi %add3A_13, %div3A : i32
    %while3A = arith.constant 1 : i32
    %while3A_15 = arith.constant 0 : i32
    %while3A_16 = arith.constant 0 : i32
    %while3A_17 = arith.subi %div3A_14, %while3A_16 : i32
    %while3A_18 = arith.addi %while3A_16, %while3A_17 : i32
    %while3A_19 = arith.constant 1 : i32
    %while3A_20 = arith.divsi %while3A_17, %while3A_19 : i32
    %while3A_21 = arith.muli %while3A_20, %while3A_19 : i32
    %while3A_22 = arith.addi %while3A_16, %while3A_21 : i32
    %while3A_23 = arith.constant 1 : i32
    scf.for %while3A_25 = %while3A_16 to %while3A_22 step %while3A_23  : i32 {
      %mul3A_26 = arith.muli %while3A_25, %while3A : i32
      %add3A_27 = arith.addi %while3A_15, %mul3A_26 : i32
      %mul3A_28 = arith.constant 2 : i32
      %mul3A_29 = arith.muli %mul3A_28, %add3A_27 : i32
      %add3A_30 = arith.addi %mul3A_2, %mul3A_29 : i32
      %add3A_31 = arith.constant 1 : i32
      %add3A_32 = arith.addi %add3A_30, %add3A_31 : i32
      %dma_start3A_33 = arith.constant 0 : i32
      %dma_start3A_34 = tpu.memref_slice %arg2[%add3A_32, %dma_start3A_33] : memref<1024x50258xf32, #tpu.memory_space<hbm>> -> memref<1x50258xf32, #tpu.memory_space<hbm>>
      %dma_start3A_35 = tpu.memref_squeeze %dma_start3A_34 : memref<1x50258xf32, #tpu.memory_space<hbm>> -> memref<50258xf32, #tpu.memory_space<hbm>>
      %dma_start3A_36 = arith.constant 0 : i32
      %dma_start3A_37 = tpu.memref_slice %arg2[%add3A_32, %dma_start3A_36] : memref<1024x50258xf32, #tpu.memory_space<hbm>> -> memref<1x50258xf32, #tpu.memory_space<hbm>>
      %dma_start3A_38 = tpu.memref_squeeze %dma_start3A_37 : memref<1x50258xf32, #tpu.memory_space<hbm>> -> memref<50258xf32, #tpu.memory_space<hbm>>
      tpu.enqueue_dma source(%dma_start3A_38 : memref<50258xf32, #tpu.memory_space<hbm>>) target(%arg7 : memref<50258xf32, #tpu.memory_space<vmem>>) target_semaphore(%arg10 : memref<!tpu.dma_semaphore, #tpu.memory_space<semaphore_mem>>)
      %dma_wait3A = arith.constant 0 : i32
      %dma_wait3A_39 = tpu.memref_slice %arg2[%add3A_30, %dma_wait3A] : memref<1024x50258xf32, #tpu.memory_space<hbm>> -> memref<1x50258xf32, #tpu.memory_space<hbm>>
      %dma_wait3A_40 = tpu.memref_squeeze %dma_wait3A_39 : memref<1x50258xf32, #tpu.memory_space<hbm>> -> memref<50258xf32, #tpu.memory_space<hbm>>
      %dma_wait3A_41 = arith.constant 0 : i32
      %dma_wait3A_42 = tpu.memref_slice %arg2[%add3A_30, %dma_wait3A_41] : memref<1024x50258xf32, #tpu.memory_space<hbm>> -> memref<1x50258xf32, #tpu.memory_space<hbm>>
      %dma_wait3A_43 = tpu.memref_squeeze %dma_wait3A_42 : memref<1x50258xf32, #tpu.memory_space<hbm>> -> memref<50258xf32, #tpu.memory_space<hbm>>
      tpu.wait_dma2 semaphore(%arg9 : memref<!tpu.dma_semaphore, #tpu.memory_space<semaphore_mem>>) src(%dma_wait3A_43 : memref<50258xf32, #tpu.memory_space<hbm>>) dst(%arg6 : memref<50258xf32, #tpu.memory_space<vmem>>)
      %get3A = arith.constant 0 : index
      %get3A_44 = tpu.vector_load %arg5[%get3A] {strides = array<i32>} : memref<1152xi32, #tpu.memory_space<vmem>>, vector<16xi32>,
      %gather3A = tpu.vector_load_idx %arg6[%get3A_44] : memref<50258xf32, #tpu.memory_space<vmem>>[vector<16xi32>], vector<16xf32>,
      %swap3A = arith.constant 0 : index
      %swap3A_45 = tpu.vector_load %arg8[%swap3A] {strides = array<i32>} : memref<1152xf32, #tpu.memory_space<vmem>>, vector<16xf32>,
      tpu.vector_store %arg8[%swap3A], %gather3A {strides = array<i32>} : memref<1152xf32, #tpu.memory_space<vmem>>, vector<16xf32>,
      %get3A_46 = arith.constant 16 : index
      %get3A_47 = tpu.vector_load %arg5[%get3A_46] {strides = array<i32>} : memref<1152xi32, #tpu.memory_space<vmem>>, vector<16xi32>,
      %gather3A_48 = tpu.vector_load_idx %arg6[%get3A_47] : memref<50258xf32, #tpu.memory_space<vmem>>[vector<16xi32>], vector<16xf32>,
      %swap3A_49 = arith.constant 16 : index
      %swap3A_50 = tpu.vector_load %arg8[%swap3A_49] {strides = array<i32>} : memref<1152xf32, #tpu.memory_space<vmem>>, vector<16xf32>,
      tpu.vector_store %arg8[%swap3A_49], %gather3A_48 {strides = array<i32>} : memref<1152xf32, #tpu.memory_space<vmem>>, vector<16xf32>,
      %get3A_51 = arith.constant 32 : index
      %get3A_52 = tpu.vector_load %arg5[%get3A_51] {strides = array<i32>} : memref<1152xi32, #tpu.memory_space<vmem>>, vector<16xi32>,
      %gather3A_53 = tpu.vector_load_idx %arg6[%get3A_52] : memref<50258xf32, #tpu.memory_space<vmem>>[vector<16xi32>], vector<16xf32>,
      %swap3A_54 = arith.constant 32 : index
      %swap3A_55 = tpu.vector_load %arg8[%swap3A_54] {strides = array<i32>} : memref<1152xf32, #tpu.memory_space<vmem>>, vector<16xf32>,
      tpu.vector_store %arg8[%swap3A_54], %gather3A_53 {strides = array<i32>} : memref<1152xf32, #tpu.memory_space<vmem>>, vector<16xf32>,
      %get3A_56 = arith.constant 48 : index
      %get3A_57 = tpu.vector_load %arg5[%get3A_56] {strides = array<i32>} : memref<1152xi32, #tpu.memory_space<vmem>>, vector<16xi32>,
      %gather3A_58 = tpu.vector_load_idx %arg6[%get3A_57] : memref<50258xf32, #tpu.memory_space<vmem>>[vector<16xi32>], vector<16xf32>,
      %swap3A_59 = arith.constant 48 : index
      %swap3A_60 = tpu.vector_load %arg8[%swap3A_59] {strides = array<i32>} : memref<1152xf32, #tpu.memory_space<vmem>>, vector<16xf32>,
      tpu.vector_store %arg8[%swap3A_59], %gather3A_58 {strides = array<i32>} : memref<1152xf32, #tpu.memory_space<vmem>>, vector<16xf32>,
      %get3A_61 = arith.constant 64 : index
      %get3A_62 = tpu.vector_load %arg5[%get3A_61] {strides = array<i32>} : memref<1152xi32, #tpu.memory_space<vmem>>, vector<16xi32>,
      %gather3A_63 = tpu.vector_load_idx %arg6[%get3A_62] : memref<50258xf32, #tpu.memory_space<vmem>>[vector<16xi32>], vector<16xf32>,
      %swap3A_64 = arith.constant 64 : index
      %swap3A_65 = tpu.vector_load %arg8[%swap3A_64] {strides = array<i32>} : memref<1152xf32, #tpu.memory_space<vmem>>, vector<16xf32>,
      tpu.vector_store %arg8[%swap3A_64], %gather3A_63 {strides = array<i32>} : memref<1152xf32, #tpu.memory_space<vmem>>, vector<16xf32>,
      %get3A_66 = arith.constant 80 : index
      %get3A_67 = tpu.vector_load %arg5[%get3A_66] {strides = array<i32>} : memref<1152xi32, #tpu.memory_space<vmem>>, vector<16xi32>,
      %gather3A_68 = tpu.vector_load_idx %arg6[%get3A_67] : memref<50258xf32, #tpu.memory_space<vmem>>[vector<16xi32>], vector<16xf32>,
      %swap3A_69 = arith.constant 80 : index
      %swap3A_70 = tpu.vector_load %arg8[%swap3A_69] {strides = array<i32>} : memref<1152xf32, #tpu.memory_space<vmem>>, vector<16xf32>,
      tpu.vector_store %arg8[%swap3A_69], %gather3A_68 {strides = array<i32>} : memref<1152xf32, #tpu.memory_space<vmem>>, vector<16xf32>,
      %get3A_71 = arith.constant 96 : index
      %get3A_72 = tpu.vector_load %arg5[%get3A_71] {strides = array<i32>} : memref<1152xi32, #tpu.memory_space<vmem>>, vector<16xi32>,
      %gather3A_73 = tpu.vector_load_idx %arg6[%get3A_72] : memref<50258xf32, #tpu.memory_space<vmem>>[vector<16xi32>], vector<16xf32>,
      %swap3A_74 = arith.constant 96 : index
      %swap3A_75 = tpu.vector_load %arg8[%swap3A_74] {strides = array<i32>} : memref<1152xf32, #tpu.memory_space<vmem>>, vector<16xf32>,
      tpu.vector_store %arg8[%swap3A_74], %gather3A_73 {strides = array<i32>} : memref<1152xf32, #tpu.memory_space<vmem>>, vector<16xf32>,
      %get3A_76 = arith.constant 112 : index
      %get3A_77 = tpu.vector_load %arg5[%get3A_76] {strides = array<i32>} : memref<1152xi32, #tpu.memory_space<vmem>>, vector<16xi32>,
      %gather3A_78 = tpu.vector_load_idx %arg6[%get3A_77] : memref<50258xf32, #tpu.memory_space<vmem>>[vector<16xi32>], vector<16xf32>,
      %swap3A_79 = arith.constant 112 : index
      %swap3A_80 = tpu.vector_load %arg8[%swap3A_79] {strides = array<i32>} : memref<1152xf32, #tpu.memory_space<vmem>>, vector<16xf32>,
      tpu.vector_store %arg8[%swap3A_79], %gather3A_78 {strides = array<i32>} : memref<1152xf32, #tpu.memory_space<vmem>>, vector<16xf32>,
      %get3A_81 = arith.constant 128 : index
      %get3A_82 = tpu.vector_load %arg5[%get3A_81] {strides = array<i32>} : memref<1152xi32, #tpu.memory_space<vmem>>, vector<16xi32>,
      %gather3A_83 = tpu.vector_load_idx %arg6[%get3A_82] : memref<50258xf32, #tpu.memory_space<vmem>>[vector<16xi32>], vector<16xf32>,
      %swap3A_84 = arith.constant 128 : index
      %swap3A_85 = tpu.vector_load %arg8[%swap3A_84] {strides = array<i32>} : memref<1152xf32, #tpu.memory_space<vmem>>, vector<16xf32>,
      tpu.vector_store %arg8[%swap3A_84], %gather3A_83 {strides = array<i32>} : memref<1152xf32, #tpu.memory_space<vmem>>, vector<16xf32>,
      %get3A_86 = arith.constant 144 : index
      %get3A_87 = tpu.vector_load %arg5[%get3A_86] {strides = array<i32>} : memref<1152xi32, #tpu.memory_space<vmem>>, vector<16xi32>,
      %gather3A_88 = tpu.vector_load_idx %arg6[%get3A_87] : memref<50258xf32, #tpu.memory_space<vmem>>[vector<16xi32>], vector<16xf32>,
      %swap3A_89 = arith.constant 144 : index
      %swap3A_90 = tpu.vector_load %arg8[%swap3A_89] {strides = array<i32>} : memref<1152xf32, #tpu.memory_space<vmem>>, vector<16xf32>,
      tpu.vector_store %arg8[%swap3A_89], %gather3A_88 {strides = array<i32>} : memref<1152xf32, #tpu.memory_space<vmem>>, vector<16xf32>,
      %get3A_91 = arith.constant 160 : index
      %get3A_92 = tpu.vector_load %arg5[%get3A_91] {strides = array<i32>} : memref<1152xi32, #tpu.memory_space<vmem>>, vector<16xi32>,
      %gather3A_93 = tpu.vector_load_idx %arg6[%get3A_92] : memref<50258xf32, #tpu.memory_space<vmem>>[vector<16xi32>], vector<16xf32>,
      %swap3A_94 = arith.constant 160 : index
      %swap3A_95 = tpu.vector_load %arg8[%swap3A_94] {strides = array<i32>} : memref<1152xf32, #tpu.memory_space<vmem>>, vector<16xf32>,
      tpu.vector_store %arg8[%swap3A_94], %gather3A_93 {strides = array<i32>} : memref<1152xf32, #tpu.memory_space<vmem>>, vector<16xf32>,
      %get3A_96 = arith.constant 176 : index
      %get3A_97 = tpu.vector_load %arg5[%get3A_96] {strides = array<i32>} : memref<1152xi32, #tpu.memory_space<vmem>>, vector<16xi32>,
      %gather3A_98 = tpu.vector_load_idx %arg6[%get3A_97] : memref<50258xf32, #tpu.memory_space<vmem>>[vector<16xi32>], vector<16xf32>,
      %swap3A_99 = arith.constant 176 : index
      %swap3A_100 = tpu.vector_load %arg8[%swap3A_99] {strides = array<i32>} : memref<1152xf32, #tpu.memory_space<vmem>>, vector<16xf32>,
      tpu.vector_store %arg8[%swap3A_99], %gather3A_98 {strides = array<i32>} : memref<1152xf32, #tpu.memory_space<vmem>>, vector<16xf32>,
      %get3A_101 = arith.constant 192 : index
      %get3A_102 = tpu.vector_load %arg5[%get3A_101] {strides = array<i32>} : memref<1152xi32, #tpu.memory_space<vmem>>, vector<16xi32>,
      %gather3A_103 = tpu.vector_load_idx %arg6[%get3A_102] : memref<50258xf32, #tpu.memory_space<vmem>>[vector<16xi32>], vector<16xf32>,
      %swap3A_104 = arith.constant 192 : index
      %swap3A_105 = tpu.vector_load %arg8[%swap3A_104] {strides = array<i32>} : memref<1152xf32, #tpu.memory_space<vmem>>, vector<16xf32>,
      tpu.vector_store %arg8[%swap3A_104], %gather3A_103 {strides = array<i32>} : memref<1152xf32, #tpu.memory_space<vmem>>, vector<16xf32>,
      %get3A_106 = arith.constant 208 : index
      %get3A_107 = tpu.vector_load %arg5[%get3A_106] {strides = array<i32>} : memref<1152xi32, #tpu.memory_space<vmem>>, vector<16xi32>,
      %gather3A_108 = tpu.vector_load_idx %arg6[%get3A_107] : memref<50258xf32, #tpu.memory_space<vmem>>[vector<16xi32>], vector<16xf32>,
      %swap3A_109 = arith.constant 208 : index
      %swap3A_110 = tpu.vector_load %arg8[%swap3A_109] {strides = array<i32>} : memref<1152xf32, #tpu.memory_space<vmem>>, vector<16xf32>,
      tpu.vector_store %arg8[%swap3A_109], %gather3A_108 {strides = array<i32>} : memref<1152xf32, #tpu.memory_space<vmem>>, vector<16xf32>,
      %get3A_111 = arith.constant 224 : index
      %get3A_112 = tpu.vector_load %arg5[%get3A_111] {strides = array<i32>} : memref<1152xi32, #tpu.memory_space<vmem>>, vector<16xi32>,
      %gather3A_113 = tpu.vector_load_idx %arg6[%get3A_112] : memref<50258xf32, #tpu.memory_space<vmem>>[vector<16xi32>], vector<16xf32>,
      %swap3A_114 = arith.constant 224 : index
      %swap3A_115 = tpu.vector_load %arg8[%swap3A_114] {strides = array<i32>} : memref<1152xf32, #tpu.memory_space<vmem>>, vector<16xf32>,
      tpu.vector_store %arg8[%swap3A_114], %gather3A_113 {strides = array<i32>} : memref<1152xf32, #tpu.memory_space<vmem>>, vector<16xf32>,
      %get3A_116 = arith.constant 240 : index
      %get3A_117 = tpu.vector_load %arg5[%get3A_116] {strides = array<i32>} : memref<1152xi32, #tpu.memory_space<vmem>>, vector<16xi32>,
      %gather3A_118 = tpu.vector_load_idx %arg6[%get3A_117] : memref<50258xf32, #tpu.memory_space<vmem>>[vector<16xi32>], vector<16xf32>,
      %swap3A_119 = arith.constant 240 : index
      %swap3A_120 = tpu.vector_load %arg8[%swap3A_119] {strides = array<i32>} : memref<1152xf32, #tpu.memory_space<vmem>>, vector<16xf32>,
      tpu.vector_store %arg8[%swap3A_119], %gather3A_118 {strides = array<i32>} : memref<1152xf32, #tpu.memory_space<vmem>>, vector<16xf32>,
      %get3A_121 = arith.constant 256 : index
      %get3A_122 = tpu.vector_load %arg5[%get3A_121] {strides = array<i32>} : memref<1152xi32, #tpu.memory_space<vmem>>, vector<16xi32>,
      %gather3A_123 = tpu.vector_load_idx %arg6[%get3A_122] : memref<50258xf32, #tpu.memory_space<vmem>>[vector<16xi32>], vector<16xf32>,
      %swap3A_124 = arith.constant 256 : index
      %swap3A_125 = tpu.vector_load %arg8[%swap3A_124] {strides = array<i32>} : memref<1152xf32, #tpu.memory_space<vmem>>, vector<16xf32>,
      tpu.vector_store %arg8[%swap3A_124], %gather3A_123 {strides = array<i32>} : memref<1152xf32, #tpu.memory_space<vmem>>, vector<16xf32>,
      %get3A_126 = arith.constant 272 : index
      %get3A_127 = tpu.vector_load %arg5[%get3A_126] {strides = array<i32>} : memref<1152xi32, #tpu.memory_space<vmem>>, vector<16xi32>,
      %gather3A_128 = tpu.vector_load_idx %arg6[%get3A_127] : memref<50258xf32, #tpu.memory_space<vmem>>[vector<16xi32>], vector<16xf32>,
      %swap3A_129 = arith.constant 272 : index
      %swap3A_130 = tpu.vector_load %arg8[%swap3A_129] {strides = array<i32>} : memref<1152xf32, #tpu.memory_space<vmem>>, vector<16xf32>,
      tpu.vector_store %arg8[%swap3A_129], %gather3A_128 {strides = array<i32>} : memref<1152xf32, #tpu.memory_space<vmem>>, vector<16xf32>,
      %get3A_131 = arith.constant 288 : index
      %get3A_132 = tpu.vector_load %arg5[%get3A_131] {strides = array<i32>} : memref<1152xi32, #tpu.memory_space<vmem>>, vector<16xi32>,
      %gather3A_133 = tpu.vector_load_idx %arg6[%get3A_132] : memref<50258xf32, #tpu.memory_space<vmem>>[vector<16xi32>], vector<16xf32>,
      %swap3A_134 = arith.constant 288 : index
      %swap3A_135 = tpu.vector_load %arg8[%swap3A_134] {strides = array<i32>} : memref<1152xf32, #tpu.memory_space<vmem>>, vector<16xf32>,
      tpu.vector_store %arg8[%swap3A_134], %gather3A_133 {strides = array<i32>} : memref<1152xf32, #tpu.memory_space<vmem>>, vector<16xf32>,
      %get3A_136 = arith.constant 304 : index
      %get3A_137 = tpu.vector_load %arg5[%get3A_136] {strides = array<i32>} : memref<1152xi32, #tpu.memory_space<vmem>>, vector<16xi32>,
      %gather3A_138 = tpu.vector_load_idx %arg6[%get3A_137] : memref<50258xf32, #tpu.memory_space<vmem>>[vector<16xi32>], vector<16xf32>,
      %swap3A_139 = arith.constant 304 : index
      %swap3A_140 = tpu.vector_load %arg8[%swap3A_139] {strides = array<i32>} : memref<1152xf32, #tpu.memory_space<vmem>>, vector<16xf32>,
      tpu.vector_store %arg8[%swap3A_139], %gather3A_138 {strides = array<i32>} : memref<1152xf32, #tpu.memory_space<vmem>>, vector<16xf32>,
      %get3A_141 = arith.constant 320 : index
      %get3A_142 = tpu.vector_load %arg5[%get3A_141] {strides = array<i32>} : memref<1152xi32, #tpu.memory_space<vmem>>, vector<16xi32>,
      %gather3A_143 = tpu.vector_load_idx %arg6[%get3A_142] : memref<50258xf32, #tpu.memory_space<vmem>>[vector<16xi32>], vector<16xf32>,
      %swap3A_144 = arith.constant 320 : index
      %swap3A_145 = tpu.vector_load %arg8[%swap3A_144] {strides = array<i32>} : memref<1152xf32, #tpu.memory_space<vmem>>, vector<16xf32>,
      tpu.vector_store %arg8[%swap3A_144], %gather3A_143 {strides = array<i32>} : memref<1152xf32, #tpu.memory_space<vmem>>, vector<16xf32>,
      %get3A_146 = arith.constant 336 : index
      %get3A_147 = tpu.vector_load %arg5[%get3A_146] {strides = array<i32>} : memref<1152xi32, #tpu.memory_space<vmem>>, vector<16xi32>,
      %gather3A_148 = tpu.vector_load_idx %arg6[%get3A_147] : memref<50258xf32, #tpu.memory_space<vmem>>[vector<16xi32>], vector<16xf32>,
      %swap3A_149 = arith.constant 336 : index
      %swap3A_150 = tpu.vector_load %arg8[%swap3A_149] {strides = array<i32>} : memref<1152xf32, #tpu.memory_space<vmem>>, vector<16xf32>,
      tpu.vector_store %arg8[%swap3A_149], %gather3A_148 {strides = array<i32>} : memref<1152xf32, #tpu.memory_space<vmem>>, vector<16xf32>,
      %get3A_151 = arith.constant 352 : index
      %get3A_152 = tpu.vector_load %arg5[%get3A_151] {strides = array<i32>} : memref<1152xi32, #tpu.memory_space<vmem>>, vector<16xi32>,
      %gather3A_153 = tpu.vector_load_idx %arg6[%get3A_152] : memref<50258xf32, #tpu.memory_space<vmem>>[vector<16xi32>], vector<16xf32>,
      %swap3A_154 = arith.constant 352 : index
      %swap3A_155 = tpu.vector_load %arg8[%swap3A_154] {strides = array<i32>} : memref<1152xf32, #tpu.memory_space<vmem>>, vector<16xf32>,
      tpu.vector_store %arg8[%swap3A_154], %gather3A_153 {strides = array<i32>} : memref<1152xf32, #tpu.memory_space<vmem>>, vector<16xf32>,
      %get3A_156 = arith.constant 368 : index
      %get3A_157 = tpu.vector_load %arg5[%get3A_156] {strides = array<i32>} : memref<1152xi32, #tpu.memory_space<vmem>>, vector<16xi32>,
      %gather3A_158 = tpu.vector_load_idx %arg6[%get3A_157] : memref<50258xf32, #tpu.memory_space<vmem>>[vector<16xi32>], vector<16xf32>,
      %swap3A_159 = arith.constant 368 : index
      %swap3A_160 = tpu.vector_load %arg8[%swap3A_159] {strides = array<i32>} : memref<1152xf32, #tpu.memory_space<vmem>>, vector<16xf32>,
      tpu.vector_store %arg8[%swap3A_159], %gather3A_158 {strides = array<i32>} : memref<1152xf32, #tpu.memory_space<vmem>>, vector<16xf32>,
      %get3A_161 = arith.constant 384 : index
      %get3A_162 = tpu.vector_load %arg5[%get3A_161] {strides = array<i32>} : memref<1152xi32, #tpu.memory_space<vmem>>, vector<16xi32>,
      %gather3A_163 = tpu.vector_load_idx %arg6[%get3A_162] : memref<50258xf32, #tpu.memory_space<vmem>>[vector<16xi32>], vector<16xf32>,
      %swap3A_164 = arith.constant 384 : index
      %swap3A_165 = tpu.vector_load %arg8[%swap3A_164] {strides = array<i32>} : memref<1152xf32, #tpu.memory_space<vmem>>, vector<16xf32>,
      tpu.vector_store %arg8[%swap3A_164], %gather3A_163 {strides = array<i32>} : memref<1152xf32, #tpu.memory_space<vmem>>, vector<16xf32>,
      %get3A_166 = arith.constant 400 : index
      %get3A_167 = tpu.vector_load %arg5[%get3A_166] {strides = array<i32>} : memref<1152xi32, #tpu.memory_space<vmem>>, vector<16xi32>,
      %gather3A_168 = tpu.vector_load_idx %arg6[%get3A_167] : memref<50258xf32, #tpu.memory_space<vmem>>[vector<16xi32>], vector<16xf32>,
      %swap3A_169 = arith.constant 400 : index
      %swap3A_170 = tpu.vector_load %arg8[%swap3A_169] {strides = array<i32>} : memref<1152xf32, #tpu.memory_space<vmem>>, vector<16xf32>,
      tpu.vector_store %arg8[%swap3A_169], %gather3A_168 {strides = array<i32>} : memref<1152xf32, #tpu.memory_space<vmem>>, vector<16xf32>,
      %get3A_171 = arith.constant 416 : index
      %get3A_172 = tpu.vector_load %arg5[%get3A_171] {strides = array<i32>} : memref<1152xi32, #tpu.memory_space<vmem>>, vector<16xi32>,
      %gather3A_173 = tpu.vector_load_idx %arg6[%get3A_172] : memref<50258xf32, #tpu.memory_space<vmem>>[vector<16xi32>], vector<16xf32>,
      %swap3A_174 = arith.constant 416 : index
      %swap3A_175 = tpu.vector_load %arg8[%swap3A_174] {strides = array<i32>} : memref<1152xf32, #tpu.memory_space<vmem>>, vector<16xf32>,
      tpu.vector_store %arg8[%swap3A_174], %gather3A_173 {strides = array<i32>} : memref<1152xf32, #tpu.memory_space<vmem>>, vector<16xf32>,
      %get3A_176 = arith.constant 432 : index
      %get3A_177 = tpu.vector_load %arg5[%get3A_176] {strides = array<i32>} : memref<1152xi32, #tpu.memory_space<vmem>>, vector<16xi32>,
      %gather3A_178 = tpu.vector_load_idx %arg6[%get3A_177] : memref<50258xf32, #tpu.memory_space<vmem>>[vector<16xi32>], vector<16xf32>,
      %swap3A_179 = arith.constant 432 : index
      %swap3A_180 = tpu.vector_load %arg8[%swap3A_179] {strides = array<i32>} : memref<1152xf32, #tpu.memory_space<vmem>>, vector<16xf32>,
      tpu.vector_store %arg8[%swap3A_179], %gather3A_178 {strides = array<i32>} : memref<1152xf32, #tpu.memory_space<vmem>>, vector<16xf32>,
      %get3A_181 = arith.constant 448 : index
      %get3A_182 = tpu.vector_load %arg5[%get3A_181] {strides = array<i32>} : memref<1152xi32, #tpu.memory_space<vmem>>, vector<16xi32>,
      %gather3A_183 = tpu.vector_load_idx %arg6[%get3A_182] : memref<50258xf32, #tpu.memory_space<vmem>>[vector<16xi32>], vector<16xf32>,
      %swap3A_184 = arith.constant 448 : index
      %swap3A_185 = tpu.vector_load %arg8[%swap3A_184] {strides = array<i32>} : memref<1152xf32, #tpu.memory_space<vmem>>, vector<16xf32>,
      tpu.vector_store %arg8[%swap3A_184], %gather3A_183 {strides = array<i32>} : memref<1152xf32, #tpu.memory_space<vmem>>, vector<16xf32>,
      %get3A_186 = arith.constant 464 : index
      %get3A_187 = tpu.vector_load %arg5[%get3A_186] {strides = array<i32>} : memref<1152xi32, #tpu.memory_space<vmem>>, vector<16xi32>,
      %gather3A_188 = tpu.vector_load_idx %arg6[%get3A_187] : memref<50258xf32, #tpu.memory_space<vmem>>[vector<16xi32>], vector<16xf32>,
      %swap3A_189 = arith.constant 464 : index
      %swap3A_190 = tpu.vector_load %arg8[%swap3A_189] {strides = array<i32>} : memref<1152xf32, #tpu.memory_space<vmem>>, vector<16xf32>,
      tpu.vector_store %arg8[%swap3A_189], %gather3A_188 {strides = array<i32>} : memref<1152xf32, #tpu.memory_space<vmem>>, vector<16xf32>,
      %get3A_191 = arith.constant 480 : index
      %get3A_192 = tpu.vector_load %arg5[%get3A_191] {strides = array<i32>} : memref<1152xi32, #tpu.memory_space<vmem>>, vector<16xi32>,
      %gather3A_193 = tpu.vector_load_idx %arg6[%get3A_192] : memref<50258xf32, #tpu.memory_space<vmem>>[vector<16xi32>], vector<16xf32>,
      %swap3A_194 = arith.constant 480 : index
      %swap3A_195 = tpu.vector_load %arg8[%swap3A_194] {strides = array<i32>} : memref<1152xf32, #tpu.memory_space<vmem>>, vector<16xf32>,
      tpu.vector_store %arg8[%swap3A_194], %gather3A_193 {strides = array<i32>} : memref<1152xf32, #tpu.memory_space<vmem>>, vector<16xf32>,
      %get3A_196 = arith.constant 496 : index
      %get3A_197 = tpu.vector_load %arg5[%get3A_196] {strides = array<i32>} : memref<1152xi32, #tpu.memory_space<vmem>>, vector<16xi32>,
      %gather3A_198 = tpu.vector_load_idx %arg6[%get3A_197] : memref<50258xf32, #tpu.memory_space<vmem>>[vector<16xi32>], vector<16xf32>,
      %swap3A_199 = arith.constant 496 : index
      %swap3A_200 = tpu.vector_load %arg8[%swap3A_199] {strides = array<i32>} : memref<1152xf32, #tpu.memory_space<vmem>>, vector<16xf32>,
      tpu.vector_store %arg8[%swap3A_199], %gather3A_198 {strides = array<i32>} : memref<1152xf32, #tpu.memory_space<vmem>>, vector<16xf32>,
      %get3A_201 = arith.constant 512 : index
      %get3A_202 = tpu.vector_load %arg5[%get3A_201] {strides = array<i32>} : memref<1152xi32, #tpu.memory_space<vmem>>, vector<16xi32>,
      %gather3A_203 = tpu.vector_load_idx %arg6[%get3A_202] : memref<50258xf32, #tpu.memory_space<vmem>>[vector<16xi32>], vector<16xf32>,
      %swap3A_204 = arith.constant 512 : index
      %swap3A_205 = tpu.vector_load %arg8[%swap3A_204] {strides = array<i32>} : memref<1152xf32, #tpu.memory_space<vmem>>, vector<16xf32>,
      tpu.vector_store %arg8[%swap3A_204], %gather3A_203 {strides = array<i32>} : memref<1152xf32, #tpu.memory_space<vmem>>, vector<16xf32>,
      %get3A_206 = arith.constant 528 : index
      %get3A_207 = tpu.vector_load %arg5[%get3A_206] {strides = array<i32>} : memref<1152xi32, #tpu.memory_space<vmem>>, vector<16xi32>,
      %gather3A_208 = tpu.vector_load_idx %arg6[%get3A_207] : memref<50258xf32, #tpu.memory_space<vmem>>[vector<16xi32>], vector<16xf32>,
      %swap3A_209 = arith.constant 528 : index
      %swap3A_210 = tpu.vector_load %arg8[%swap3A_209] {strides = array<i32>} : memref<1152xf32, #tpu.memory_space<vmem>>, vector<16xf32>,
      tpu.vector_store %arg8[%swap3A_209], %gather3A_208 {strides = array<i32>} : memref<1152xf32, #tpu.memory_space<vmem>>, vector<16xf32>,
      %get3A_211 = arith.constant 544 : index
      %get3A_212 = tpu.vector_load %arg5[%get3A_211] {strides = array<i32>} : memref<1152xi32, #tpu.memory_space<vmem>>, vector<16xi32>,
      %gather3A_213 = tpu.vector_load_idx %arg6[%get3A_212] : memref<50258xf32, #tpu.memory_space<vmem>>[vector<16xi32>], vector<16xf32>,
      %swap3A_214 = arith.constant 544 : index
      %swap3A_215 = tpu.vector_load %arg8[%swap3A_214] {strides = array<i32>} : memref<1152xf32, #tpu.memory_space<vmem>>, vector<16xf32>,
      tpu.vector_store %arg8[%swap3A_214], %gather3A_213 {strides = array<i32>} : memref<1152xf32, #tpu.memory_space<vmem>>, vector<16xf32>,
      %get3A_216 = arith.constant 560 : index
      %get3A_217 = tpu.vector_load %arg5[%get3A_216] {strides = array<i32>} : memref<1152xi32, #tpu.memory_space<vmem>>, vector<16xi32>,
      %gather3A_218 = tpu.vector_load_idx %arg6[%get3A_217] : memref<50258xf32, #tpu.memory_space<vmem>>[vector<16xi32>], vector<16xf32>,
      %swap3A_219 = arith.constant 560 : index
      %swap3A_220 = tpu.vector_load %arg8[%swap3A_219] {strides = array<i32>} : memref<1152xf32, #tpu.memory_space<vmem>>, vector<16xf32>,
      tpu.vector_store %arg8[%swap3A_219], %gather3A_218 {strides = array<i32>} : memref<1152xf32, #tpu.memory_space<vmem>>, vector<16xf32>,
      %get3A_221 = arith.constant 576 : index
      %get3A_222 = tpu.vector_load %arg5[%get3A_221] {strides = array<i32>} : memref<1152xi32, #tpu.memory_space<vmem>>, vector<16xi32>,
      %gather3A_223 = tpu.vector_load_idx %arg6[%get3A_222] : memref<50258xf32, #tpu.memory_space<vmem>>[vector<16xi32>], vector<16xf32>,
      %swap3A_224 = arith.constant 576 : index
      %swap3A_225 = tpu.vector_load %arg8[%swap3A_224] {strides = array<i32>} : memref<1152xf32, #tpu.memory_space<vmem>>, vector<16xf32>,
      tpu.vector_store %arg8[%swap3A_224], %gather3A_223 {strides = array<i32>} : memref<1152xf32, #tpu.memory_space<vmem>>, vector<16xf32>,
      %get3A_226 = arith.constant 592 : index
      %get3A_227 = tpu.vector_load %arg5[%get3A_226] {strides = array<i32>} : memref<1152xi32, #tpu.memory_space<vmem>>, vector<16xi32>,
      %gather3A_228 = tpu.vector_load_idx %arg6[%get3A_227] : memref<50258xf32, #tpu.memory_space<vmem>>[vector<16xi32>], vector<16xf32>,
      %swap3A_229 = arith.constant 592 : index
      %swap3A_230 = tpu.vector_load %arg8[%swap3A_229] {strides = array<i32>} : memref<1152xf32, #tpu.memory_space<vmem>>, vector<16xf32>,
      tpu.vector_store %arg8[%swap3A_229], %gather3A_228 {strides = array<i32>} : memref<1152xf32, #tpu.memory_space<vmem>>, vector<16xf32>,
      %get3A_231 = arith.constant 608 : index
      %get3A_232 = tpu.vector_load %arg5[%get3A_231] {strides = array<i32>} : memref<1152xi32, #tpu.memory_space<vmem>>, vector<16xi32>,
      %gather3A_233 = tpu.vector_load_idx %arg6[%get3A_232] : memref<50258xf32, #tpu.memory_space<vmem>>[vector<16xi32>], vector<16xf32>,
      %swap3A_234 = arith.constant 608 : index
      %swap3A_235 = tpu.vector_load %arg8[%swap3A_234] {strides = array<i32>} : memref<1152xf32, #tpu.memory_space<vmem>>, vector<16xf32>,
      tpu.vector_store %arg8[%swap3A_234], %gather3A_233 {strides = array<i32>} : memref<1152xf32, #tpu.memory_space<vmem>>, vector<16xf32>,
      %get3A_236 = arith.constant 624 : index
      %get3A_237 = tpu.vector_load %arg5[%get3A_236] {strides = array<i32>} : memref<1152xi32, #tpu.memory_space<vmem>>, vector<16xi32>,
      %gather3A_238 = tpu.vector_load_idx %arg6[%get3A_237] : memref<50258xf32, #tpu.memory_space<vmem>>[vector<16xi32>], vector<16xf32>,
      %swap3A_239 = arith.constant 624 : index
      %swap3A_240 = tpu.vector_load %arg8[%swap3A_239] {strides = array<i32>} : memref<1152xf32, #tpu.memory_space<vmem>>, vector<16xf32>,
      tpu.vector_store %arg8[%swap3A_239], %gather3A_238 {strides = array<i32>} : memref<1152xf32, #tpu.memory_space<vmem>>, vector<16xf32>,
      %get3A_241 = arith.constant 640 : index
      %get3A_242 = tpu.vector_load %arg5[%get3A_241] {strides = array<i32>} : memref<1152xi32, #tpu.memory_space<vmem>>, vector<16xi32>,
      %gather3A_243 = tpu.vector_load_idx %arg6[%get3A_242] : memref<50258xf32, #tpu.memory_space<vmem>>[vector<16xi32>], vector<16xf32>,
      %swap3A_244 = arith.constant 640 : index
      %swap3A_245 = tpu.vector_load %arg8[%swap3A_244] {strides = array<i32>} : memref<1152xf32, #tpu.memory_space<vmem>>, vector<16xf32>,
      tpu.vector_store %arg8[%swap3A_244], %gather3A_243 {strides = array<i32>} : memref<1152xf32, #tpu.memory_space<vmem>>, vector<16xf32>,
      %get3A_246 = arith.constant 656 : index
      %get3A_247 = tpu.vector_load %arg5[%get3A_246] {strides = array<i32>} : memref<1152xi32, #tpu.memory_space<vmem>>, vector<16xi32>,
      %gather3A_248 = tpu.vector_load_idx %arg6[%get3A_247] : memref<50258xf32, #tpu.memory_space<vmem>>[vector<16xi32>], vector<16xf32>,
      %swap3A_249 = arith.constant 656 : index
      %swap3A_250 = tpu.vector_load %arg8[%swap3A_249] {strides = array<i32>} : memref<1152xf32, #tpu.memory_space<vmem>>, vector<16xf32>,
      tpu.vector_store %arg8[%swap3A_249], %gather3A_248 {strides = array<i32>} : memref<1152xf32, #tpu.memory_space<vmem>>, vector<16xf32>,
      %get3A_251 = arith.constant 672 : index
      %get3A_252 = tpu.vector_load %arg5[%get3A_251] {strides = array<i32>} : memref<1152xi32, #tpu.memory_space<vmem>>, vector<16xi32>,
      %gather3A_253 = tpu.vector_load_idx %arg6[%get3A_252] : memref<50258xf32, #tpu.memory_space<vmem>>[vector<16xi32>], vector<16xf32>,
      %swap3A_254 = arith.constant 672 : index
      %swap3A_255 = tpu.vector_load %arg8[%swap3A_254] {strides = array<i32>} : memref<1152xf32, #tpu.memory_space<vmem>>, vector<16xf32>,
      tpu.vector_store %arg8[%swap3A_254], %gather3A_253 {strides = array<i32>} : memref<1152xf32, #tpu.memory_space<vmem>>, vector<16xf32>,
      %get3A_256 = arith.constant 688 : index
      %get3A_257 = tpu.vector_load %arg5[%get3A_256] {strides = array<i32>} : memref<1152xi32, #tpu.memory_space<vmem>>, vector<16xi32>,
      %gather3A_258 = tpu.vector_load_idx %arg6[%get3A_257] : memref<50258xf32, #tpu.memory_space<vmem>>[vector<16xi32>], vector<16xf32>,
      %swap3A_259 = arith.constant 688 : index
      %swap3A_260 = tpu.vector_load %arg8[%swap3A_259] {strides = array<i32>} : memref<1152xf32, #tpu.memory_space<vmem>>, vector<16xf32>,
      tpu.vector_store %arg8[%swap3A_259], %gather3A_258 {strides = array<i32>} : memref<1152xf32, #tpu.memory_space<vmem>>, vector<16xf32>,
      %get3A_261 = arith.constant 704 : index
      %get3A_262 = tpu.vector_load %arg5[%get3A_261] {strides = array<i32>} : memref<1152xi32, #tpu.memory_space<vmem>>, vector<16xi32>,
      %gather3A_263 = tpu.vector_load_idx %arg6[%get3A_262] : memref<50258xf32, #tpu.memory_space<vmem>>[vector<16xi32>], vector<16xf32>,
      %swap3A_264 = arith.constant 704 : index
      %swap3A_265 = tpu.vector_load %arg8[%swap3A_264] {strides = array<i32>} : memref<1152xf32, #tpu.memory_space<vmem>>, vector<16xf32>,
      tpu.vector_store %arg8[%swap3A_264], %gather3A_263 {strides = array<i32>} : memref<1152xf32, #tpu.memory_space<vmem>>, vector<16xf32>,
      %get3A_266 = arith.constant 720 : index
      %get3A_267 = tpu.vector_load %arg5[%get3A_266] {strides = array<i32>} : memref<1152xi32, #tpu.memory_space<vmem>>, vector<16xi32>,
      %gather3A_268 = tpu.vector_load_idx %arg6[%get3A_267] : memref<50258xf32, #tpu.memory_space<vmem>>[vector<16xi32>], vector<16xf32>,
      %swap3A_269 = arith.constant 720 : index
      %swap3A_270 = tpu.vector_load %arg8[%swap3A_269] {strides = array<i32>} : memref<1152xf32, #tpu.memory_space<vmem>>, vector<16xf32>,
      tpu.vector_store %arg8[%swap3A_269], %gather3A_268 {strides = array<i32>} : memref<1152xf32, #tpu.memory_space<vmem>>, vector<16xf32>,
      %get3A_271 = arith.constant 736 : index
      %get3A_272 = tpu.vector_load %arg5[%get3A_271] {strides = array<i32>} : memref<1152xi32, #tpu.memory_space<vmem>>, vector<16xi32>,
      %gather3A_273 = tpu.vector_load_idx %arg6[%get3A_272] : memref<50258xf32, #tpu.memory_space<vmem>>[vector<16xi32>], vector<16xf32>,
      %swap3A_274 = arith.constant 736 : index
      %swap3A_275 = tpu.vector_load %arg8[%swap3A_274] {strides = array<i32>} : memref<1152xf32, #tpu.memory_space<vmem>>, vector<16xf32>,
      tpu.vector_store %arg8[%swap3A_274], %gather3A_273 {strides = array<i32>} : memref<1152xf32, #tpu.memory_space<vmem>>, vector<16xf32>,
      %get3A_276 = arith.constant 752 : index
      %get3A_277 = tpu.vector_load %arg5[%get3A_276] {strides = array<i32>} : memref<1152xi32, #tpu.memory_space<vmem>>, vector<16xi32>,
      %gather3A_278 = tpu.vector_load_idx %arg6[%get3A_277] : memref<50258xf32, #tpu.memory_space<vmem>>[vector<16xi32>], vector<16xf32>,
      %swap3A_279 = arith.constant 752 : index
      %swap3A_280 = tpu.vector_load %arg8[%swap3A_279] {strides = array<i32>} : memref<1152xf32, #tpu.memory_space<vmem>>, vector<16xf32>,
      tpu.vector_store %arg8[%swap3A_279], %gather3A_278 {strides = array<i32>} : memref<1152xf32, #tpu.memory_space<vmem>>, vector<16xf32>,
      %get3A_281 = arith.constant 768 : index
      %get3A_282 = tpu.vector_load %arg5[%get3A_281] {strides = array<i32>} : memref<1152xi32, #tpu.memory_space<vmem>>, vector<16xi32>,
      %gather3A_283 = tpu.vector_load_idx %arg6[%get3A_282] : memref<50258xf32, #tpu.memory_space<vmem>>[vector<16xi32>], vector<16xf32>,
      %swap3A_284 = arith.constant 768 : index
      %swap3A_285 = tpu.vector_load %arg8[%swap3A_284] {strides = array<i32>} : memref<1152xf32, #tpu.memory_space<vmem>>, vector<16xf32>,
      tpu.vector_store %arg8[%swap3A_284], %gather3A_283 {strides = array<i32>} : memref<1152xf32, #tpu.memory_space<vmem>>, vector<16xf32>,
      %get3A_286 = arith.constant 784 : index
      %get3A_287 = tpu.vector_load %arg5[%get3A_286] {strides = array<i32>} : memref<1152xi32, #tpu.memory_space<vmem>>, vector<16xi32>,
      %gather3A_288 = tpu.vector_load_idx %arg6[%get3A_287] : memref<50258xf32, #tpu.memory_space<vmem>>[vector<16xi32>], vector<16xf32>,
      %swap3A_289 = arith.constant 784 : index
      %swap3A_290 = tpu.vector_load %arg8[%swap3A_289] {strides = array<i32>} : memref<1152xf32, #tpu.memory_space<vmem>>, vector<16xf32>,
      tpu.vector_store %arg8[%swap3A_289], %gather3A_288 {strides = array<i32>} : memref<1152xf32, #tpu.memory_space<vmem>>, vector<16xf32>,
      %get3A_291 = arith.constant 800 : index
      %get3A_292 = tpu.vector_load %arg5[%get3A_291] {strides = array<i32>} : memref<1152xi32, #tpu.memory_space<vmem>>, vector<16xi32>,
      %gather3A_293 = tpu.vector_load_idx %arg6[%get3A_292] : memref<50258xf32, #tpu.memory_space<vmem>>[vector<16xi32>], vector<16xf32>,
      %swap3A_294 = arith.constant 800 : index
      %swap3A_295 = tpu.vector_load %arg8[%swap3A_294] {strides = array<i32>} : memref<1152xf32, #tpu.memory_space<vmem>>, vector<16xf32>,
      tpu.vector_store %arg8[%swap3A_294], %gather3A_293 {strides = array<i32>} : memref<1152xf32, #tpu.memory_space<vmem>>, vector<16xf32>,
      %get3A_296 = arith.constant 816 : index
      %get3A_297 = tpu.vector_load %arg5[%get3A_296] {strides = array<i32>} : memref<1152xi32, #tpu.memory_space<vmem>>, vector<16xi32>,
      %gather3A_298 = tpu.vector_load_idx %arg6[%get3A_297] : memref<50258xf32, #tpu.memory_space<vmem>>[vector<16xi32>], vector<16xf32>,
      %swap3A_299 = arith.constant 816 : index
      %swap3A_300 = tpu.vector_load %arg8[%swap3A_299] {strides = array<i32>} : memref<1152xf32, #tpu.memory_space<vmem>>, vector<16xf32>,
      tpu.vector_store %arg8[%swap3A_299], %gather3A_298 {strides = array<i32>} : memref<1152xf32, #tpu.memory_space<vmem>>, vector<16xf32>,
      %get3A_301 = arith.constant 832 : index
      %get3A_302 = tpu.vector_load %arg5[%get3A_301] {strides = array<i32>} : memref<1152xi32, #tpu.memory_space<vmem>>, vector<16xi32>,
      %gather3A_303 = tpu.vector_load_idx %arg6[%get3A_302] : memref<50258xf32, #tpu.memory_space<vmem>>[vector<16xi32>], vector<16xf32>,
      %swap3A_304 = arith.constant 832 : index
      %swap3A_305 = tpu.vector_load %arg8[%swap3A_304] {strides = array<i32>} : memref<1152xf32, #tpu.memory_space<vmem>>, vector<16xf32>,
      tpu.vector_store %arg8[%swap3A_304], %gather3A_303 {strides = array<i32>} : memref<1152xf32, #tpu.memory_space<vmem>>, vector<16xf32>,
      %get3A_306 = arith.constant 848 : index
      %get3A_307 = tpu.vector_load %arg5[%get3A_306] {strides = array<i32>} : memref<1152xi32, #tpu.memory_space<vmem>>, vector<16xi32>,
      %gather3A_308 = tpu.vector_load_idx %arg6[%get3A_307] : memref<50258xf32, #tpu.memory_space<vmem>>[vector<16xi32>], vector<16xf32>,
      %swap3A_309 = arith.constant 848 : index
      %swap3A_310 = tpu.vector_load %arg8[%swap3A_309] {strides = array<i32>} : memref<1152xf32, #tpu.memory_space<vmem>>, vector<16xf32>,
      tpu.vector_store %arg8[%swap3A_309], %gather3A_308 {strides = array<i32>} : memref<1152xf32, #tpu.memory_space<vmem>>, vector<16xf32>,
      %get3A_311 = arith.constant 864 : index
      %get3A_312 = tpu.vector_load %arg5[%get3A_311] {strides = array<i32>} : memref<1152xi32, #tpu.memory_space<vmem>>, vector<16xi32>,
      %gather3A_313 = tpu.vector_load_idx %arg6[%get3A_312] : memref<50258xf32, #tpu.memory_space<vmem>>[vector<16xi32>], vector<16xf32>,
      %swap3A_314 = arith.constant 864 : index
      %swap3A_315 = tpu.vector_load %arg8[%swap3A_314] {strides = array<i32>} : memref<1152xf32, #tpu.memory_space<vmem>>, vector<16xf32>,
      tpu.vector_store %arg8[%swap3A_314], %gather3A_313 {strides = array<i32>} : memref<1152xf32, #tpu.memory_space<vmem>>, vector<16xf32>,
      %get3A_316 = arith.constant 880 : index
      %get3A_317 = tpu.vector_load %arg5[%get3A_316] {strides = array<i32>} : memref<1152xi32, #tpu.memory_space<vmem>>, vector<16xi32>,
      %gather3A_318 = tpu.vector_load_idx %arg6[%get3A_317] : memref<50258xf32, #tpu.memory_space<vmem>>[vector<16xi32>], vector<16xf32>,
      %swap3A_319 = arith.constant 880 : index
      %swap3A_320 = tpu.vector_load %arg8[%swap3A_319] {strides = array<i32>} : memref<1152xf32, #tpu.memory_space<vmem>>, vector<16xf32>,
      tpu.vector_store %arg8[%swap3A_319], %gather3A_318 {strides = array<i32>} : memref<1152xf32, #tpu.memory_space<vmem>>, vector<16xf32>,
      %get3A_321 = arith.constant 896 : index
      %get3A_322 = tpu.vector_load %arg5[%get3A_321] {strides = array<i32>} : memref<1152xi32, #tpu.memory_space<vmem>>, vector<16xi32>,
      %gather3A_323 = tpu.vector_load_idx %arg6[%get3A_322] : memref<50258xf32, #tpu.memory_space<vmem>>[vector<16xi32>], vector<16xf32>,
      %swap3A_324 = arith.constant 896 : index
      %swap3A_325 = tpu.vector_load %arg8[%swap3A_324] {strides = array<i32>} : memref<1152xf32, #tpu.memory_space<vmem>>, vector<16xf32>,
      tpu.vector_store %arg8[%swap3A_324], %gather3A_323 {strides = array<i32>} : memref<1152xf32, #tpu.memory_space<vmem>>, vector<16xf32>,
      %get3A_326 = arith.constant 912 : index
      %get3A_327 = tpu.vector_load %arg5[%get3A_326] {strides = array<i32>} : memref<1152xi32, #tpu.memory_space<vmem>>, vector<16xi32>,
      %gather3A_328 = tpu.vector_load_idx %arg6[%get3A_327] : memref<50258xf32, #tpu.memory_space<vmem>>[vector<16xi32>], vector<16xf32>,
      %swap3A_329 = arith.constant 912 : index
      %swap3A_330 = tpu.vector_load %arg8[%swap3A_329] {strides = array<i32>} : memref<1152xf32, #tpu.memory_space<vmem>>, vector<16xf32>,
      tpu.vector_store %arg8[%swap3A_329], %gather3A_328 {strides = array<i32>} : memref<1152xf32, #tpu.memory_space<vmem>>, vector<16xf32>,
      %get3A_331 = arith.constant 928 : index
      %get3A_332 = tpu.vector_load %arg5[%get3A_331] {strides = array<i32>} : memref<1152xi32, #tpu.memory_space<vmem>>, vector<16xi32>,
      %gather3A_333 = tpu.vector_load_idx %arg6[%get3A_332] : memref<50258xf32, #tpu.memory_space<vmem>>[vector<16xi32>], vector<16xf32>,
      %swap3A_334 = arith.constant 928 : index
      %swap3A_335 = tpu.vector_load %arg8[%swap3A_334] {strides = array<i32>} : memref<1152xf32, #tpu.memory_space<vmem>>, vector<16xf32>,
      tpu.vector_store %arg8[%swap3A_334], %gather3A_333 {strides = array<i32>} : memref<1152xf32, #tpu.memory_space<vmem>>, vector<16xf32>,
      %get3A_336 = arith.constant 944 : index
      %get3A_337 = tpu.vector_load %arg5[%get3A_336] {strides = array<i32>} : memref<1152xi32, #tpu.memory_space<vmem>>, vector<16xi32>,
      %gather3A_338 = tpu.vector_load_idx %arg6[%get3A_337] : memref<50258xf32, #tpu.memory_space<vmem>>[vector<16xi32>], vector<16xf32>,
      %swap3A_339 = arith.constant 944 : index
      %swap3A_340 = tpu.vector_load %arg8[%swap3A_339] {strides = array<i32>} : memref<1152xf32, #tpu.memory_space<vmem>>, vector<16xf32>,
      tpu.vector_store %arg8[%swap3A_339], %gather3A_338 {strides = array<i32>} : memref<1152xf32, #tpu.memory_space<vmem>>, vector<16xf32>,
      %get3A_341 = arith.constant 960 : index
      %get3A_342 = tpu.vector_load %arg5[%get3A_341] {strides = array<i32>} : memref<1152xi32, #tpu.memory_space<vmem>>, vector<16xi32>,
      %gather3A_343 = tpu.vector_load_idx %arg6[%get3A_342] : memref<50258xf32, #tpu.memory_space<vmem>>[vector<16xi32>], vector<16xf32>,
      %swap3A_344 = arith.constant 960 : index
      %swap3A_345 = tpu.vector_load %arg8[%swap3A_344] {strides = array<i32>} : memref<1152xf32, #tpu.memory_space<vmem>>, vector<16xf32>,
      tpu.vector_store %arg8[%swap3A_344], %gather3A_343 {strides = array<i32>} : memref<1152xf32, #tpu.memory_space<vmem>>, vector<16xf32>,
      %get3A_346 = arith.constant 976 : index
      %get3A_347 = tpu.vector_load %arg5[%get3A_346] {strides = array<i32>} : memref<1152xi32, #tpu.memory_space<vmem>>, vector<16xi32>,
      %gather3A_348 = tpu.vector_load_idx %arg6[%get3A_347] : memref<50258xf32, #tpu.memory_space<vmem>>[vector<16xi32>], vector<16xf32>,
      %swap3A_349 = arith.constant 976 : index
      %swap3A_350 = tpu.vector_load %arg8[%swap3A_349] {strides = array<i32>} : memref<1152xf32, #tpu.memory_space<vmem>>, vector<16xf32>,
      tpu.vector_store %arg8[%swap3A_349], %gather3A_348 {strides = array<i32>} : memref<1152xf32, #tpu.memory_space<vmem>>, vector<16xf32>,
      %get3A_351 = arith.constant 992 : index
      %get3A_352 = tpu.vector_load %arg5[%get3A_351] {strides = array<i32>} : memref<1152xi32, #tpu.memory_space<vmem>>, vector<16xi32>,
      %gather3A_353 = tpu.vector_load_idx %arg6[%get3A_352] : memref<50258xf32, #tpu.memory_space<vmem>>[vector<16xi32>], vector<16xf32>,
      %swap3A_354 = arith.constant 992 : index
      %swap3A_355 = tpu.vector_load %arg8[%swap3A_354] {strides = array<i32>} : memref<1152xf32, #tpu.memory_space<vmem>>, vector<16xf32>,
      tpu.vector_store %arg8[%swap3A_354], %gather3A_353 {strides = array<i32>} : memref<1152xf32, #tpu.memory_space<vmem>>, vector<16xf32>,
      %get3A_356 = arith.constant 1008 : index
      %get3A_357 = tpu.vector_load %arg5[%get3A_356] {strides = array<i32>} : memref<1152xi32, #tpu.memory_space<vmem>>, vector<16xi32>,
      %gather3A_358 = tpu.vector_load_idx %arg6[%get3A_357] : memref<50258xf32, #tpu.memory_space<vmem>>[vector<16xi32>], vector<16xf32>,
      %swap3A_359 = arith.constant 1008 : index
      %swap3A_360 = tpu.vector_load %arg8[%swap3A_359] {strides = array<i32>} : memref<1152xf32, #tpu.memory_space<vmem>>, vector<16xf32>,
      tpu.vector_store %arg8[%swap3A_359], %gather3A_358 {strides = array<i32>} : memref<1152xf32, #tpu.memory_space<vmem>>, vector<16xf32>,
      %get3A_361 = arith.constant 1024 : index
      %get3A_362 = tpu.vector_load %arg5[%get3A_361] {strides = array<i32>} : memref<1152xi32, #tpu.memory_space<vmem>>, vector<16xi32>,
      %gather3A_363 = tpu.vector_load_idx %arg6[%get3A_362] : memref<50258xf32, #tpu.memory_space<vmem>>[vector<16xi32>], vector<16xf32>,
      %swap3A_364 = arith.constant 1024 : index
      %swap3A_365 = tpu.vector_load %arg8[%swap3A_364] {strides = array<i32>} : memref<1152xf32, #tpu.memory_space<vmem>>, vector<16xf32>,
      tpu.vector_store %arg8[%swap3A_364], %gather3A_363 {strides = array<i32>} : memref<1152xf32, #tpu.memory_space<vmem>>, vector<16xf32>,
      %get3A_366 = arith.constant 1040 : index
      %get3A_367 = tpu.vector_load %arg5[%get3A_366] {strides = array<i32>} : memref<1152xi32, #tpu.memory_space<vmem>>, vector<16xi32>,
      %gather3A_368 = tpu.vector_load_idx %arg6[%get3A_367] : memref<50258xf32, #tpu.memory_space<vmem>>[vector<16xi32>], vector<16xf32>,
      %swap3A_369 = arith.constant 1040 : index
      %swap3A_370 = tpu.vector_load %arg8[%swap3A_369] {strides = array<i32>} : memref<1152xf32, #tpu.memory_space<vmem>>, vector<16xf32>,
      tpu.vector_store %arg8[%swap3A_369], %gather3A_368 {strides = array<i32>} : memref<1152xf32, #tpu.memory_space<vmem>>, vector<16xf32>,
      %get3A_371 = arith.constant 1056 : index
      %get3A_372 = tpu.vector_load %arg5[%get3A_371] {strides = array<i32>} : memref<1152xi32, #tpu.memory_space<vmem>>, vector<16xi32>,
      %gather3A_373 = tpu.vector_load_idx %arg6[%get3A_372] : memref<50258xf32, #tpu.memory_space<vmem>>[vector<16xi32>], vector<16xf32>,
      %swap3A_374 = arith.constant 1056 : index
      %swap3A_375 = tpu.vector_load %arg8[%swap3A_374] {strides = array<i32>} : memref<1152xf32, #tpu.memory_space<vmem>>, vector<16xf32>,
      tpu.vector_store %arg8[%swap3A_374], %gather3A_373 {strides = array<i32>} : memref<1152xf32, #tpu.memory_space<vmem>>, vector<16xf32>,
      %get3A_376 = arith.constant 1072 : index
      %get3A_377 = tpu.vector_load %arg5[%get3A_376] {strides = array<i32>} : memref<1152xi32, #tpu.memory_space<vmem>>, vector<16xi32>,
      %gather3A_378 = tpu.vector_load_idx %arg6[%get3A_377] : memref<50258xf32, #tpu.memory_space<vmem>>[vector<16xi32>], vector<16xf32>,
      %swap3A_379 = arith.constant 1072 : index
      %swap3A_380 = tpu.vector_load %arg8[%swap3A_379] {strides = array<i32>} : memref<1152xf32, #tpu.memory_space<vmem>>, vector<16xf32>,
      tpu.vector_store %arg8[%swap3A_379], %gather3A_378 {strides = array<i32>} : memref<1152xf32, #tpu.memory_space<vmem>>, vector<16xf32>,
      %get3A_381 = arith.constant 1088 : index
      %get3A_382 = tpu.vector_load %arg5[%get3A_381] {strides = array<i32>} : memref<1152xi32, #tpu.memory_space<vmem>>, vector<16xi32>,
      %gather3A_383 = tpu.vector_load_idx %arg6[%get3A_382] : memref<50258xf32, #tpu.memory_space<vmem>>[vector<16xi32>], vector<16xf32>,
      %swap3A_384 = arith.constant 1088 : index
      %swap3A_385 = tpu.vector_load %arg8[%swap3A_384] {strides = array<i32>} : memref<1152xf32, #tpu.memory_space<vmem>>, vector<16xf32>,
      tpu.vector_store %arg8[%swap3A_384], %gather3A_383 {strides = array<i32>} : memref<1152xf32, #tpu.memory_space<vmem>>, vector<16xf32>,
      %get3A_386 = arith.constant 1104 : index
      %get3A_387 = tpu.vector_load %arg5[%get3A_386] {strides = array<i32>} : memref<1152xi32, #tpu.memory_space<vmem>>, vector<16xi32>,
      %gather3A_388 = tpu.vector_load_idx %arg6[%get3A_387] : memref<50258xf32, #tpu.memory_space<vmem>>[vector<16xi32>], vector<16xf32>,
      %swap3A_389 = arith.constant 1104 : index
      %swap3A_390 = tpu.vector_load %arg8[%swap3A_389] {strides = array<i32>} : memref<1152xf32, #tpu.memory_space<vmem>>, vector<16xf32>,
      tpu.vector_store %arg8[%swap3A_389], %gather3A_388 {strides = array<i32>} : memref<1152xf32, #tpu.memory_space<vmem>>, vector<16xf32>,
      %get3A_391 = arith.constant 1120 : index
      %get3A_392 = tpu.vector_load %arg5[%get3A_391] {strides = array<i32>} : memref<1152xi32, #tpu.memory_space<vmem>>, vector<16xi32>,
      %gather3A_393 = tpu.vector_load_idx %arg6[%get3A_392] : memref<50258xf32, #tpu.memory_space<vmem>>[vector<16xi32>], vector<16xf32>,
      %swap3A_394 = arith.constant 1120 : index
      %swap3A_395 = tpu.vector_load %arg8[%swap3A_394] {strides = array<i32>} : memref<1152xf32, #tpu.memory_space<vmem>>, vector<16xf32>,
      tpu.vector_store %arg8[%swap3A_394], %gather3A_393 {strides = array<i32>} : memref<1152xf32, #tpu.memory_space<vmem>>, vector<16xf32>,
      %get3A_396 = arith.constant 1136 : index
      %get3A_397 = tpu.vector_load %arg5[%get3A_396] {strides = array<i32>} : memref<1152xi32, #tpu.memory_space<vmem>>, vector<16xi32>,
      %gather3A_398 = tpu.vector_load_idx %arg6[%get3A_397] : memref<50258xf32, #tpu.memory_space<vmem>>[vector<16xi32>], vector<16xf32>,
      %swap3A_399 = arith.constant 1136 : index
      %swap3A_400 = tpu.vector_load %arg8[%swap3A_399] {strides = array<i32>} : memref<1152xf32, #tpu.memory_space<vmem>>, vector<16xf32>,
      tpu.vector_store %arg8[%swap3A_399], %gather3A_398 {strides = array<i32>} : memref<1152xf32, #tpu.memory_space<vmem>>, vector<16xf32>,
      "tpu.region"() ({
        %run_scoped3A = tpu.sem_alloc : memref<!tpu.dma_semaphore, #tpu.memory_space<semaphore_mem>>
        %dma_start3A_769 = arith.constant 0 : i32
        %dma_start3A_770 = tpu.memref_slice %arg4[%add3A_30, %dma_start3A_769] : memref<1024x1152xf32, #tpu.memory_space<hbm>> -> memref<1x1152xf32, #tpu.memory_space<hbm>>
        %dma_start3A_771 = tpu.memref_squeeze %dma_start3A_770 : memref<1x1152xf32, #tpu.memory_space<hbm>> -> memref<1152xf32, #tpu.memory_space<hbm>>
        %dma_start3A_772 = arith.constant 0 : i32
        %dma_start3A_773 = tpu.memref_slice %arg4[%add3A_30, %dma_start3A_772] : memref<1024x1152xf32, #tpu.memory_space<hbm>> -> memref<1x1152xf32, #tpu.memory_space<hbm>>
        %dma_start3A_774 = tpu.memref_squeeze %dma_start3A_773 : memref<1x1152xf32, #tpu.memory_space<hbm>> -> memref<1152xf32, #tpu.memory_space<hbm>>
        tpu.enqueue_dma source(%arg8 : memref<1152xf32, #tpu.memory_space<vmem>>) target(%dma_start3A_774 : memref<1152xf32, #tpu.memory_space<hbm>>) target_semaphore(%run_scoped3A : memref<!tpu.dma_semaphore, #tpu.memory_space<semaphore_mem>>)
        %dma_wait3A_775 = arith.constant 0 : i32
        %dma_wait3A_776 = tpu.memref_slice %arg4[%add3A_30, %dma_wait3A_775] : memref<1024x1152xf32, #tpu.memory_space<hbm>> -> memref<1x1152xf32, #tpu.memory_space<hbm>>
        %dma_wait3A_777 = tpu.memref_squeeze %dma_wait3A_776 : memref<1x1152xf32, #tpu.memory_space<hbm>> -> memref<1152xf32, #tpu.memory_space<hbm>>
        %dma_wait3A_778 = arith.constant 0 : i32
        %dma_wait3A_779 = tpu.memref_slice %arg4[%add3A_30, %dma_wait3A_778] : memref<1024x1152xf32, #tpu.memory_space<hbm>> -> memref<1x1152xf32, #tpu.memory_space<hbm>>
        %dma_wait3A_780 = tpu.memref_squeeze %dma_wait3A_779 : memref<1x1152xf32, #tpu.memory_space<hbm>> -> memref<1152xf32, #tpu.memory_space<hbm>>
        tpu.wait_dma2 semaphore(%run_scoped3A : memref<!tpu.dma_semaphore, #tpu.memory_space<semaphore_mem>>) src(%arg8 : memref<1152xf32, #tpu.memory_space<vmem>>) dst(%dma_wait3A_780 : memref<1152xf32, #tpu.memory_space<hbm>>)
        tpu.yield
      }) : () -> ()
      %lt3A = arith.constant 15 : i32
      %lt3A_401 = arith.cmpi slt, %add3A_27, %lt3A : i32
      %convert_element_type3A = arith.extui %lt3A_401 : i1 to i32
      %cond3A = arith.constant 0 : i32
      %cond3A_402 = arith.cmpi ne, %convert_element_type3A, %cond3A : i32
      scf.if %cond3A_402 {
        %add3A_769 = arith.constant 2 : i32
        %add3A_770 = arith.addi %add3A_30, %add3A_769 : i32
        %dma_start3A_771 = arith.constant 0 : i32
        %dma_start3A_772 = tpu.memref_slice %arg2[%add3A_770, %dma_start3A_771] : memref<1024x50258xf32, #tpu.memory_space<hbm>> -> memref<1x50258xf32, #tpu.memory_space<hbm>>
        %dma_start3A_773 = tpu.memref_squeeze %dma_start3A_772 : memref<1x50258xf32, #tpu.memory_space<hbm>> -> memref<50258xf32, #tpu.memory_space<hbm>>
        %dma_start3A_774 = arith.constant 0 : i32
        %dma_start3A_775 = tpu.memref_slice %arg2[%add3A_770, %dma_start3A_774] : memref<1024x50258xf32, #tpu.memory_space<hbm>> -> memref<1x50258xf32, #tpu.memory_space<hbm>>
        %dma_start3A_776 = tpu.memref_squeeze %dma_start3A_775 : memref<1x50258xf32, #tpu.memory_space<hbm>> -> memref<50258xf32, #tpu.memory_space<hbm>>
        tpu.enqueue_dma source(%dma_start3A_776 : memref<50258xf32, #tpu.memory_space<hbm>>) target(%arg6 : memref<50258xf32, #tpu.memory_space<vmem>>) target_semaphore(%arg9 : memref<!tpu.dma_semaphore, #tpu.memory_space<semaphore_mem>>)
      } else {
      }
      %dma_wait3A_403 = arith.constant 0 : i32
      %dma_wait3A_404 = tpu.memref_slice %arg2[%add3A_32, %dma_wait3A_403] : memref<1024x50258xf32, #tpu.memory_space<hbm>> -> memref<1x50258xf32, #tpu.memory_space<hbm>>
      %dma_wait3A_405 = tpu.memref_squeeze %dma_wait3A_404 : memref<1x50258xf32, #tpu.memory_space<hbm>> -> memref<50258xf32, #tpu.memory_space<hbm>>
      %dma_wait3A_406 = arith.constant 0 : i32
      %dma_wait3A_407 = tpu.memref_slice %arg2[%add3A_32, %dma_wait3A_406] : memref<1024x50258xf32, #tpu.memory_space<hbm>> -> memref<1x50258xf32, #tpu.memory_space<hbm>>
      %dma_wait3A_408 = tpu.memref_squeeze %dma_wait3A_407 : memref<1x50258xf32, #tpu.memory_space<hbm>> -> memref<50258xf32, #tpu.memory_space<hbm>>
      tpu.wait_dma2 semaphore(%arg10 : memref<!tpu.dma_semaphore, #tpu.memory_space<semaphore_mem>>) src(%dma_wait3A_408 : memref<50258xf32, #tpu.memory_space<hbm>>) dst(%arg7 : memref<50258xf32, #tpu.memory_space<vmem>>)
      %get3A_409 = arith.constant 0 : index
      %get3A_410 = tpu.vector_load %arg5[%get3A_409] {strides = array<i32>} : memref<1152xi32, #tpu.memory_space<vmem>>, vector<16xi32>,
      %gather3A_411 = tpu.vector_load_idx %arg7[%get3A_410] : memref<50258xf32, #tpu.memory_space<vmem>>[vector<16xi32>], vector<16xf32>,
      %swap3A_412 = arith.constant 0 : index
      %swap3A_413 = tpu.vector_load %arg8[%swap3A_412] {strides = array<i32>} : memref<1152xf32, #tpu.memory_space<vmem>>, vector<16xf32>,
      tpu.vector_store %arg8[%swap3A_412], %gather3A_411 {strides = array<i32>} : memref<1152xf32, #tpu.memory_space<vmem>>, vector<16xf32>,
      %get3A_414 = arith.constant 16 : index
      %get3A_415 = tpu.vector_load %arg5[%get3A_414] {strides = array<i32>} : memref<1152xi32, #tpu.memory_space<vmem>>, vector<16xi32>,
      %gather3A_416 = tpu.vector_load_idx %arg7[%get3A_415] : memref<50258xf32, #tpu.memory_space<vmem>>[vector<16xi32>], vector<16xf32>,
      %swap3A_417 = arith.constant 16 : index
      %swap3A_418 = tpu.vector_load %arg8[%swap3A_417] {strides = array<i32>} : memref<1152xf32, #tpu.memory_space<vmem>>, vector<16xf32>,
      tpu.vector_store %arg8[%swap3A_417], %gather3A_416 {strides = array<i32>} : memref<1152xf32, #tpu.memory_space<vmem>>, vector<16xf32>,
      %get3A_419 = arith.constant 32 : index
      %get3A_420 = tpu.vector_load %arg5[%get3A_419] {strides = array<i32>} : memref<1152xi32, #tpu.memory_space<vmem>>, vector<16xi32>,
      %gather3A_421 = tpu.vector_load_idx %arg7[%get3A_420] : memref<50258xf32, #tpu.memory_space<vmem>>[vector<16xi32>], vector<16xf32>,
      %swap3A_422 = arith.constant 32 : index
      %swap3A_423 = tpu.vector_load %arg8[%swap3A_422] {strides = array<i32>} : memref<1152xf32, #tpu.memory_space<vmem>>, vector<16xf32>,
      tpu.vector_store %arg8[%swap3A_422], %gather3A_421 {strides = array<i32>} : memref<1152xf32, #tpu.memory_space<vmem>>, vector<16xf32>,
      %get3A_424 = arith.constant 48 : index
      %get3A_425 = tpu.vector_load %arg5[%get3A_424] {strides = array<i32>} : memref<1152xi32, #tpu.memory_space<vmem>>, vector<16xi32>,
      %gather3A_426 = tpu.vector_load_idx %arg7[%get3A_425] : memref<50258xf32, #tpu.memory_space<vmem>>[vector<16xi32>], vector<16xf32>,
      %swap3A_427 = arith.constant 48 : index
      %swap3A_428 = tpu.vector_load %arg8[%swap3A_427] {strides = array<i32>} : memref<1152xf32, #tpu.memory_space<vmem>>, vector<16xf32>,
      tpu.vector_store %arg8[%swap3A_427], %gather3A_426 {strides = array<i32>} : memref<1152xf32, #tpu.memory_space<vmem>>, vector<16xf32>,
      %get3A_429 = arith.constant 64 : index
      %get3A_430 = tpu.vector_load %arg5[%get3A_429] {strides = array<i32>} : memref<1152xi32, #tpu.memory_space<vmem>>, vector<16xi32>,
      %gather3A_431 = tpu.vector_load_idx %arg7[%get3A_430] : memref<50258xf32, #tpu.memory_space<vmem>>[vector<16xi32>], vector<16xf32>,
      %swap3A_432 = arith.constant 64 : index
      %swap3A_433 = tpu.vector_load %arg8[%swap3A_432] {strides = array<i32>} : memref<1152xf32, #tpu.memory_space<vmem>>, vector<16xf32>,
      tpu.vector_store %arg8[%swap3A_432], %gather3A_431 {strides = array<i32>} : memref<1152xf32, #tpu.memory_space<vmem>>, vector<16xf32>,
      %get3A_434 = arith.constant 80 : index
      %get3A_435 = tpu.vector_load %arg5[%get3A_434] {strides = array<i32>} : memref<1152xi32, #tpu.memory_space<vmem>>, vector<16xi32>,
      %gather3A_436 = tpu.vector_load_idx %arg7[%get3A_435] : memref<50258xf32, #tpu.memory_space<vmem>>[vector<16xi32>], vector<16xf32>,
      %swap3A_437 = arith.constant 80 : index
      %swap3A_438 = tpu.vector_load %arg8[%swap3A_437] {strides = array<i32>} : memref<1152xf32, #tpu.memory_space<vmem>>, vector<16xf32>,
      tpu.vector_store %arg8[%swap3A_437], %gather3A_436 {strides = array<i32>} : memref<1152xf32, #tpu.memory_space<vmem>>, vector<16xf32>,
      %get3A_439 = arith.constant 96 : index
      %get3A_440 = tpu.vector_load %arg5[%get3A_439] {strides = array<i32>} : memref<1152xi32, #tpu.memory_space<vmem>>, vector<16xi32>,
      %gather3A_441 = tpu.vector_load_idx %arg7[%get3A_440] : memref<50258xf32, #tpu.memory_space<vmem>>[vector<16xi32>], vector<16xf32>,
      %swap3A_442 = arith.constant 96 : index
      %swap3A_443 = tpu.vector_load %arg8[%swap3A_442] {strides = array<i32>} : memref<1152xf32, #tpu.memory_space<vmem>>, vector<16xf32>,
      tpu.vector_store %arg8[%swap3A_442], %gather3A_441 {strides = array<i32>} : memref<1152xf32, #tpu.memory_space<vmem>>, vector<16xf32>,
      %get3A_444 = arith.constant 112 : index
      %get3A_445 = tpu.vector_load %arg5[%get3A_444] {strides = array<i32>} : memref<1152xi32, #tpu.memory_space<vmem>>, vector<16xi32>,
      %gather3A_446 = tpu.vector_load_idx %arg7[%get3A_445] : memref<50258xf32, #tpu.memory_space<vmem>>[vector<16xi32>], vector<16xf32>,
      %swap3A_447 = arith.constant 112 : index
      %swap3A_448 = tpu.vector_load %arg8[%swap3A_447] {strides = array<i32>} : memref<1152xf32, #tpu.memory_space<vmem>>, vector<16xf32>,
      tpu.vector_store %arg8[%swap3A_447], %gather3A_446 {strides = array<i32>} : memref<1152xf32, #tpu.memory_space<vmem>>, vector<16xf32>,
      %get3A_449 = arith.constant 128 : index
      %get3A_450 = tpu.vector_load %arg5[%get3A_449] {strides = array<i32>} : memref<1152xi32, #tpu.memory_space<vmem>>, vector<16xi32>,
      %gather3A_451 = tpu.vector_load_idx %arg7[%get3A_450] : memref<50258xf32, #tpu.memory_space<vmem>>[vector<16xi32>], vector<16xf32>,
      %swap3A_452 = arith.constant 128 : index
      %swap3A_453 = tpu.vector_load %arg8[%swap3A_452] {strides = array<i32>} : memref<1152xf32, #tpu.memory_space<vmem>>, vector<16xf32>,
      tpu.vector_store %arg8[%swap3A_452], %gather3A_451 {strides = array<i32>} : memref<1152xf32, #tpu.memory_space<vmem>>, vector<16xf32>,
      %get3A_454 = arith.constant 144 : index
      %get3A_455 = tpu.vector_load %arg5[%get3A_454] {strides = array<i32>} : memref<1152xi32, #tpu.memory_space<vmem>>, vector<16xi32>,
      %gather3A_456 = tpu.vector_load_idx %arg7[%get3A_455] : memref<50258xf32, #tpu.memory_space<vmem>>[vector<16xi32>], vector<16xf32>,
      %swap3A_457 = arith.constant 144 : index
      %swap3A_458 = tpu.vector_load %arg8[%swap3A_457] {strides = array<i32>} : memref<1152xf32, #tpu.memory_space<vmem>>, vector<16xf32>,
      tpu.vector_store %arg8[%swap3A_457], %gather3A_456 {strides = array<i32>} : memref<1152xf32, #tpu.memory_space<vmem>>, vector<16xf32>,
      %get3A_459 = arith.constant 160 : index
      %get3A_460 = tpu.vector_load %arg5[%get3A_459] {strides = array<i32>} : memref<1152xi32, #tpu.memory_space<vmem>>, vector<16xi32>,
      %gather3A_461 = tpu.vector_load_idx %arg7[%get3A_460] : memref<50258xf32, #tpu.memory_space<vmem>>[vector<16xi32>], vector<16xf32>,
      %swap3A_462 = arith.constant 160 : index
      %swap3A_463 = tpu.vector_load %arg8[%swap3A_462] {strides = array<i32>} : memref<1152xf32, #tpu.memory_space<vmem>>, vector<16xf32>,
      tpu.vector_store %arg8[%swap3A_462], %gather3A_461 {strides = array<i32>} : memref<1152xf32, #tpu.memory_space<vmem>>, vector<16xf32>,
      %get3A_464 = arith.constant 176 : index
      %get3A_465 = tpu.vector_load %arg5[%get3A_464] {strides = array<i32>} : memref<1152xi32, #tpu.memory_space<vmem>>, vector<16xi32>,
      %gather3A_466 = tpu.vector_load_idx %arg7[%get3A_465] : memref<50258xf32, #tpu.memory_space<vmem>>[vector<16xi32>], vector<16xf32>,
      %swap3A_467 = arith.constant 176 : index
      %swap3A_468 = tpu.vector_load %arg8[%swap3A_467] {strides = array<i32>} : memref<1152xf32, #tpu.memory_space<vmem>>, vector<16xf32>,
      tpu.vector_store %arg8[%swap3A_467], %gather3A_466 {strides = array<i32>} : memref<1152xf32, #tpu.memory_space<vmem>>, vector<16xf32>,
      %get3A_469 = arith.constant 192 : index
      %get3A_470 = tpu.vector_load %arg5[%get3A_469] {strides = array<i32>} : memref<1152xi32, #tpu.memory_space<vmem>>, vector<16xi32>,
      %gather3A_471 = tpu.vector_load_idx %arg7[%get3A_470] : memref<50258xf32, #tpu.memory_space<vmem>>[vector<16xi32>], vector<16xf32>,
      %swap3A_472 = arith.constant 192 : index
      %swap3A_473 = tpu.vector_load %arg8[%swap3A_472] {strides = array<i32>} : memref<1152xf32, #tpu.memory_space<vmem>>, vector<16xf32>,
      tpu.vector_store %arg8[%swap3A_472], %gather3A_471 {strides = array<i32>} : memref<1152xf32, #tpu.memory_space<vmem>>, vector<16xf32>,
      %get3A_474 = arith.constant 208 : index
      %get3A_475 = tpu.vector_load %arg5[%get3A_474] {strides = array<i32>} : memref<1152xi32, #tpu.memory_space<vmem>>, vector<16xi32>,
      %gather3A_476 = tpu.vector_load_idx %arg7[%get3A_475] : memref<50258xf32, #tpu.memory_space<vmem>>[vector<16xi32>], vector<16xf32>,
      %swap3A_477 = arith.constant 208 : index
      %swap3A_478 = tpu.vector_load %arg8[%swap3A_477] {strides = array<i32>} : memref<1152xf32, #tpu.memory_space<vmem>>, vector<16xf32>,
      tpu.vector_store %arg8[%swap3A_477], %gather3A_476 {strides = array<i32>} : memref<1152xf32, #tpu.memory_space<vmem>>, vector<16xf32>,
      %get3A_479 = arith.constant 224 : index
      %get3A_480 = tpu.vector_load %arg5[%get3A_479] {strides = array<i32>} : memref<1152xi32, #tpu.memory_space<vmem>>, vector<16xi32>,
      %gather3A_481 = tpu.vector_load_idx %arg7[%get3A_480] : memref<50258xf32, #tpu.memory_space<vmem>>[vector<16xi32>], vector<16xf32>,
      %swap3A_482 = arith.constant 224 : index
      %swap3A_483 = tpu.vector_load %arg8[%swap3A_482] {strides = array<i32>} : memref<1152xf32, #tpu.memory_space<vmem>>, vector<16xf32>,
      tpu.vector_store %arg8[%swap3A_482], %gather3A_481 {strides = array<i32>} : memref<1152xf32, #tpu.memory_space<vmem>>, vector<16xf32>,
      %get3A_484 = arith.constant 240 : index
      %get3A_485 = tpu.vector_load %arg5[%get3A_484] {strides = array<i32>} : memref<1152xi32, #tpu.memory_space<vmem>>, vector<16xi32>,
      %gather3A_486 = tpu.vector_load_idx %arg7[%get3A_485] : memref<50258xf32, #tpu.memory_space<vmem>>[vector<16xi32>], vector<16xf32>,
      %swap3A_487 = arith.constant 240 : index
      %swap3A_488 = tpu.vector_load %arg8[%swap3A_487] {strides = array<i32>} : memref<1152xf32, #tpu.memory_space<vmem>>, vector<16xf32>,
      tpu.vector_store %arg8[%swap3A_487], %gather3A_486 {strides = array<i32>} : memref<1152xf32, #tpu.memory_space<vmem>>, vector<16xf32>,
      %get3A_489 = arith.constant 256 : index
      %get3A_490 = tpu.vector_load %arg5[%get3A_489] {strides = array<i32>} : memref<1152xi32, #tpu.memory_space<vmem>>, vector<16xi32>,
      %gather3A_491 = tpu.vector_load_idx %arg7[%get3A_490] : memref<50258xf32, #tpu.memory_space<vmem>>[vector<16xi32>], vector<16xf32>,
      %swap3A_492 = arith.constant 256 : index
      %swap3A_493 = tpu.vector_load %arg8[%swap3A_492] {strides = array<i32>} : memref<1152xf32, #tpu.memory_space<vmem>>, vector<16xf32>,
      tpu.vector_store %arg8[%swap3A_492], %gather3A_491 {strides = array<i32>} : memref<1152xf32, #tpu.memory_space<vmem>>, vector<16xf32>,
      %get3A_494 = arith.constant 272 : index
      %get3A_495 = tpu.vector_load %arg5[%get3A_494] {strides = array<i32>} : memref<1152xi32, #tpu.memory_space<vmem>>, vector<16xi32>,
      %gather3A_496 = tpu.vector_load_idx %arg7[%get3A_495] : memref<50258xf32, #tpu.memory_space<vmem>>[vector<16xi32>], vector<16xf32>,
      %swap3A_497 = arith.constant 272 : index
      %swap3A_498 = tpu.vector_load %arg8[%swap3A_497] {strides = array<i32>} : memref<1152xf32, #tpu.memory_space<vmem>>, vector<16xf32>,
      tpu.vector_store %arg8[%swap3A_497], %gather3A_496 {strides = array<i32>} : memref<1152xf32, #tpu.memory_space<vmem>>, vector<16xf32>,
      %get3A_499 = arith.constant 288 : index
      %get3A_500 = tpu.vector_load %arg5[%get3A_499] {strides = array<i32>} : memref<1152xi32, #tpu.memory_space<vmem>>, vector<16xi32>,
      %gather3A_501 = tpu.vector_load_idx %arg7[%get3A_500] : memref<50258xf32, #tpu.memory_space<vmem>>[vector<16xi32>], vector<16xf32>,
      %swap3A_502 = arith.constant 288 : index
      %swap3A_503 = tpu.vector_load %arg8[%swap3A_502] {strides = array<i32>} : memref<1152xf32, #tpu.memory_space<vmem>>, vector<16xf32>,
      tpu.vector_store %arg8[%swap3A_502], %gather3A_501 {strides = array<i32>} : memref<1152xf32, #tpu.memory_space<vmem>>, vector<16xf32>,
      %get3A_504 = arith.constant 304 : index
      %get3A_505 = tpu.vector_load %arg5[%get3A_504] {strides = array<i32>} : memref<1152xi32, #tpu.memory_space<vmem>>, vector<16xi32>,
      %gather3A_506 = tpu.vector_load_idx %arg7[%get3A_505] : memref<50258xf32, #tpu.memory_space<vmem>>[vector<16xi32>], vector<16xf32>,
      %swap3A_507 = arith.constant 304 : index
      %swap3A_508 = tpu.vector_load %arg8[%swap3A_507] {strides = array<i32>} : memref<1152xf32, #tpu.memory_space<vmem>>, vector<16xf32>,
      tpu.vector_store %arg8[%swap3A_507], %gather3A_506 {strides = array<i32>} : memref<1152xf32, #tpu.memory_space<vmem>>, vector<16xf32>,
      %get3A_509 = arith.constant 320 : index
      %get3A_510 = tpu.vector_load %arg5[%get3A_509] {strides = array<i32>} : memref<1152xi32, #tpu.memory_space<vmem>>, vector<16xi32>,
      %gather3A_511 = tpu.vector_load_idx %arg7[%get3A_510] : memref<50258xf32, #tpu.memory_space<vmem>>[vector<16xi32>], vector<16xf32>,
      %swap3A_512 = arith.constant 320 : index
      %swap3A_513 = tpu.vector_load %arg8[%swap3A_512] {strides = array<i32>} : memref<1152xf32, #tpu.memory_space<vmem>>, vector<16xf32>,
      tpu.vector_store %arg8[%swap3A_512], %gather3A_511 {strides = array<i32>} : memref<1152xf32, #tpu.memory_space<vmem>>, vector<16xf32>,
      %get3A_514 = arith.constant 336 : index
      %get3A_515 = tpu.vector_load %arg5[%get3A_514] {strides = array<i32>} : memref<1152xi32, #tpu.memory_space<vmem>>, vector<16xi32>,
      %gather3A_516 = tpu.vector_load_idx %arg7[%get3A_515] : memref<50258xf32, #tpu.memory_space<vmem>>[vector<16xi32>], vector<16xf32>,
      %swap3A_517 = arith.constant 336 : index
      %swap3A_518 = tpu.vector_load %arg8[%swap3A_517] {strides = array<i32>} : memref<1152xf32, #tpu.memory_space<vmem>>, vector<16xf32>,
      tpu.vector_store %arg8[%swap3A_517], %gather3A_516 {strides = array<i32>} : memref<1152xf32, #tpu.memory_space<vmem>>, vector<16xf32>,
      %get3A_519 = arith.constant 352 : index
      %get3A_520 = tpu.vector_load %arg5[%get3A_519] {strides = array<i32>} : memref<1152xi32, #tpu.memory_space<vmem>>, vector<16xi32>,
      %gather3A_521 = tpu.vector_load_idx %arg7[%get3A_520] : memref<50258xf32, #tpu.memory_space<vmem>>[vector<16xi32>], vector<16xf32>,
      %swap3A_522 = arith.constant 352 : index
      %swap3A_523 = tpu.vector_load %arg8[%swap3A_522] {strides = array<i32>} : memref<1152xf32, #tpu.memory_space<vmem>>, vector<16xf32>,
      tpu.vector_store %arg8[%swap3A_522], %gather3A_521 {strides = array<i32>} : memref<1152xf32, #tpu.memory_space<vmem>>, vector<16xf32>,
      %get3A_524 = arith.constant 368 : index
      %get3A_525 = tpu.vector_load %arg5[%get3A_524] {strides = array<i32>} : memref<1152xi32, #tpu.memory_space<vmem>>, vector<16xi32>,
      %gather3A_526 = tpu.vector_load_idx %arg7[%get3A_525] : memref<50258xf32, #tpu.memory_space<vmem>>[vector<16xi32>], vector<16xf32>,
      %swap3A_527 = arith.constant 368 : index
      %swap3A_528 = tpu.vector_load %arg8[%swap3A_527] {strides = array<i32>} : memref<1152xf32, #tpu.memory_space<vmem>>, vector<16xf32>,
      tpu.vector_store %arg8[%swap3A_527], %gather3A_526 {strides = array<i32>} : memref<1152xf32, #tpu.memory_space<vmem>>, vector<16xf32>,
      %get3A_529 = arith.constant 384 : index
      %get3A_530 = tpu.vector_load %arg5[%get3A_529] {strides = array<i32>} : memref<1152xi32, #tpu.memory_space<vmem>>, vector<16xi32>,
      %gather3A_531 = tpu.vector_load_idx %arg7[%get3A_530] : memref<50258xf32, #tpu.memory_space<vmem>>[vector<16xi32>], vector<16xf32>,
      %swap3A_532 = arith.constant 384 : index
      %swap3A_533 = tpu.vector_load %arg8[%swap3A_532] {strides = array<i32>} : memref<1152xf32, #tpu.memory_space<vmem>>, vector<16xf32>,
      tpu.vector_store %arg8[%swap3A_532], %gather3A_531 {strides = array<i32>} : memref<1152xf32, #tpu.memory_space<vmem>>, vector<16xf32>,
      %get3A_534 = arith.constant 400 : index
      %get3A_535 = tpu.vector_load %arg5[%get3A_534] {strides = array<i32>} : memref<1152xi32, #tpu.memory_space<vmem>>, vector<16xi32>,
      %gather3A_536 = tpu.vector_load_idx %arg7[%get3A_535] : memref<50258xf32, #tpu.memory_space<vmem>>[vector<16xi32>], vector<16xf32>,
      %swap3A_537 = arith.constant 400 : index
      %swap3A_538 = tpu.vector_load %arg8[%swap3A_537] {strides = array<i32>} : memref<1152xf32, #tpu.memory_space<vmem>>, vector<16xf32>,
      tpu.vector_store %arg8[%swap3A_537], %gather3A_536 {strides = array<i32>} : memref<1152xf32, #tpu.memory_space<vmem>>, vector<16xf32>,
      %get3A_539 = arith.constant 416 : index
      %get3A_540 = tpu.vector_load %arg5[%get3A_539] {strides = array<i32>} : memref<1152xi32, #tpu.memory_space<vmem>>, vector<16xi32>,
      %gather3A_541 = tpu.vector_load_idx %arg7[%get3A_540] : memref<50258xf32, #tpu.memory_space<vmem>>[vector<16xi32>], vector<16xf32>,
      %swap3A_542 = arith.constant 416 : index
      %swap3A_543 = tpu.vector_load %arg8[%swap3A_542] {strides = array<i32>} : memref<1152xf32, #tpu.memory_space<vmem>>, vector<16xf32>,
      tpu.vector_store %arg8[%swap3A_542], %gather3A_541 {strides = array<i32>} : memref<1152xf32, #tpu.memory_space<vmem>>, vector<16xf32>,
      %get3A_544 = arith.constant 432 : index
      %get3A_545 = tpu.vector_load %arg5[%get3A_544] {strides = array<i32>} : memref<1152xi32, #tpu.memory_space<vmem>>, vector<16xi32>,
      %gather3A_546 = tpu.vector_load_idx %arg7[%get3A_545] : memref<50258xf32, #tpu.memory_space<vmem>>[vector<16xi32>], vector<16xf32>,
      %swap3A_547 = arith.constant 432 : index
      %swap3A_548 = tpu.vector_load %arg8[%swap3A_547] {strides = array<i32>} : memref<1152xf32, #tpu.memory_space<vmem>>, vector<16xf32>,
      tpu.vector_store %arg8[%swap3A_547], %gather3A_546 {strides = array<i32>} : memref<1152xf32, #tpu.memory_space<vmem>>, vector<16xf32>,
      %get3A_549 = arith.constant 448 : index
      %get3A_550 = tpu.vector_load %arg5[%get3A_549] {strides = array<i32>} : memref<1152xi32, #tpu.memory_space<vmem>>, vector<16xi32>,
      %gather3A_551 = tpu.vector_load_idx %arg7[%get3A_550] : memref<50258xf32, #tpu.memory_space<vmem>>[vector<16xi32>], vector<16xf32>,
      %swap3A_552 = arith.constant 448 : index
      %swap3A_553 = tpu.vector_load %arg8[%swap3A_552] {strides = array<i32>} : memref<1152xf32, #tpu.memory_space<vmem>>, vector<16xf32>,
      tpu.vector_store %arg8[%swap3A_552], %gather3A_551 {strides = array<i32>} : memref<1152xf32, #tpu.memory_space<vmem>>, vector<16xf32>,
      %get3A_554 = arith.constant 464 : index
      %get3A_555 = tpu.vector_load %arg5[%get3A_554] {strides = array<i32>} : memref<1152xi32, #tpu.memory_space<vmem>>, vector<16xi32>,
      %gather3A_556 = tpu.vector_load_idx %arg7[%get3A_555] : memref<50258xf32, #tpu.memory_space<vmem>>[vector<16xi32>], vector<16xf32>,
      %swap3A_557 = arith.constant 464 : index
      %swap3A_558 = tpu.vector_load %arg8[%swap3A_557] {strides = array<i32>} : memref<1152xf32, #tpu.memory_space<vmem>>, vector<16xf32>,
      tpu.vector_store %arg8[%swap3A_557], %gather3A_556 {strides = array<i32>} : memref<1152xf32, #tpu.memory_space<vmem>>, vector<16xf32>,
      %get3A_559 = arith.constant 480 : index
      %get3A_560 = tpu.vector_load %arg5[%get3A_559] {strides = array<i32>} : memref<1152xi32, #tpu.memory_space<vmem>>, vector<16xi32>,
      %gather3A_561 = tpu.vector_load_idx %arg7[%get3A_560] : memref<50258xf32, #tpu.memory_space<vmem>>[vector<16xi32>], vector<16xf32>,
      %swap3A_562 = arith.constant 480 : index
      %swap3A_563 = tpu.vector_load %arg8[%swap3A_562] {strides = array<i32>} : memref<1152xf32, #tpu.memory_space<vmem>>, vector<16xf32>,
      tpu.vector_store %arg8[%swap3A_562], %gather3A_561 {strides = array<i32>} : memref<1152xf32, #tpu.memory_space<vmem>>, vector<16xf32>,
      %get3A_564 = arith.constant 496 : index
      %get3A_565 = tpu.vector_load %arg5[%get3A_564] {strides = array<i32>} : memref<1152xi32, #tpu.memory_space<vmem>>, vector<16xi32>,
      %gather3A_566 = tpu.vector_load_idx %arg7[%get3A_565] : memref<50258xf32, #tpu.memory_space<vmem>>[vector<16xi32>], vector<16xf32>,
      %swap3A_567 = arith.constant 496 : index
      %swap3A_568 = tpu.vector_load %arg8[%swap3A_567] {strides = array<i32>} : memref<1152xf32, #tpu.memory_space<vmem>>, vector<16xf32>,
      tpu.vector_store %arg8[%swap3A_567], %gather3A_566 {strides = array<i32>} : memref<1152xf32, #tpu.memory_space<vmem>>, vector<16xf32>,
      %get3A_569 = arith.constant 512 : index
      %get3A_570 = tpu.vector_load %arg5[%get3A_569] {strides = array<i32>} : memref<1152xi32, #tpu.memory_space<vmem>>, vector<16xi32>,
      %gather3A_571 = tpu.vector_load_idx %arg7[%get3A_570] : memref<50258xf32, #tpu.memory_space<vmem>>[vector<16xi32>], vector<16xf32>,
      %swap3A_572 = arith.constant 512 : index
      %swap3A_573 = tpu.vector_load %arg8[%swap3A_572] {strides = array<i32>} : memref<1152xf32, #tpu.memory_space<vmem>>, vector<16xf32>,
      tpu.vector_store %arg8[%swap3A_572], %gather3A_571 {strides = array<i32>} : memref<1152xf32, #tpu.memory_space<vmem>>, vector<16xf32>,
      %get3A_574 = arith.constant 528 : index
      %get3A_575 = tpu.vector_load %arg5[%get3A_574] {strides = array<i32>} : memref<1152xi32, #tpu.memory_space<vmem>>, vector<16xi32>,
      %gather3A_576 = tpu.vector_load_idx %arg7[%get3A_575] : memref<50258xf32, #tpu.memory_space<vmem>>[vector<16xi32>], vector<16xf32>,
      %swap3A_577 = arith.constant 528 : index
      %swap3A_578 = tpu.vector_load %arg8[%swap3A_577] {strides = array<i32>} : memref<1152xf32, #tpu.memory_space<vmem>>, vector<16xf32>,
      tpu.vector_store %arg8[%swap3A_577], %gather3A_576 {strides = array<i32>} : memref<1152xf32, #tpu.memory_space<vmem>>, vector<16xf32>,
      %get3A_579 = arith.constant 544 : index
      %get3A_580 = tpu.vector_load %arg5[%get3A_579] {strides = array<i32>} : memref<1152xi32, #tpu.memory_space<vmem>>, vector<16xi32>,
      %gather3A_581 = tpu.vector_load_idx %arg7[%get3A_580] : memref<50258xf32, #tpu.memory_space<vmem>>[vector<16xi32>], vector<16xf32>,
      %swap3A_582 = arith.constant 544 : index
      %swap3A_583 = tpu.vector_load %arg8[%swap3A_582] {strides = array<i32>} : memref<1152xf32, #tpu.memory_space<vmem>>, vector<16xf32>,
      tpu.vector_store %arg8[%swap3A_582], %gather3A_581 {strides = array<i32>} : memref<1152xf32, #tpu.memory_space<vmem>>, vector<16xf32>,
      %get3A_584 = arith.constant 560 : index
      %get3A_585 = tpu.vector_load %arg5[%get3A_584] {strides = array<i32>} : memref<1152xi32, #tpu.memory_space<vmem>>, vector<16xi32>,
      %gather3A_586 = tpu.vector_load_idx %arg7[%get3A_585] : memref<50258xf32, #tpu.memory_space<vmem>>[vector<16xi32>], vector<16xf32>,
      %swap3A_587 = arith.constant 560 : index
      %swap3A_588 = tpu.vector_load %arg8[%swap3A_587] {strides = array<i32>} : memref<1152xf32, #tpu.memory_space<vmem>>, vector<16xf32>,
      tpu.vector_store %arg8[%swap3A_587], %gather3A_586 {strides = array<i32>} : memref<1152xf32, #tpu.memory_space<vmem>>, vector<16xf32>,
      %get3A_589 = arith.constant 576 : index
      %get3A_590 = tpu.vector_load %arg5[%get3A_589] {strides = array<i32>} : memref<1152xi32, #tpu.memory_space<vmem>>, vector<16xi32>,
      %gather3A_591 = tpu.vector_load_idx %arg7[%get3A_590] : memref<50258xf32, #tpu.memory_space<vmem>>[vector<16xi32>], vector<16xf32>,
      %swap3A_592 = arith.constant 576 : index
      %swap3A_593 = tpu.vector_load %arg8[%swap3A_592] {strides = array<i32>} : memref<1152xf32, #tpu.memory_space<vmem>>, vector<16xf32>,
      tpu.vector_store %arg8[%swap3A_592], %gather3A_591 {strides = array<i32>} : memref<1152xf32, #tpu.memory_space<vmem>>, vector<16xf32>,
      %get3A_594 = arith.constant 592 : index
      %get3A_595 = tpu.vector_load %arg5[%get3A_594] {strides = array<i32>} : memref<1152xi32, #tpu.memory_space<vmem>>, vector<16xi32>,
      %gather3A_596 = tpu.vector_load_idx %arg7[%get3A_595] : memref<50258xf32, #tpu.memory_space<vmem>>[vector<16xi32>], vector<16xf32>,
      %swap3A_597 = arith.constant 592 : index
      %swap3A_598 = tpu.vector_load %arg8[%swap3A_597] {strides = array<i32>} : memref<1152xf32, #tpu.memory_space<vmem>>, vector<16xf32>,
      tpu.vector_store %arg8[%swap3A_597], %gather3A_596 {strides = array<i32>} : memref<1152xf32, #tpu.memory_space<vmem>>, vector<16xf32>,
      %get3A_599 = arith.constant 608 : index
      %get3A_600 = tpu.vector_load %arg5[%get3A_599] {strides = array<i32>} : memref<1152xi32, #tpu.memory_space<vmem>>, vector<16xi32>,
      %gather3A_601 = tpu.vector_load_idx %arg7[%get3A_600] : memref<50258xf32, #tpu.memory_space<vmem>>[vector<16xi32>], vector<16xf32>,
      %swap3A_602 = arith.constant 608 : index
      %swap3A_603 = tpu.vector_load %arg8[%swap3A_602] {strides = array<i32>} : memref<1152xf32, #tpu.memory_space<vmem>>, vector<16xf32>,
      tpu.vector_store %arg8[%swap3A_602], %gather3A_601 {strides = array<i32>} : memref<1152xf32, #tpu.memory_space<vmem>>, vector<16xf32>,
      %get3A_604 = arith.constant 624 : index
      %get3A_605 = tpu.vector_load %arg5[%get3A_604] {strides = array<i32>} : memref<1152xi32, #tpu.memory_space<vmem>>, vector<16xi32>,
      %gather3A_606 = tpu.vector_load_idx %arg7[%get3A_605] : memref<50258xf32, #tpu.memory_space<vmem>>[vector<16xi32>], vector<16xf32>,
      %swap3A_607 = arith.constant 624 : index
      %swap3A_608 = tpu.vector_load %arg8[%swap3A_607] {strides = array<i32>} : memref<1152xf32, #tpu.memory_space<vmem>>, vector<16xf32>,
      tpu.vector_store %arg8[%swap3A_607], %gather3A_606 {strides = array<i32>} : memref<1152xf32, #tpu.memory_space<vmem>>, vector<16xf32>,
      %get3A_609 = arith.constant 640 : index
      %get3A_610 = tpu.vector_load %arg5[%get3A_609] {strides = array<i32>} : memref<1152xi32, #tpu.memory_space<vmem>>, vector<16xi32>,
      %gather3A_611 = tpu.vector_load_idx %arg7[%get3A_610] : memref<50258xf32, #tpu.memory_space<vmem>>[vector<16xi32>], vector<16xf32>,
      %swap3A_612 = arith.constant 640 : index
      %swap3A_613 = tpu.vector_load %arg8[%swap3A_612] {strides = array<i32>} : memref<1152xf32, #tpu.memory_space<vmem>>, vector<16xf32>,
      tpu.vector_store %arg8[%swap3A_612], %gather3A_611 {strides = array<i32>} : memref<1152xf32, #tpu.memory_space<vmem>>, vector<16xf32>,
      %get3A_614 = arith.constant 656 : index
      %get3A_615 = tpu.vector_load %arg5[%get3A_614] {strides = array<i32>} : memref<1152xi32, #tpu.memory_space<vmem>>, vector<16xi32>,
      %gather3A_616 = tpu.vector_load_idx %arg7[%get3A_615] : memref<50258xf32, #tpu.memory_space<vmem>>[vector<16xi32>], vector<16xf32>,
      %swap3A_617 = arith.constant 656 : index
      %swap3A_618 = tpu.vector_load %arg8[%swap3A_617] {strides = array<i32>} : memref<1152xf32, #tpu.memory_space<vmem>>, vector<16xf32>,
      tpu.vector_store %arg8[%swap3A_617], %gather3A_616 {strides = array<i32>} : memref<1152xf32, #tpu.memory_space<vmem>>, vector<16xf32>,
      %get3A_619 = arith.constant 672 : index
      %get3A_620 = tpu.vector_load %arg5[%get3A_619] {strides = array<i32>} : memref<1152xi32, #tpu.memory_space<vmem>>, vector<16xi32>,
      %gather3A_621 = tpu.vector_load_idx %arg7[%get3A_620] : memref<50258xf32, #tpu.memory_space<vmem>>[vector<16xi32>], vector<16xf32>,
      %swap3A_622 = arith.constant 672 : index
      %swap3A_623 = tpu.vector_load %arg8[%swap3A_622] {strides = array<i32>} : memref<1152xf32, #tpu.memory_space<vmem>>, vector<16xf32>,
      tpu.vector_store %arg8[%swap3A_622], %gather3A_621 {strides = array<i32>} : memref<1152xf32, #tpu.memory_space<vmem>>, vector<16xf32>,
      %get3A_624 = arith.constant 688 : index
      %get3A_625 = tpu.vector_load %arg5[%get3A_624] {strides = array<i32>} : memref<1152xi32, #tpu.memory_space<vmem>>, vector<16xi32>,
      %gather3A_626 = tpu.vector_load_idx %arg7[%get3A_625] : memref<50258xf32, #tpu.memory_space<vmem>>[vector<16xi32>], vector<16xf32>,
      %swap3A_627 = arith.constant 688 : index
      %swap3A_628 = tpu.vector_load %arg8[%swap3A_627] {strides = array<i32>} : memref<1152xf32, #tpu.memory_space<vmem>>, vector<16xf32>,
      tpu.vector_store %arg8[%swap3A_627], %gather3A_626 {strides = array<i32>} : memref<1152xf32, #tpu.memory_space<vmem>>, vector<16xf32>,
      %get3A_629 = arith.constant 704 : index
      %get3A_630 = tpu.vector_load %arg5[%get3A_629] {strides = array<i32>} : memref<1152xi32, #tpu.memory_space<vmem>>, vector<16xi32>,
      %gather3A_631 = tpu.vector_load_idx %arg7[%get3A_630] : memref<50258xf32, #tpu.memory_space<vmem>>[vector<16xi32>], vector<16xf32>,
      %swap3A_632 = arith.constant 704 : index
      %swap3A_633 = tpu.vector_load %arg8[%swap3A_632] {strides = array<i32>} : memref<1152xf32, #tpu.memory_space<vmem>>, vector<16xf32>,
      tpu.vector_store %arg8[%swap3A_632], %gather3A_631 {strides = array<i32>} : memref<1152xf32, #tpu.memory_space<vmem>>, vector<16xf32>,
      %get3A_634 = arith.constant 720 : index
      %get3A_635 = tpu.vector_load %arg5[%get3A_634] {strides = array<i32>} : memref<1152xi32, #tpu.memory_space<vmem>>, vector<16xi32>,
      %gather3A_636 = tpu.vector_load_idx %arg7[%get3A_635] : memref<50258xf32, #tpu.memory_space<vmem>>[vector<16xi32>], vector<16xf32>,
      %swap3A_637 = arith.constant 720 : index
      %swap3A_638 = tpu.vector_load %arg8[%swap3A_637] {strides = array<i32>} : memref<1152xf32, #tpu.memory_space<vmem>>, vector<16xf32>,
      tpu.vector_store %arg8[%swap3A_637], %gather3A_636 {strides = array<i32>} : memref<1152xf32, #tpu.memory_space<vmem>>, vector<16xf32>,
      %get3A_639 = arith.constant 736 : index
      %get3A_640 = tpu.vector_load %arg5[%get3A_639] {strides = array<i32>} : memref<1152xi32, #tpu.memory_space<vmem>>, vector<16xi32>,
      %gather3A_641 = tpu.vector_load_idx %arg7[%get3A_640] : memref<50258xf32, #tpu.memory_space<vmem>>[vector<16xi32>], vector<16xf32>,
      %swap3A_642 = arith.constant 736 : index
      %swap3A_643 = tpu.vector_load %arg8[%swap3A_642] {strides = array<i32>} : memref<1152xf32, #tpu.memory_space<vmem>>, vector<16xf32>,
      tpu.vector_store %arg8[%swap3A_642], %gather3A_641 {strides = array<i32>} : memref<1152xf32, #tpu.memory_space<vmem>>, vector<16xf32>,
      %get3A_644 = arith.constant 752 : index
      %get3A_645 = tpu.vector_load %arg5[%get3A_644] {strides = array<i32>} : memref<1152xi32, #tpu.memory_space<vmem>>, vector<16xi32>,
      %gather3A_646 = tpu.vector_load_idx %arg7[%get3A_645] : memref<50258xf32, #tpu.memory_space<vmem>>[vector<16xi32>], vector<16xf32>,
      %swap3A_647 = arith.constant 752 : index
      %swap3A_648 = tpu.vector_load %arg8[%swap3A_647] {strides = array<i32>} : memref<1152xf32, #tpu.memory_space<vmem>>, vector<16xf32>,
      tpu.vector_store %arg8[%swap3A_647], %gather3A_646 {strides = array<i32>} : memref<1152xf32, #tpu.memory_space<vmem>>, vector<16xf32>,
      %get3A_649 = arith.constant 768 : index
      %get3A_650 = tpu.vector_load %arg5[%get3A_649] {strides = array<i32>} : memref<1152xi32, #tpu.memory_space<vmem>>, vector<16xi32>,
      %gather3A_651 = tpu.vector_load_idx %arg7[%get3A_650] : memref<50258xf32, #tpu.memory_space<vmem>>[vector<16xi32>], vector<16xf32>,
      %swap3A_652 = arith.constant 768 : index
      %swap3A_653 = tpu.vector_load %arg8[%swap3A_652] {strides = array<i32>} : memref<1152xf32, #tpu.memory_space<vmem>>, vector<16xf32>,
      tpu.vector_store %arg8[%swap3A_652], %gather3A_651 {strides = array<i32>} : memref<1152xf32, #tpu.memory_space<vmem>>, vector<16xf32>,
      %get3A_654 = arith.constant 784 : index
      %get3A_655 = tpu.vector_load %arg5[%get3A_654] {strides = array<i32>} : memref<1152xi32, #tpu.memory_space<vmem>>, vector<16xi32>,
      %gather3A_656 = tpu.vector_load_idx %arg7[%get3A_655] : memref<50258xf32, #tpu.memory_space<vmem>>[vector<16xi32>], vector<16xf32>,
      %swap3A_657 = arith.constant 784 : index
      %swap3A_658 = tpu.vector_load %arg8[%swap3A_657] {strides = array<i32>} : memref<1152xf32, #tpu.memory_space<vmem>>, vector<16xf32>,
      tpu.vector_store %arg8[%swap3A_657], %gather3A_656 {strides = array<i32>} : memref<1152xf32, #tpu.memory_space<vmem>>, vector<16xf32>,
      %get3A_659 = arith.constant 800 : index
      %get3A_660 = tpu.vector_load %arg5[%get3A_659] {strides = array<i32>} : memref<1152xi32, #tpu.memory_space<vmem>>, vector<16xi32>,
      %gather3A_661 = tpu.vector_load_idx %arg7[%get3A_660] : memref<50258xf32, #tpu.memory_space<vmem>>[vector<16xi32>], vector<16xf32>,
      %swap3A_662 = arith.constant 800 : index
      %swap3A_663 = tpu.vector_load %arg8[%swap3A_662] {strides = array<i32>} : memref<1152xf32, #tpu.memory_space<vmem>>, vector<16xf32>,
      tpu.vector_store %arg8[%swap3A_662], %gather3A_661 {strides = array<i32>} : memref<1152xf32, #tpu.memory_space<vmem>>, vector<16xf32>,
      %get3A_664 = arith.constant 816 : index
      %get3A_665 = tpu.vector_load %arg5[%get3A_664] {strides = array<i32>} : memref<1152xi32, #tpu.memory_space<vmem>>, vector<16xi32>,
      %gather3A_666 = tpu.vector_load_idx %arg7[%get3A_665] : memref<50258xf32, #tpu.memory_space<vmem>>[vector<16xi32>], vector<16xf32>,
      %swap3A_667 = arith.constant 816 : index
      %swap3A_668 = tpu.vector_load %arg8[%swap3A_667] {strides = array<i32>} : memref<1152xf32, #tpu.memory_space<vmem>>, vector<16xf32>,
      tpu.vector_store %arg8[%swap3A_667], %gather3A_666 {strides = array<i32>} : memref<1152xf32, #tpu.memory_space<vmem>>, vector<16xf32>,
      %get3A_669 = arith.constant 832 : index
      %get3A_670 = tpu.vector_load %arg5[%get3A_669] {strides = array<i32>} : memref<1152xi32, #tpu.memory_space<vmem>>, vector<16xi32>,
      %gather3A_671 = tpu.vector_load_idx %arg7[%get3A_670] : memref<50258xf32, #tpu.memory_space<vmem>>[vector<16xi32>], vector<16xf32>,
      %swap3A_672 = arith.constant 832 : index
      %swap3A_673 = tpu.vector_load %arg8[%swap3A_672] {strides = array<i32>} : memref<1152xf32, #tpu.memory_space<vmem>>, vector<16xf32>,
      tpu.vector_store %arg8[%swap3A_672], %gather3A_671 {strides = array<i32>} : memref<1152xf32, #tpu.memory_space<vmem>>, vector<16xf32>,
      %get3A_674 = arith.constant 848 : index
      %get3A_675 = tpu.vector_load %arg5[%get3A_674] {strides = array<i32>} : memref<1152xi32, #tpu.memory_space<vmem>>, vector<16xi32>,
      %gather3A_676 = tpu.vector_load_idx %arg7[%get3A_675] : memref<50258xf32, #tpu.memory_space<vmem>>[vector<16xi32>], vector<16xf32>,
      %swap3A_677 = arith.constant 848 : index
      %swap3A_678 = tpu.vector_load %arg8[%swap3A_677] {strides = array<i32>} : memref<1152xf32, #tpu.memory_space<vmem>>, vector<16xf32>,
      tpu.vector_store %arg8[%swap3A_677], %gather3A_676 {strides = array<i32>} : memref<1152xf32, #tpu.memory_space<vmem>>, vector<16xf32>,
      %get3A_679 = arith.constant 864 : index
      %get3A_680 = tpu.vector_load %arg5[%get3A_679] {strides = array<i32>} : memref<1152xi32, #tpu.memory_space<vmem>>, vector<16xi32>,
      %gather3A_681 = tpu.vector_load_idx %arg7[%get3A_680] : memref<50258xf32, #tpu.memory_space<vmem>>[vector<16xi32>], vector<16xf32>,
      %swap3A_682 = arith.constant 864 : index
      %swap3A_683 = tpu.vector_load %arg8[%swap3A_682] {strides = array<i32>} : memref<1152xf32, #tpu.memory_space<vmem>>, vector<16xf32>,
      tpu.vector_store %arg8[%swap3A_682], %gather3A_681 {strides = array<i32>} : memref<1152xf32, #tpu.memory_space<vmem>>, vector<16xf32>,
      %get3A_684 = arith.constant 880 : index
      %get3A_685 = tpu.vector_load %arg5[%get3A_684] {strides = array<i32>} : memref<1152xi32, #tpu.memory_space<vmem>>, vector<16xi32>,
      %gather3A_686 = tpu.vector_load_idx %arg7[%get3A_685] : memref<50258xf32, #tpu.memory_space<vmem>>[vector<16xi32>], vector<16xf32>,
      %swap3A_687 = arith.constant 880 : index
      %swap3A_688 = tpu.vector_load %arg8[%swap3A_687] {strides = array<i32>} : memref<1152xf32, #tpu.memory_space<vmem>>, vector<16xf32>,
      tpu.vector_store %arg8[%swap3A_687], %gather3A_686 {strides = array<i32>} : memref<1152xf32, #tpu.memory_space<vmem>>, vector<16xf32>,
      %get3A_689 = arith.constant 896 : index
      %get3A_690 = tpu.vector_load %arg5[%get3A_689] {strides = array<i32>} : memref<1152xi32, #tpu.memory_space<vmem>>, vector<16xi32>,
      %gather3A_691 = tpu.vector_load_idx %arg7[%get3A_690] : memref<50258xf32, #tpu.memory_space<vmem>>[vector<16xi32>], vector<16xf32>,
      %swap3A_692 = arith.constant 896 : index
      %swap3A_693 = tpu.vector_load %arg8[%swap3A_692] {strides = array<i32>} : memref<1152xf32, #tpu.memory_space<vmem>>, vector<16xf32>,
      tpu.vector_store %arg8[%swap3A_692], %gather3A_691 {strides = array<i32>} : memref<1152xf32, #tpu.memory_space<vmem>>, vector<16xf32>,
      %get3A_694 = arith.constant 912 : index
      %get3A_695 = tpu.vector_load %arg5[%get3A_694] {strides = array<i32>} : memref<1152xi32, #tpu.memory_space<vmem>>, vector<16xi32>,
      %gather3A_696 = tpu.vector_load_idx %arg7[%get3A_695] : memref<50258xf32, #tpu.memory_space<vmem>>[vector<16xi32>], vector<16xf32>,
      %swap3A_697 = arith.constant 912 : index
      %swap3A_698 = tpu.vector_load %arg8[%swap3A_697] {strides = array<i32>} : memref<1152xf32, #tpu.memory_space<vmem>>, vector<16xf32>,
      tpu.vector_store %arg8[%swap3A_697], %gather3A_696 {strides = array<i32>} : memref<1152xf32, #tpu.memory_space<vmem>>, vector<16xf32>,
      %get3A_699 = arith.constant 928 : index
      %get3A_700 = tpu.vector_load %arg5[%get3A_699] {strides = array<i32>} : memref<1152xi32, #tpu.memory_space<vmem>>, vector<16xi32>,
      %gather3A_701 = tpu.vector_load_idx %arg7[%get3A_700] : memref<50258xf32, #tpu.memory_space<vmem>>[vector<16xi32>], vector<16xf32>,
      %swap3A_702 = arith.constant 928 : index
      %swap3A_703 = tpu.vector_load %arg8[%swap3A_702] {strides = array<i32>} : memref<1152xf32, #tpu.memory_space<vmem>>, vector<16xf32>,
      tpu.vector_store %arg8[%swap3A_702], %gather3A_701 {strides = array<i32>} : memref<1152xf32, #tpu.memory_space<vmem>>, vector<16xf32>,
      %get3A_704 = arith.constant 944 : index
      %get3A_705 = tpu.vector_load %arg5[%get3A_704] {strides = array<i32>} : memref<1152xi32, #tpu.memory_space<vmem>>, vector<16xi32>,
      %gather3A_706 = tpu.vector_load_idx %arg7[%get3A_705] : memref<50258xf32, #tpu.memory_space<vmem>>[vector<16xi32>], vector<16xf32>,
      %swap3A_707 = arith.constant 944 : index
      %swap3A_708 = tpu.vector_load %arg8[%swap3A_707] {strides = array<i32>} : memref<1152xf32, #tpu.memory_space<vmem>>, vector<16xf32>,
      tpu.vector_store %arg8[%swap3A_707], %gather3A_706 {strides = array<i32>} : memref<1152xf32, #tpu.memory_space<vmem>>, vector<16xf32>,
      %get3A_709 = arith.constant 960 : index
      %get3A_710 = tpu.vector_load %arg5[%get3A_709] {strides = array<i32>} : memref<1152xi32, #tpu.memory_space<vmem>>, vector<16xi32>,
      %gather3A_711 = tpu.vector_load_idx %arg7[%get3A_710] : memref<50258xf32, #tpu.memory_space<vmem>>[vector<16xi32>], vector<16xf32>,
      %swap3A_712 = arith.constant 960 : index
      %swap3A_713 = tpu.vector_load %arg8[%swap3A_712] {strides = array<i32>} : memref<1152xf32, #tpu.memory_space<vmem>>, vector<16xf32>,
      tpu.vector_store %arg8[%swap3A_712], %gather3A_711 {strides = array<i32>} : memref<1152xf32, #tpu.memory_space<vmem>>, vector<16xf32>,
      %get3A_714 = arith.constant 976 : index
      %get3A_715 = tpu.vector_load %arg5[%get3A_714] {strides = array<i32>} : memref<1152xi32, #tpu.memory_space<vmem>>, vector<16xi32>,
      %gather3A_716 = tpu.vector_load_idx %arg7[%get3A_715] : memref<50258xf32, #tpu.memory_space<vmem>>[vector<16xi32>], vector<16xf32>,
      %swap3A_717 = arith.constant 976 : index
      %swap3A_718 = tpu.vector_load %arg8[%swap3A_717] {strides = array<i32>} : memref<1152xf32, #tpu.memory_space<vmem>>, vector<16xf32>,
      tpu.vector_store %arg8[%swap3A_717], %gather3A_716 {strides = array<i32>} : memref<1152xf32, #tpu.memory_space<vmem>>, vector<16xf32>,
      %get3A_719 = arith.constant 992 : index
      %get3A_720 = tpu.vector_load %arg5[%get3A_719] {strides = array<i32>} : memref<1152xi32, #tpu.memory_space<vmem>>, vector<16xi32>,
      %gather3A_721 = tpu.vector_load_idx %arg7[%get3A_720] : memref<50258xf32, #tpu.memory_space<vmem>>[vector<16xi32>], vector<16xf32>,
      %swap3A_722 = arith.constant 992 : index
      %swap3A_723 = tpu.vector_load %arg8[%swap3A_722] {strides = array<i32>} : memref<1152xf32, #tpu.memory_space<vmem>>, vector<16xf32>,
      tpu.vector_store %arg8[%swap3A_722], %gather3A_721 {strides = array<i32>} : memref<1152xf32, #tpu.memory_space<vmem>>, vector<16xf32>,
      %get3A_724 = arith.constant 1008 : index
      %get3A_725 = tpu.vector_load %arg5[%get3A_724] {strides = array<i32>} : memref<1152xi32, #tpu.memory_space<vmem>>, vector<16xi32>,
      %gather3A_726 = tpu.vector_load_idx %arg7[%get3A_725] : memref<50258xf32, #tpu.memory_space<vmem>>[vector<16xi32>], vector<16xf32>,
      %swap3A_727 = arith.constant 1008 : index
      %swap3A_728 = tpu.vector_load %arg8[%swap3A_727] {strides = array<i32>} : memref<1152xf32, #tpu.memory_space<vmem>>, vector<16xf32>,
      tpu.vector_store %arg8[%swap3A_727], %gather3A_726 {strides = array<i32>} : memref<1152xf32, #tpu.memory_space<vmem>>, vector<16xf32>,
      %get3A_729 = arith.constant 1024 : index
      %get3A_730 = tpu.vector_load %arg5[%get3A_729] {strides = array<i32>} : memref<1152xi32, #tpu.memory_space<vmem>>, vector<16xi32>,
      %gather3A_731 = tpu.vector_load_idx %arg7[%get3A_730] : memref<50258xf32, #tpu.memory_space<vmem>>[vector<16xi32>], vector<16xf32>,
      %swap3A_732 = arith.constant 1024 : index
      %swap3A_733 = tpu.vector_load %arg8[%swap3A_732] {strides = array<i32>} : memref<1152xf32, #tpu.memory_space<vmem>>, vector<16xf32>,
      tpu.vector_store %arg8[%swap3A_732], %gather3A_731 {strides = array<i32>} : memref<1152xf32, #tpu.memory_space<vmem>>, vector<16xf32>,
      %get3A_734 = arith.constant 1040 : index
      %get3A_735 = tpu.vector_load %arg5[%get3A_734] {strides = array<i32>} : memref<1152xi32, #tpu.memory_space<vmem>>, vector<16xi32>,
      %gather3A_736 = tpu.vector_load_idx %arg7[%get3A_735] : memref<50258xf32, #tpu.memory_space<vmem>>[vector<16xi32>], vector<16xf32>,
      %swap3A_737 = arith.constant 1040 : index
      %swap3A_738 = tpu.vector_load %arg8[%swap3A_737] {strides = array<i32>} : memref<1152xf32, #tpu.memory_space<vmem>>, vector<16xf32>,
      tpu.vector_store %arg8[%swap3A_737], %gather3A_736 {strides = array<i32>} : memref<1152xf32, #tpu.memory_space<vmem>>, vector<16xf32>,
      %get3A_739 = arith.constant 1056 : index
      %get3A_740 = tpu.vector_load %arg5[%get3A_739] {strides = array<i32>} : memref<1152xi32, #tpu.memory_space<vmem>>, vector<16xi32>,
      %gather3A_741 = tpu.vector_load_idx %arg7[%get3A_740] : memref<50258xf32, #tpu.memory_space<vmem>>[vector<16xi32>], vector<16xf32>,
      %swap3A_742 = arith.constant 1056 : index
      %swap3A_743 = tpu.vector_load %arg8[%swap3A_742] {strides = array<i32>} : memref<1152xf32, #tpu.memory_space<vmem>>, vector<16xf32>,
      tpu.vector_store %arg8[%swap3A_742], %gather3A_741 {strides = array<i32>} : memref<1152xf32, #tpu.memory_space<vmem>>, vector<16xf32>,
      %get3A_744 = arith.constant 1072 : index
      %get3A_745 = tpu.vector_load %arg5[%get3A_744] {strides = array<i32>} : memref<1152xi32, #tpu.memory_space<vmem>>, vector<16xi32>,
      %gather3A_746 = tpu.vector_load_idx %arg7[%get3A_745] : memref<50258xf32, #tpu.memory_space<vmem>>[vector<16xi32>], vector<16xf32>,
      %swap3A_747 = arith.constant 1072 : index
      %swap3A_748 = tpu.vector_load %arg8[%swap3A_747] {strides = array<i32>} : memref<1152xf32, #tpu.memory_space<vmem>>, vector<16xf32>,
      tpu.vector_store %arg8[%swap3A_747], %gather3A_746 {strides = array<i32>} : memref<1152xf32, #tpu.memory_space<vmem>>, vector<16xf32>,
      %get3A_749 = arith.constant 1088 : index
      %get3A_750 = tpu.vector_load %arg5[%get3A_749] {strides = array<i32>} : memref<1152xi32, #tpu.memory_space<vmem>>, vector<16xi32>,
      %gather3A_751 = tpu.vector_load_idx %arg7[%get3A_750] : memref<50258xf32, #tpu.memory_space<vmem>>[vector<16xi32>], vector<16xf32>,
      %swap3A_752 = arith.constant 1088 : index
      %swap3A_753 = tpu.vector_load %arg8[%swap3A_752] {strides = array<i32>} : memref<1152xf32, #tpu.memory_space<vmem>>, vector<16xf32>,
      tpu.vector_store %arg8[%swap3A_752], %gather3A_751 {strides = array<i32>} : memref<1152xf32, #tpu.memory_space<vmem>>, vector<16xf32>,
      %get3A_754 = arith.constant 1104 : index
      %get3A_755 = tpu.vector_load %arg5[%get3A_754] {strides = array<i32>} : memref<1152xi32, #tpu.memory_space<vmem>>, vector<16xi32>,
      %gather3A_756 = tpu.vector_load_idx %arg7[%get3A_755] : memref<50258xf32, #tpu.memory_space<vmem>>[vector<16xi32>], vector<16xf32>,
      %swap3A_757 = arith.constant 1104 : index
      %swap3A_758 = tpu.vector_load %arg8[%swap3A_757] {strides = array<i32>} : memref<1152xf32, #tpu.memory_space<vmem>>, vector<16xf32>,
      tpu.vector_store %arg8[%swap3A_757], %gather3A_756 {strides = array<i32>} : memref<1152xf32, #tpu.memory_space<vmem>>, vector<16xf32>,
      %get3A_759 = arith.constant 1120 : index
      %get3A_760 = tpu.vector_load %arg5[%get3A_759] {strides = array<i32>} : memref<1152xi32, #tpu.memory_space<vmem>>, vector<16xi32>,
      %gather3A_761 = tpu.vector_load_idx %arg7[%get3A_760] : memref<50258xf32, #tpu.memory_space<vmem>>[vector<16xi32>], vector<16xf32>,
      %swap3A_762 = arith.constant 1120 : index
      %swap3A_763 = tpu.vector_load %arg8[%swap3A_762] {strides = array<i32>} : memref<1152xf32, #tpu.memory_space<vmem>>, vector<16xf32>,
      tpu.vector_store %arg8[%swap3A_762], %gather3A_761 {strides = array<i32>} : memref<1152xf32, #tpu.memory_space<vmem>>, vector<16xf32>,
      %get3A_764 = arith.constant 1136 : index
      %get3A_765 = tpu.vector_load %arg5[%get3A_764] {strides = array<i32>} : memref<1152xi32, #tpu.memory_space<vmem>>, vector<16xi32>,
      %gather3A_766 = tpu.vector_load_idx %arg7[%get3A_765] : memref<50258xf32, #tpu.memory_space<vmem>>[vector<16xi32>], vector<16xf32>,
      %swap3A_767 = arith.constant 1136 : index
      %swap3A_768 = tpu.vector_load %arg8[%swap3A_767] {strides = array<i32>} : memref<1152xf32, #tpu.memory_space<vmem>>, vector<16xf32>,
      tpu.vector_store %arg8[%swap3A_767], %gather3A_766 {strides = array<i32>} : memref<1152xf32, #tpu.memory_space<vmem>>, vector<16xf32>,
      "tpu.region"() ({
        %run_scoped3A = tpu.sem_alloc : memref<!tpu.dma_semaphore, #tpu.memory_space<semaphore_mem>>
        %dma_start3A_769 = arith.constant 0 : i32
        %dma_start3A_770 = tpu.memref_slice %arg4[%add3A_32, %dma_start3A_769] : memref<1024x1152xf32, #tpu.memory_space<hbm>> -> memref<1x1152xf32, #tpu.memory_space<hbm>>
        %dma_start3A_771 = tpu.memref_squeeze %dma_start3A_770 : memref<1x1152xf32, #tpu.memory_space<hbm>> -> memref<1152xf32, #tpu.memory_space<hbm>>
        %dma_start3A_772 = arith.constant 0 : i32
        %dma_start3A_773 = tpu.memref_slice %arg4[%add3A_32, %dma_start3A_772] : memref<1024x1152xf32, #tpu.memory_space<hbm>> -> memref<1x1152xf32, #tpu.memory_space<hbm>>
        %dma_start3A_774 = tpu.memref_squeeze %dma_start3A_773 : memref<1x1152xf32, #tpu.memory_space<hbm>> -> memref<1152xf32, #tpu.memory_space<hbm>>
        tpu.enqueue_dma source(%arg8 : memref<1152xf32, #tpu.memory_space<vmem>>) target(%dma_start3A_774 : memref<1152xf32, #tpu.memory_space<hbm>>) target_semaphore(%run_scoped3A : memref<!tpu.dma_semaphore, #tpu.memory_space<semaphore_mem>>)
        %dma_wait3A_775 = arith.constant 0 : i32
        %dma_wait3A_776 = tpu.memref_slice %arg4[%add3A_32, %dma_wait3A_775] : memref<1024x1152xf32, #tpu.memory_space<hbm>> -> memref<1x1152xf32, #tpu.memory_space<hbm>>
        %dma_wait3A_777 = tpu.memref_squeeze %dma_wait3A_776 : memref<1x1152xf32, #tpu.memory_space<hbm>> -> memref<1152xf32, #tpu.memory_space<hbm>>
        %dma_wait3A_778 = arith.constant 0 : i32
        %dma_wait3A_779 = tpu.memref_slice %arg4[%add3A_32, %dma_wait3A_778] : memref<1024x1152xf32, #tpu.memory_space<hbm>> -> memref<1x1152xf32, #tpu.memory_space<hbm>>
        %dma_wait3A_780 = tpu.memref_squeeze %dma_wait3A_779 : memref<1x1152xf32, #tpu.memory_space<hbm>> -> memref<1152xf32, #tpu.memory_space<hbm>>
        tpu.wait_dma2 semaphore(%run_scoped3A : memref<!tpu.dma_semaphore, #tpu.memory_space<semaphore_mem>>) src(%arg8 : memref<1152xf32, #tpu.memory_space<vmem>>) dst(%dma_wait3A_780 : memref<1152xf32, #tpu.memory_space<hbm>>)
        tpu.yield
      }) : () -> ()
    }
    %while3A_24 = arith.constant 1 : i32
    scf.for %while3A_25 = %while3A_22 to %while3A_18 step %while3A_24  : i32 {
      %mul3A_26 = arith.muli %while3A_25, %while3A : i32
      %add3A_27 = arith.addi %while3A_15, %mul3A_26 : i32
      %mul3A_28 = arith.constant 2 : i32
      %mul3A_29 = arith.muli %mul3A_28, %add3A_27 : i32
      %add3A_30 = arith.addi %mul3A_2, %mul3A_29 : i32
      %add3A_31 = arith.constant 1 : i32
      %add3A_32 = arith.addi %add3A_30, %add3A_31 : i32
      %dma_start3A_33 = arith.constant 0 : i32
      %dma_start3A_34 = tpu.memref_slice %arg2[%add3A_32, %dma_start3A_33] : memref<1024x50258xf32, #tpu.memory_space<hbm>> -> memref<1x50258xf32, #tpu.memory_space<hbm>>
      %dma_start3A_35 = tpu.memref_squeeze %dma_start3A_34 : memref<1x50258xf32, #tpu.memory_space<hbm>> -> memref<50258xf32, #tpu.memory_space<hbm>>
      %dma_start3A_36 = arith.constant 0 : i32
      %dma_start3A_37 = tpu.memref_slice %arg2[%add3A_32, %dma_start3A_36] : memref<1024x50258xf32, #tpu.memory_space<hbm>> -> memref<1x50258xf32, #tpu.memory_space<hbm>>
      %dma_start3A_38 = tpu.memref_squeeze %dma_start3A_37 : memref<1x50258xf32, #tpu.memory_space<hbm>> -> memref<50258xf32, #tpu.memory_space<hbm>>
      tpu.enqueue_dma source(%dma_start3A_38 : memref<50258xf32, #tpu.memory_space<hbm>>) target(%arg7 : memref<50258xf32, #tpu.memory_space<vmem>>) target_semaphore(%arg10 : memref<!tpu.dma_semaphore, #tpu.memory_space<semaphore_mem>>)
      %dma_wait3A = arith.constant 0 : i32
      %dma_wait3A_39 = tpu.memref_slice %arg2[%add3A_30, %dma_wait3A] : memref<1024x50258xf32, #tpu.memory_space<hbm>> -> memref<1x50258xf32, #tpu.memory_space<hbm>>
      %dma_wait3A_40 = tpu.memref_squeeze %dma_wait3A_39 : memref<1x50258xf32, #tpu.memory_space<hbm>> -> memref<50258xf32, #tpu.memory_space<hbm>>
      %dma_wait3A_41 = arith.constant 0 : i32
      %dma_wait3A_42 = tpu.memref_slice %arg2[%add3A_30, %dma_wait3A_41] : memref<1024x50258xf32, #tpu.memory_space<hbm>> -> memref<1x50258xf32, #tpu.memory_space<hbm>>
      %dma_wait3A_43 = tpu.memref_squeeze %dma_wait3A_42 : memref<1x50258xf32, #tpu.memory_space<hbm>> -> memref<50258xf32, #tpu.memory_space<hbm>>
      tpu.wait_dma2 semaphore(%arg9 : memref<!tpu.dma_semaphore, #tpu.memory_space<semaphore_mem>>) src(%dma_wait3A_43 : memref<50258xf32, #tpu.memory_space<hbm>>) dst(%arg6 : memref<50258xf32, #tpu.memory_space<vmem>>)
      %get3A = arith.constant 0 : index
      %get3A_44 = tpu.vector_load %arg5[%get3A] {strides = array<i32>} : memref<1152xi32, #tpu.memory_space<vmem>>, vector<16xi32>,
      %gather3A = tpu.vector_load_idx %arg6[%get3A_44] : memref<50258xf32, #tpu.memory_space<vmem>>[vector<16xi32>], vector<16xf32>,
      %swap3A = arith.constant 0 : index
      %swap3A_45 = tpu.vector_load %arg8[%swap3A] {strides = array<i32>} : memref<1152xf32, #tpu.memory_space<vmem>>, vector<16xf32>,
      tpu.vector_store %arg8[%swap3A], %gather3A {strides = array<i32>} : memref<1152xf32, #tpu.memory_space<vmem>>, vector<16xf32>,
      %get3A_46 = arith.constant 16 : index
      %get3A_47 = tpu.vector_load %arg5[%get3A_46] {strides = array<i32>} : memref<1152xi32, #tpu.memory_space<vmem>>, vector<16xi32>,
      %gather3A_48 = tpu.vector_load_idx %arg6[%get3A_47] : memref<50258xf32, #tpu.memory_space<vmem>>[vector<16xi32>], vector<16xf32>,
      %swap3A_49 = arith.constant 16 : index
      %swap3A_50 = tpu.vector_load %arg8[%swap3A_49] {strides = array<i32>} : memref<1152xf32, #tpu.memory_space<vmem>>, vector<16xf32>,
      tpu.vector_store %arg8[%swap3A_49], %gather3A_48 {strides = array<i32>} : memref<1152xf32, #tpu.memory_space<vmem>>, vector<16xf32>,
      %get3A_51 = arith.constant 32 : index
      %get3A_52 = tpu.vector_load %arg5[%get3A_51] {strides = array<i32>} : memref<1152xi32, #tpu.memory_space<vmem>>, vector<16xi32>,
      %gather3A_53 = tpu.vector_load_idx %arg6[%get3A_52] : memref<50258xf32, #tpu.memory_space<vmem>>[vector<16xi32>], vector<16xf32>,
      %swap3A_54 = arith.constant 32 : index
      %swap3A_55 = tpu.vector_load %arg8[%swap3A_54] {strides = array<i32>} : memref<1152xf32, #tpu.memory_space<vmem>>, vector<16xf32>,
      tpu.vector_store %arg8[%swap3A_54], %gather3A_53 {strides = array<i32>} : memref<1152xf32, #tpu.memory_space<vmem>>, vector<16xf32>,
      %get3A_56 = arith.constant 48 : index
      %get3A_57 = tpu.vector_load %arg5[%get3A_56] {strides = array<i32>} : memref<1152xi32, #tpu.memory_space<vmem>>, vector<16xi32>,
      %gather3A_58 = tpu.vector_load_idx %arg6[%get3A_57] : memref<50258xf32, #tpu.memory_space<vmem>>[vector<16xi32>], vector<16xf32>,
      %swap3A_59 = arith.constant 48 : index
      %swap3A_60 = tpu.vector_load %arg8[%swap3A_59] {strides = array<i32>} : memref<1152xf32, #tpu.memory_space<vmem>>, vector<16xf32>,
      tpu.vector_store %arg8[%swap3A_59], %gather3A_58 {strides = array<i32>} : memref<1152xf32, #tpu.memory_space<vmem>>, vector<16xf32>,
      %get3A_61 = arith.constant 64 : index
      %get3A_62 = tpu.vector_load %arg5[%get3A_61] {strides = array<i32>} : memref<1152xi32, #tpu.memory_space<vmem>>, vector<16xi32>,
      %gather3A_63 = tpu.vector_load_idx %arg6[%get3A_62] : memref<50258xf32, #tpu.memory_space<vmem>>[vector<16xi32>], vector<16xf32>,
      %swap3A_64 = arith.constant 64 : index
      %swap3A_65 = tpu.vector_load %arg8[%swap3A_64] {strides = array<i32>} : memref<1152xf32, #tpu.memory_space<vmem>>, vector<16xf32>,
      tpu.vector_store %arg8[%swap3A_64], %gather3A_63 {strides = array<i32>} : memref<1152xf32, #tpu.memory_space<vmem>>, vector<16xf32>,
      %get3A_66 = arith.constant 80 : index
      %get3A_67 = tpu.vector_load %arg5[%get3A_66] {strides = array<i32>} : memref<1152xi32, #tpu.memory_space<vmem>>, vector<16xi32>,
      %gather3A_68 = tpu.vector_load_idx %arg6[%get3A_67] : memref<50258xf32, #tpu.memory_space<vmem>>[vector<16xi32>], vector<16xf32>,
      %swap3A_69 = arith.constant 80 : index
      %swap3A_70 = tpu.vector_load %arg8[%swap3A_69] {strides = array<i32>} : memref<1152xf32, #tpu.memory_space<vmem>>, vector<16xf32>,
      tpu.vector_store %arg8[%swap3A_69], %gather3A_68 {strides = array<i32>} : memref<1152xf32, #tpu.memory_space<vmem>>, vector<16xf32>,
      %get3A_71 = arith.constant 96 : index
      %get3A_72 = tpu.vector_load %arg5[%get3A_71] {strides = array<i32>} : memref<1152xi32, #tpu.memory_space<vmem>>, vector<16xi32>,
      %gather3A_73 = tpu.vector_load_idx %arg6[%get3A_72] : memref<50258xf32, #tpu.memory_space<vmem>>[vector<16xi32>], vector<16xf32>,
      %swap3A_74 = arith.constant 96 : index
      %swap3A_75 = tpu.vector_load %arg8[%swap3A_74] {strides = array<i32>} : memref<1152xf32, #tpu.memory_space<vmem>>, vector<16xf32>,
      tpu.vector_store %arg8[%swap3A_74], %gather3A_73 {strides = array<i32>} : memref<1152xf32, #tpu.memory_space<vmem>>, vector<16xf32>,
      %get3A_76 = arith.constant 112 : index
      %get3A_77 = tpu.vector_load %arg5[%get3A_76] {strides = array<i32>} : memref<1152xi32, #tpu.memory_space<vmem>>, vector<16xi32>,
      %gather3A_78 = tpu.vector_load_idx %arg6[%get3A_77] : memref<50258xf32, #tpu.memory_space<vmem>>[vector<16xi32>], vector<16xf32>,
      %swap3A_79 = arith.constant 112 : index
      %swap3A_80 = tpu.vector_load %arg8[%swap3A_79] {strides = array<i32>} : memref<1152xf32, #tpu.memory_space<vmem>>, vector<16xf32>,
      tpu.vector_store %arg8[%swap3A_79], %gather3A_78 {strides = array<i32>} : memref<1152xf32, #tpu.memory_space<vmem>>, vector<16xf32>,
      %get3A_81 = arith.constant 128 : index
      %get3A_82 = tpu.vector_load %arg5[%get3A_81] {strides = array<i32>} : memref<1152xi32, #tpu.memory_space<vmem>>, vector<16xi32>,
      %gather3A_83 = tpu.vector_load_idx %arg6[%get3A_82] : memref<50258xf32, #tpu.memory_space<vmem>>[vector<16xi32>], vector<16xf32>,
      %swap3A_84 = arith.constant 128 : index
      %swap3A_85 = tpu.vector_load %arg8[%swap3A_84] {strides = array<i32>} : memref<1152xf32, #tpu.memory_space<vmem>>, vector<16xf32>,
      tpu.vector_store %arg8[%swap3A_84], %gather3A_83 {strides = array<i32>} : memref<1152xf32, #tpu.memory_space<vmem>>, vector<16xf32>,
      %get3A_86 = arith.constant 144 : index
      %get3A_87 = tpu.vector_load %arg5[%get3A_86] {strides = array<i32>} : memref<1152xi32, #tpu.memory_space<vmem>>, vector<16xi32>,
      %gather3A_88 = tpu.vector_load_idx %arg6[%get3A_87] : memref<50258xf32, #tpu.memory_space<vmem>>[vector<16xi32>], vector<16xf32>,
      %swap3A_89 = arith.constant 144 : index
      %swap3A_90 = tpu.vector_load %arg8[%swap3A_89] {strides = array<i32>} : memref<1152xf32, #tpu.memory_space<vmem>>, vector<16xf32>,
      tpu.vector_store %arg8[%swap3A_89], %gather3A_88 {strides = array<i32>} : memref<1152xf32, #tpu.memory_space<vmem>>, vector<16xf32>,
      %get3A_91 = arith.constant 160 : index
      %get3A_92 = tpu.vector_load %arg5[%get3A_91] {strides = array<i32>} : memref<1152xi32, #tpu.memory_space<vmem>>, vector<16xi32>,
      %gather3A_93 = tpu.vector_load_idx %arg6[%get3A_92] : memref<50258xf32, #tpu.memory_space<vmem>>[vector<16xi32>], vector<16xf32>,
      %swap3A_94 = arith.constant 160 : index
      %swap3A_95 = tpu.vector_load %arg8[%swap3A_94] {strides = array<i32>} : memref<1152xf32, #tpu.memory_space<vmem>>, vector<16xf32>,
      tpu.vector_store %arg8[%swap3A_94], %gather3A_93 {strides = array<i32>} : memref<1152xf32, #tpu.memory_space<vmem>>, vector<16xf32>,
      %get3A_96 = arith.constant 176 : index
      %get3A_97 = tpu.vector_load %arg5[%get3A_96] {strides = array<i32>} : memref<1152xi32, #tpu.memory_space<vmem>>, vector<16xi32>,
      %gather3A_98 = tpu.vector_load_idx %arg6[%get3A_97] : memref<50258xf32, #tpu.memory_space<vmem>>[vector<16xi32>], vector<16xf32>,
      %swap3A_99 = arith.constant 176 : index
      %swap3A_100 = tpu.vector_load %arg8[%swap3A_99] {strides = array<i32>} : memref<1152xf32, #tpu.memory_space<vmem>>, vector<16xf32>,
      tpu.vector_store %arg8[%swap3A_99], %gather3A_98 {strides = array<i32>} : memref<1152xf32, #tpu.memory_space<vmem>>, vector<16xf32>,
      %get3A_101 = arith.constant 192 : index
      %get3A_102 = tpu.vector_load %arg5[%get3A_101] {strides = array<i32>} : memref<1152xi32, #tpu.memory_space<vmem>>, vector<16xi32>,
      %gather3A_103 = tpu.vector_load_idx %arg6[%get3A_102] : memref<50258xf32, #tpu.memory_space<vmem>>[vector<16xi32>], vector<16xf32>,
      %swap3A_104 = arith.constant 192 : index
      %swap3A_105 = tpu.vector_load %arg8[%swap3A_104] {strides = array<i32>} : memref<1152xf32, #tpu.memory_space<vmem>>, vector<16xf32>,
      tpu.vector_store %arg8[%swap3A_104], %gather3A_103 {strides = array<i32>} : memref<1152xf32, #tpu.memory_space<vmem>>, vector<16xf32>,
      %get3A_106 = arith.constant 208 : index
      %get3A_107 = tpu.vector_load %arg5[%get3A_106] {strides = array<i32>} : memref<1152xi32, #tpu.memory_space<vmem>>, vector<16xi32>,
      %gather3A_108 = tpu.vector_load_idx %arg6[%get3A_107] : memref<50258xf32, #tpu.memory_space<vmem>>[vector<16xi32>], vector<16xf32>,
      %swap3A_109 = arith.constant 208 : index
      %swap3A_110 = tpu.vector_load %arg8[%swap3A_109] {strides = array<i32>} : memref<1152xf32, #tpu.memory_space<vmem>>, vector<16xf32>,
      tpu.vector_store %arg8[%swap3A_109], %gather3A_108 {strides = array<i32>} : memref<1152xf32, #tpu.memory_space<vmem>>, vector<16xf32>,
      %get3A_111 = arith.constant 224 : index
      %get3A_112 = tpu.vector_load %arg5[%get3A_111] {strides = array<i32>} : memref<1152xi32, #tpu.memory_space<vmem>>, vector<16xi32>,
      %gather3A_113 = tpu.vector_load_idx %arg6[%get3A_112] : memref<50258xf32, #tpu.memory_space<vmem>>[vector<16xi32>], vector<16xf32>,
      %swap3A_114 = arith.constant 224 : index
      %swap3A_115 = tpu.vector_load %arg8[%swap3A_114] {strides = array<i32>} : memref<1152xf32, #tpu.memory_space<vmem>>, vector<16xf32>,
      tpu.vector_store %arg8[%swap3A_114], %gather3A_113 {strides = array<i32>} : memref<1152xf32, #tpu.memory_space<vmem>>, vector<16xf32>,
      %get3A_116 = arith.constant 240 : index
      %get3A_117 = tpu.vector_load %arg5[%get3A_116] {strides = array<i32>} : memref<1152xi32, #tpu.memory_space<vmem>>, vector<16xi32>,
      %gather3A_118 = tpu.vector_load_idx %arg6[%get3A_117] : memref<50258xf32, #tpu.memory_space<vmem>>[vector<16xi32>], vector<16xf32>,
      %swap3A_119 = arith.constant 240 : index
      %swap3A_120 = tpu.vector_load %arg8[%swap3A_119] {strides = array<i32>} : memref<1152xf32, #tpu.memory_space<vmem>>, vector<16xf32>,
      tpu.vector_store %arg8[%swap3A_119], %gather3A_118 {strides = array<i32>} : memref<1152xf32, #tpu.memory_space<vmem>>, vector<16xf32>,
      %get3A_121 = arith.constant 256 : index
      %get3A_122 = tpu.vector_load %arg5[%get3A_121] {strides = array<i32>} : memref<1152xi32, #tpu.memory_space<vmem>>, vector<16xi32>,
      %gather3A_123 = tpu.vector_load_idx %arg6[%get3A_122] : memref<50258xf32, #tpu.memory_space<vmem>>[vector<16xi32>], vector<16xf32>,
      %swap3A_124 = arith.constant 256 : index
      %swap3A_125 = tpu.vector_load %arg8[%swap3A_124] {strides = array<i32>} : memref<1152xf32, #tpu.memory_space<vmem>>, vector<16xf32>,
      tpu.vector_store %arg8[%swap3A_124], %gather3A_123 {strides = array<i32>} : memref<1152xf32, #tpu.memory_space<vmem>>, vector<16xf32>,
      %get3A_126 = arith.constant 272 : index
      %get3A_127 = tpu.vector_load %arg5[%get3A_126] {strides = array<i32>} : memref<1152xi32, #tpu.memory_space<vmem>>, vector<16xi32>,
      %gather3A_128 = tpu.vector_load_idx %arg6[%get3A_127] : memref<50258xf32, #tpu.memory_space<vmem>>[vector<16xi32>], vector<16xf32>,
      %swap3A_129 = arith.constant 272 : index
      %swap3A_130 = tpu.vector_load %arg8[%swap3A_129] {strides = array<i32>} : memref<1152xf32, #tpu.memory_space<vmem>>, vector<16xf32>,
      tpu.vector_store %arg8[%swap3A_129], %gather3A_128 {strides = array<i32>} : memref<1152xf32, #tpu.memory_space<vmem>>, vector<16xf32>,
      %get3A_131 = arith.constant 288 : index
      %get3A_132 = tpu.vector_load %arg5[%get3A_131] {strides = array<i32>} : memref<1152xi32, #tpu.memory_space<vmem>>, vector<16xi32>,
      %gather3A_133 = tpu.vector_load_idx %arg6[%get3A_132] : memref<50258xf32, #tpu.memory_space<vmem>>[vector<16xi32>], vector<16xf32>,
      %swap3A_134 = arith.constant 288 : index
      %swap3A_135 = tpu.vector_load %arg8[%swap3A_134] {strides = array<i32>} : memref<1152xf32, #tpu.memory_space<vmem>>, vector<16xf32>,
      tpu.vector_store %arg8[%swap3A_134], %gather3A_133 {strides = array<i32>} : memref<1152xf32, #tpu.memory_space<vmem>>, vector<16xf32>,
      %get3A_136 = arith.constant 304 : index
      %get3A_137 = tpu.vector_load %arg5[%get3A_136] {strides = array<i32>} : memref<1152xi32, #tpu.memory_space<vmem>>, vector<16xi32>,
      %gather3A_138 = tpu.vector_load_idx %arg6[%get3A_137] : memref<50258xf32, #tpu.memory_space<vmem>>[vector<16xi32>], vector<16xf32>,
      %swap3A_139 = arith.constant 304 : index
      %swap3A_140 = tpu.vector_load %arg8[%swap3A_139] {strides = array<i32>} : memref<1152xf32, #tpu.memory_space<vmem>>, vector<16xf32>,
      tpu.vector_store %arg8[%swap3A_139], %gather3A_138 {strides = array<i32>} : memref<1152xf32, #tpu.memory_space<vmem>>, vector<16xf32>,
      %get3A_141 = arith.constant 320 : index
      %get3A_142 = tpu.vector_load %arg5[%get3A_141] {strides = array<i32>} : memref<1152xi32, #tpu.memory_space<vmem>>, vector<16xi32>,
      %gather3A_143 = tpu.vector_load_idx %arg6[%get3A_142] : memref<50258xf32, #tpu.memory_space<vmem>>[vector<16xi32>], vector<16xf32>,
      %swap3A_144 = arith.constant 320 : index
      %swap3A_145 = tpu.vector_load %arg8[%swap3A_144] {strides = array<i32>} : memref<1152xf32, #tpu.memory_space<vmem>>, vector<16xf32>,
      tpu.vector_store %arg8[%swap3A_144], %gather3A_143 {strides = array<i32>} : memref<1152xf32, #tpu.memory_space<vmem>>, vector<16xf32>,
      %get3A_146 = arith.constant 336 : index
      %get3A_147 = tpu.vector_load %arg5[%get3A_146] {strides = array<i32>} : memref<1152xi32, #tpu.memory_space<vmem>>, vector<16xi32>,
      %gather3A_148 = tpu.vector_load_idx %arg6[%get3A_147] : memref<50258xf32, #tpu.memory_space<vmem>>[vector<16xi32>], vector<16xf32>,
      %swap3A_149 = arith.constant 336 : index
      %swap3A_150 = tpu.vector_load %arg8[%swap3A_149] {strides = array<i32>} : memref<1152xf32, #tpu.memory_space<vmem>>, vector<16xf32>,
      tpu.vector_store %arg8[%swap3A_149], %gather3A_148 {strides = array<i32>} : memref<1152xf32, #tpu.memory_space<vmem>>, vector<16xf32>,
      %get3A_151 = arith.constant 352 : index
      %get3A_152 = tpu.vector_load %arg5[%get3A_151] {strides = array<i32>} : memref<1152xi32, #tpu.memory_space<vmem>>, vector<16xi32>,
      %gather3A_153 = tpu.vector_load_idx %arg6[%get3A_152] : memref<50258xf32, #tpu.memory_space<vmem>>[vector<16xi32>], vector<16xf32>,
      %swap3A_154 = arith.constant 352 : index
      %swap3A_155 = tpu.vector_load %arg8[%swap3A_154] {strides = array<i32>} : memref<1152xf32, #tpu.memory_space<vmem>>, vector<16xf32>,
      tpu.vector_store %arg8[%swap3A_154], %gather3A_153 {strides = array<i32>} : memref<1152xf32, #tpu.memory_space<vmem>>, vector<16xf32>,
      %get3A_156 = arith.constant 368 : index
      %get3A_157 = tpu.vector_load %arg5[%get3A_156] {strides = array<i32>} : memref<1152xi32, #tpu.memory_space<vmem>>, vector<16xi32>,
      %gather3A_158 = tpu.vector_load_idx %arg6[%get3A_157] : memref<50258xf32, #tpu.memory_space<vmem>>[vector<16xi32>], vector<16xf32>,
      %swap3A_159 = arith.constant 368 : index
      %swap3A_160 = tpu.vector_load %arg8[%swap3A_159] {strides = array<i32>} : memref<1152xf32, #tpu.memory_space<vmem>>, vector<16xf32>,
      tpu.vector_store %arg8[%swap3A_159], %gather3A_158 {strides = array<i32>} : memref<1152xf32, #tpu.memory_space<vmem>>, vector<16xf32>,
      %get3A_161 = arith.constant 384 : index
      %get3A_162 = tpu.vector_load %arg5[%get3A_161] {strides = array<i32>} : memref<1152xi32, #tpu.memory_space<vmem>>, vector<16xi32>,
      %gather3A_163 = tpu.vector_load_idx %arg6[%get3A_162] : memref<50258xf32, #tpu.memory_space<vmem>>[vector<16xi32>], vector<16xf32>,
      %swap3A_164 = arith.constant 384 : index
      %swap3A_165 = tpu.vector_load %arg8[%swap3A_164] {strides = array<i32>} : memref<1152xf32, #tpu.memory_space<vmem>>, vector<16xf32>,
      tpu.vector_store %arg8[%swap3A_164], %gather3A_163 {strides = array<i32>} : memref<1152xf32, #tpu.memory_space<vmem>>, vector<16xf32>,
      %get3A_166 = arith.constant 400 : index
      %get3A_167 = tpu.vector_load %arg5[%get3A_166] {strides = array<i32>} : memref<1152xi32, #tpu.memory_space<vmem>>, vector<16xi32>,
      %gather3A_168 = tpu.vector_load_idx %arg6[%get3A_167] : memref<50258xf32, #tpu.memory_space<vmem>>[vector<16xi32>], vector<16xf32>,
      %swap3A_169 = arith.constant 400 : index
      %swap3A_170 = tpu.vector_load %arg8[%swap3A_169] {strides = array<i32>} : memref<1152xf32, #tpu.memory_space<vmem>>, vector<16xf32>,
      tpu.vector_store %arg8[%swap3A_169], %gather3A_168 {strides = array<i32>} : memref<1152xf32, #tpu.memory_space<vmem>>, vector<16xf32>,
      %get3A_171 = arith.constant 416 : index
      %get3A_172 = tpu.vector_load %arg5[%get3A_171] {strides = array<i32>} : memref<1152xi32, #tpu.memory_space<vmem>>, vector<16xi32>,
      %gather3A_173 = tpu.vector_load_idx %arg6[%get3A_172] : memref<50258xf32, #tpu.memory_space<vmem>>[vector<16xi32>], vector<16xf32>,
      %swap3A_174 = arith.constant 416 : index
      %swap3A_175 = tpu.vector_load %arg8[%swap3A_174] {strides = array<i32>} : memref<1152xf32, #tpu.memory_space<vmem>>, vector<16xf32>,
      tpu.vector_store %arg8[%swap3A_174], %gather3A_173 {strides = array<i32>} : memref<1152xf32, #tpu.memory_space<vmem>>, vector<16xf32>,
      %get3A_176 = arith.constant 432 : index
      %get3A_177 = tpu.vector_load %arg5[%get3A_176] {strides = array<i32>} : memref<1152xi32, #tpu.memory_space<vmem>>, vector<16xi32>,
      %gather3A_178 = tpu.vector_load_idx %arg6[%get3A_177] : memref<50258xf32, #tpu.memory_space<vmem>>[vector<16xi32>], vector<16xf32>,
      %swap3A_179 = arith.constant 432 : index
      %swap3A_180 = tpu.vector_load %arg8[%swap3A_179] {strides = array<i32>} : memref<1152xf32, #tpu.memory_space<vmem>>, vector<16xf32>,
      tpu.vector_store %arg8[%swap3A_179], %gather3A_178 {strides = array<i32>} : memref<1152xf32, #tpu.memory_space<vmem>>, vector<16xf32>,
      %get3A_181 = arith.constant 448 : index
      %get3A_182 = tpu.vector_load %arg5[%get3A_181] {strides = array<i32>} : memref<1152xi32, #tpu.memory_space<vmem>>, vector<16xi32>,
      %gather3A_183 = tpu.vector_load_idx %arg6[%get3A_182] : memref<50258xf32, #tpu.memory_space<vmem>>[vector<16xi32>], vector<16xf32>,
      %swap3A_184 = arith.constant 448 : index
      %swap3A_185 = tpu.vector_load %arg8[%swap3A_184] {strides = array<i32>} : memref<1152xf32, #tpu.memory_space<vmem>>, vector<16xf32>,
      tpu.vector_store %arg8[%swap3A_184], %gather3A_183 {strides = array<i32>} : memref<1152xf32, #tpu.memory_space<vmem>>, vector<16xf32>,
      %get3A_186 = arith.constant 464 : index
      %get3A_187 = tpu.vector_load %arg5[%get3A_186] {strides = array<i32>} : memref<1152xi32, #tpu.memory_space<vmem>>, vector<16xi32>,
      %gather3A_188 = tpu.vector_load_idx %arg6[%get3A_187] : memref<50258xf32, #tpu.memory_space<vmem>>[vector<16xi32>], vector<16xf32>,
      %swap3A_189 = arith.constant 464 : index
      %swap3A_190 = tpu.vector_load %arg8[%swap3A_189] {strides = array<i32>} : memref<1152xf32, #tpu.memory_space<vmem>>, vector<16xf32>,
      tpu.vector_store %arg8[%swap3A_189], %gather3A_188 {strides = array<i32>} : memref<1152xf32, #tpu.memory_space<vmem>>, vector<16xf32>,
      %get3A_191 = arith.constant 480 : index
      %get3A_192 = tpu.vector_load %arg5[%get3A_191] {strides = array<i32>} : memref<1152xi32, #tpu.memory_space<vmem>>, vector<16xi32>,
      %gather3A_193 = tpu.vector_load_idx %arg6[%get3A_192] : memref<50258xf32, #tpu.memory_space<vmem>>[vector<16xi32>], vector<16xf32>,
      %swap3A_194 = arith.constant 480 : index
      %swap3A_195 = tpu.vector_load %arg8[%swap3A_194] {strides = array<i32>} : memref<1152xf32, #tpu.memory_space<vmem>>, vector<16xf32>,
      tpu.vector_store %arg8[%swap3A_194], %gather3A_193 {strides = array<i32>} : memref<1152xf32, #tpu.memory_space<vmem>>, vector<16xf32>,
      %get3A_196 = arith.constant 496 : index
      %get3A_197 = tpu.vector_load %arg5[%get3A_196] {strides = array<i32>} : memref<1152xi32, #tpu.memory_space<vmem>>, vector<16xi32>,
      %gather3A_198 = tpu.vector_load_idx %arg6[%get3A_197] : memref<50258xf32, #tpu.memory_space<vmem>>[vector<16xi32>], vector<16xf32>,
      %swap3A_199 = arith.constant 496 : index
      %swap3A_200 = tpu.vector_load %arg8[%swap3A_199] {strides = array<i32>} : memref<1152xf32, #tpu.memory_space<vmem>>, vector<16xf32>,
      tpu.vector_store %arg8[%swap3A_199], %gather3A_198 {strides = array<i32>} : memref<1152xf32, #tpu.memory_space<vmem>>, vector<16xf32>,
      %get3A_201 = arith.constant 512 : index
      %get3A_202 = tpu.vector_load %arg5[%get3A_201] {strides = array<i32>} : memref<1152xi32, #tpu.memory_space<vmem>>, vector<16xi32>,
      %gather3A_203 = tpu.vector_load_idx %arg6[%get3A_202] : memref<50258xf32, #tpu.memory_space<vmem>>[vector<16xi32>], vector<16xf32>,
      %swap3A_204 = arith.constant 512 : index
      %swap3A_205 = tpu.vector_load %arg8[%swap3A_204] {strides = array<i32>} : memref<1152xf32, #tpu.memory_space<vmem>>, vector<16xf32>,
      tpu.vector_store %arg8[%swap3A_204], %gather3A_203 {strides = array<i32>} : memref<1152xf32, #tpu.memory_space<vmem>>, vector<16xf32>,
      %get3A_206 = arith.constant 528 : index
      %get3A_207 = tpu.vector_load %arg5[%get3A_206] {strides = array<i32>} : memref<1152xi32, #tpu.memory_space<vmem>>, vector<16xi32>,
      %gather3A_208 = tpu.vector_load_idx %arg6[%get3A_207] : memref<50258xf32, #tpu.memory_space<vmem>>[vector<16xi32>], vector<16xf32>,
      %swap3A_209 = arith.constant 528 : index
      %swap3A_210 = tpu.vector_load %arg8[%swap3A_209] {strides = array<i32>} : memref<1152xf32, #tpu.memory_space<vmem>>, vector<16xf32>,
      tpu.vector_store %arg8[%swap3A_209], %gather3A_208 {strides = array<i32>} : memref<1152xf32, #tpu.memory_space<vmem>>, vector<16xf32>,
      %get3A_211 = arith.constant 544 : index
      %get3A_212 = tpu.vector_load %arg5[%get3A_211] {strides = array<i32>} : memref<1152xi32, #tpu.memory_space<vmem>>, vector<16xi32>,
      %gather3A_213 = tpu.vector_load_idx %arg6[%get3A_212] : memref<50258xf32, #tpu.memory_space<vmem>>[vector<16xi32>], vector<16xf32>,
      %swap3A_214 = arith.constant 544 : index
      %swap3A_215 = tpu.vector_load %arg8[%swap3A_214] {strides = array<i32>} : memref<1152xf32, #tpu.memory_space<vmem>>, vector<16xf32>,
      tpu.vector_store %arg8[%swap3A_214], %gather3A_213 {strides = array<i32>} : memref<1152xf32, #tpu.memory_space<vmem>>, vector<16xf32>,
      %get3A_216 = arith.constant 560 : index
      %get3A_217 = tpu.vector_load %arg5[%get3A_216] {strides = array<i32>} : memref<1152xi32, #tpu.memory_space<vmem>>, vector<16xi32>,
      %gather3A_218 = tpu.vector_load_idx %arg6[%get3A_217] : memref<50258xf32, #tpu.memory_space<vmem>>[vector<16xi32>], vector<16xf32>,
      %swap3A_219 = arith.constant 560 : index
      %swap3A_220 = tpu.vector_load %arg8[%swap3A_219] {strides = array<i32>} : memref<1152xf32, #tpu.memory_space<vmem>>, vector<16xf32>,
      tpu.vector_store %arg8[%swap3A_219], %gather3A_218 {strides = array<i32>} : memref<1152xf32, #tpu.memory_space<vmem>>, vector<16xf32>,
      %get3A_221 = arith.constant 576 : index
      %get3A_222 = tpu.vector_load %arg5[%get3A_221] {strides = array<i32>} : memref<1152xi32, #tpu.memory_space<vmem>>, vector<16xi32>,
      %gather3A_223 = tpu.vector_load_idx %arg6[%get3A_222] : memref<50258xf32, #tpu.memory_space<vmem>>[vector<16xi32>], vector<16xf32>,
      %swap3A_224 = arith.constant 576 : index
      %swap3A_225 = tpu.vector_load %arg8[%swap3A_224] {strides = array<i32>} : memref<1152xf32, #tpu.memory_space<vmem>>, vector<16xf32>,
      tpu.vector_store %arg8[%swap3A_224], %gather3A_223 {strides = array<i32>} : memref<1152xf32, #tpu.memory_space<vmem>>, vector<16xf32>,
      %get3A_226 = arith.constant 592 : index
      %get3A_227 = tpu.vector_load %arg5[%get3A_226] {strides = array<i32>} : memref<1152xi32, #tpu.memory_space<vmem>>, vector<16xi32>,
      %gather3A_228 = tpu.vector_load_idx %arg6[%get3A_227] : memref<50258xf32, #tpu.memory_space<vmem>>[vector<16xi32>], vector<16xf32>,
      %swap3A_229 = arith.constant 592 : index
      %swap3A_230 = tpu.vector_load %arg8[%swap3A_229] {strides = array<i32>} : memref<1152xf32, #tpu.memory_space<vmem>>, vector<16xf32>,
      tpu.vector_store %arg8[%swap3A_229], %gather3A_228 {strides = array<i32>} : memref<1152xf32, #tpu.memory_space<vmem>>, vector<16xf32>,
      %get3A_231 = arith.constant 608 : index
      %get3A_232 = tpu.vector_load %arg5[%get3A_231] {strides = array<i32>} : memref<1152xi32, #tpu.memory_space<vmem>>, vector<16xi32>,
      %gather3A_233 = tpu.vector_load_idx %arg6[%get3A_232] : memref<50258xf32, #tpu.memory_space<vmem>>[vector<16xi32>], vector<16xf32>,
      %swap3A_234 = arith.constant 608 : index
      %swap3A_235 = tpu.vector_load %arg8[%swap3A_234] {strides = array<i32>} : memref<1152xf32, #tpu.memory_space<vmem>>, vector<16xf32>,
      tpu.vector_store %arg8[%swap3A_234], %gather3A_233 {strides = array<i32>} : memref<1152xf32, #tpu.memory_space<vmem>>, vector<16xf32>,
      %get3A_236 = arith.constant 624 : index
      %get3A_237 = tpu.vector_load %arg5[%get3A_236] {strides = array<i32>} : memref<1152xi32, #tpu.memory_space<vmem>>, vector<16xi32>,
      %gather3A_238 = tpu.vector_load_idx %arg6[%get3A_237] : memref<50258xf32, #tpu.memory_space<vmem>>[vector<16xi32>], vector<16xf32>,
      %swap3A_239 = arith.constant 624 : index
      %swap3A_240 = tpu.vector_load %arg8[%swap3A_239] {strides = array<i32>} : memref<1152xf32, #tpu.memory_space<vmem>>, vector<16xf32>,
      tpu.vector_store %arg8[%swap3A_239], %gather3A_238 {strides = array<i32>} : memref<1152xf32, #tpu.memory_space<vmem>>, vector<16xf32>,
      %get3A_241 = arith.constant 640 : index
      %get3A_242 = tpu.vector_load %arg5[%get3A_241] {strides = array<i32>} : memref<1152xi32, #tpu.memory_space<vmem>>, vector<16xi32>,
      %gather3A_243 = tpu.vector_load_idx %arg6[%get3A_242] : memref<50258xf32, #tpu.memory_space<vmem>>[vector<16xi32>], vector<16xf32>,
      %swap3A_244 = arith.constant 640 : index
      %swap3A_245 = tpu.vector_load %arg8[%swap3A_244] {strides = array<i32>} : memref<1152xf32, #tpu.memory_space<vmem>>, vector<16xf32>,
      tpu.vector_store %arg8[%swap3A_244], %gather3A_243 {strides = array<i32>} : memref<1152xf32, #tpu.memory_space<vmem>>, vector<16xf32>,
      %get3A_246 = arith.constant 656 : index
      %get3A_247 = tpu.vector_load %arg5[%get3A_246] {strides = array<i32>} : memref<1152xi32, #tpu.memory_space<vmem>>, vector<16xi32>,
      %gather3A_248 = tpu.vector_load_idx %arg6[%get3A_247] : memref<50258xf32, #tpu.memory_space<vmem>>[vector<16xi32>], vector<16xf32>,
      %swap3A_249 = arith.constant 656 : index
      %swap3A_250 = tpu.vector_load %arg8[%swap3A_249] {strides = array<i32>} : memref<1152xf32, #tpu.memory_space<vmem>>, vector<16xf32>,
      tpu.vector_store %arg8[%swap3A_249], %gather3A_248 {strides = array<i32>} : memref<1152xf32, #tpu.memory_space<vmem>>, vector<16xf32>,
      %get3A_251 = arith.constant 672 : index
      %get3A_252 = tpu.vector_load %arg5[%get3A_251] {strides = array<i32>} : memref<1152xi32, #tpu.memory_space<vmem>>, vector<16xi32>,
      %gather3A_253 = tpu.vector_load_idx %arg6[%get3A_252] : memref<50258xf32, #tpu.memory_space<vmem>>[vector<16xi32>], vector<16xf32>,
      %swap3A_254 = arith.constant 672 : index
      %swap3A_255 = tpu.vector_load %arg8[%swap3A_254] {strides = array<i32>} : memref<1152xf32, #tpu.memory_space<vmem>>, vector<16xf32>,
      tpu.vector_store %arg8[%swap3A_254], %gather3A_253 {strides = array<i32>} : memref<1152xf32, #tpu.memory_space<vmem>>, vector<16xf32>,
      %get3A_256 = arith.constant 688 : index
      %get3A_257 = tpu.vector_load %arg5[%get3A_256] {strides = array<i32>} : memref<1152xi32, #tpu.memory_space<vmem>>, vector<16xi32>,
      %gather3A_258 = tpu.vector_load_idx %arg6[%get3A_257] : memref<50258xf32, #tpu.memory_space<vmem>>[vector<16xi32>], vector<16xf32>,
      %swap3A_259 = arith.constant 688 : index
      %swap3A_260 = tpu.vector_load %arg8[%swap3A_259] {strides = array<i32>} : memref<1152xf32, #tpu.memory_space<vmem>>, vector<16xf32>,
      tpu.vector_store %arg8[%swap3A_259], %gather3A_258 {strides = array<i32>} : memref<1152xf32, #tpu.memory_space<vmem>>, vector<16xf32>,
      %get3A_261 = arith.constant 704 : index
      %get3A_262 = tpu.vector_load %arg5[%get3A_261] {strides = array<i32>} : memref<1152xi32, #tpu.memory_space<vmem>>, vector<16xi32>,
      %gather3A_263 = tpu.vector_load_idx %arg6[%get3A_262] : memref<50258xf32, #tpu.memory_space<vmem>>[vector<16xi32>], vector<16xf32>,
      %swap3A_264 = arith.constant 704 : index
      %swap3A_265 = tpu.vector_load %arg8[%swap3A_264] {strides = array<i32>} : memref<1152xf32, #tpu.memory_space<vmem>>, vector<16xf32>,
      tpu.vector_store %arg8[%swap3A_264], %gather3A_263 {strides = array<i32>} : memref<1152xf32, #tpu.memory_space<vmem>>, vector<16xf32>,
      %get3A_266 = arith.constant 720 : index
      %get3A_267 = tpu.vector_load %arg5[%get3A_266] {strides = array<i32>} : memref<1152xi32, #tpu.memory_space<vmem>>, vector<16xi32>,
      %gather3A_268 = tpu.vector_load_idx %arg6[%get3A_267] : memref<50258xf32, #tpu.memory_space<vmem>>[vector<16xi32>], vector<16xf32>,
      %swap3A_269 = arith.constant 720 : index
      %swap3A_270 = tpu.vector_load %arg8[%swap3A_269] {strides = array<i32>} : memref<1152xf32, #tpu.memory_space<vmem>>, vector<16xf32>,
      tpu.vector_store %arg8[%swap3A_269], %gather3A_268 {strides = array<i32>} : memref<1152xf32, #tpu.memory_space<vmem>>, vector<16xf32>,
      %get3A_271 = arith.constant 736 : index
      %get3A_272 = tpu.vector_load %arg5[%get3A_271] {strides = array<i32>} : memref<1152xi32, #tpu.memory_space<vmem>>, vector<16xi32>,
      %gather3A_273 = tpu.vector_load_idx %arg6[%get3A_272] : memref<50258xf32, #tpu.memory_space<vmem>>[vector<16xi32>], vector<16xf32>,
      %swap3A_274 = arith.constant 736 : index
      %swap3A_275 = tpu.vector_load %arg8[%swap3A_274] {strides = array<i32>} : memref<1152xf32, #tpu.memory_space<vmem>>, vector<16xf32>,
      tpu.vector_store %arg8[%swap3A_274], %gather3A_273 {strides = array<i32>} : memref<1152xf32, #tpu.memory_space<vmem>>, vector<16xf32>,
      %get3A_276 = arith.constant 752 : index
      %get3A_277 = tpu.vector_load %arg5[%get3A_276] {strides = array<i32>} : memref<1152xi32, #tpu.memory_space<vmem>>, vector<16xi32>,
      %gather3A_278 = tpu.vector_load_idx %arg6[%get3A_277] : memref<50258xf32, #tpu.memory_space<vmem>>[vector<16xi32>], vector<16xf32>,
      %swap3A_279 = arith.constant 752 : index
      %swap3A_280 = tpu.vector_load %arg8[%swap3A_279] {strides = array<i32>} : memref<1152xf32, #tpu.memory_space<vmem>>, vector<16xf32>,
      tpu.vector_store %arg8[%swap3A_279], %gather3A_278 {strides = array<i32>} : memref<1152xf32, #tpu.memory_space<vmem>>, vector<16xf32>,
      %get3A_281 = arith.constant 768 : index
      %get3A_282 = tpu.vector_load %arg5[%get3A_281] {strides = array<i32>} : memref<1152xi32, #tpu.memory_space<vmem>>, vector<16xi32>,
      %gather3A_283 = tpu.vector_load_idx %arg6[%get3A_282] : memref<50258xf32, #tpu.memory_space<vmem>>[vector<16xi32>], vector<16xf32>,
      %swap3A_284 = arith.constant 768 : index
      %swap3A_285 = tpu.vector_load %arg8[%swap3A_284] {strides = array<i32>} : memref<1152xf32, #tpu.memory_space<vmem>>, vector<16xf32>,
      tpu.vector_store %arg8[%swap3A_284], %gather3A_283 {strides = array<i32>} : memref<1152xf32, #tpu.memory_space<vmem>>, vector<16xf32>,
      %get3A_286 = arith.constant 784 : index
      %get3A_287 = tpu.vector_load %arg5[%get3A_286] {strides = array<i32>} : memref<1152xi32, #tpu.memory_space<vmem>>, vector<16xi32>,
      %gather3A_288 = tpu.vector_load_idx %arg6[%get3A_287] : memref<50258xf32, #tpu.memory_space<vmem>>[vector<16xi32>], vector<16xf32>,
      %swap3A_289 = arith.constant 784 : index
      %swap3A_290 = tpu.vector_load %arg8[%swap3A_289] {strides = array<i32>} : memref<1152xf32, #tpu.memory_space<vmem>>, vector<16xf32>,
      tpu.vector_store %arg8[%swap3A_289], %gather3A_288 {strides = array<i32>} : memref<1152xf32, #tpu.memory_space<vmem>>, vector<16xf32>,
      %get3A_291 = arith.constant 800 : index
      %get3A_292 = tpu.vector_load %arg5[%get3A_291] {strides = array<i32>} : memref<1152xi32, #tpu.memory_space<vmem>>, vector<16xi32>,
      %gather3A_293 = tpu.vector_load_idx %arg6[%get3A_292] : memref<50258xf32, #tpu.memory_space<vmem>>[vector<16xi32>], vector<16xf32>,
      %swap3A_294 = arith.constant 800 : index
      %swap3A_295 = tpu.vector_load %arg8[%swap3A_294] {strides = array<i32>} : memref<1152xf32, #tpu.memory_space<vmem>>, vector<16xf32>,
      tpu.vector_store %arg8[%swap3A_294], %gather3A_293 {strides = array<i32>} : memref<1152xf32, #tpu.memory_space<vmem>>, vector<16xf32>,
      %get3A_296 = arith.constant 816 : index
      %get3A_297 = tpu.vector_load %arg5[%get3A_296] {strides = array<i32>} : memref<1152xi32, #tpu.memory_space<vmem>>, vector<16xi32>,
      %gather3A_298 = tpu.vector_load_idx %arg6[%get3A_297] : memref<50258xf32, #tpu.memory_space<vmem>>[vector<16xi32>], vector<16xf32>,
      %swap3A_299 = arith.constant 816 : index
      %swap3A_300 = tpu.vector_load %arg8[%swap3A_299] {strides = array<i32>} : memref<1152xf32, #tpu.memory_space<vmem>>, vector<16xf32>,
      tpu.vector_store %arg8[%swap3A_299], %gather3A_298 {strides = array<i32>} : memref<1152xf32, #tpu.memory_space<vmem>>, vector<16xf32>,
      %get3A_301 = arith.constant 832 : index
      %get3A_302 = tpu.vector_load %arg5[%get3A_301] {strides = array<i32>} : memref<1152xi32, #tpu.memory_space<vmem>>, vector<16xi32>,
      %gather3A_303 = tpu.vector_load_idx %arg6[%get3A_302] : memref<50258xf32, #tpu.memory_space<vmem>>[vector<16xi32>], vector<16xf32>,
      %swap3A_304 = arith.constant 832 : index
      %swap3A_305 = tpu.vector_load %arg8[%swap3A_304] {strides = array<i32>} : memref<1152xf32, #tpu.memory_space<vmem>>, vector<16xf32>,
      tpu.vector_store %arg8[%swap3A_304], %gather3A_303 {strides = array<i32>} : memref<1152xf32, #tpu.memory_space<vmem>>, vector<16xf32>,
      %get3A_306 = arith.constant 848 : index
      %get3A_307 = tpu.vector_load %arg5[%get3A_306] {strides = array<i32>} : memref<1152xi32, #tpu.memory_space<vmem>>, vector<16xi32>,
      %gather3A_308 = tpu.vector_load_idx %arg6[%get3A_307] : memref<50258xf32, #tpu.memory_space<vmem>>[vector<16xi32>], vector<16xf32>,
      %swap3A_309 = arith.constant 848 : index
      %swap3A_310 = tpu.vector_load %arg8[%swap3A_309] {strides = array<i32>} : memref<1152xf32, #tpu.memory_space<vmem>>, vector<16xf32>,
      tpu.vector_store %arg8[%swap3A_309], %gather3A_308 {strides = array<i32>} : memref<1152xf32, #tpu.memory_space<vmem>>, vector<16xf32>,
      %get3A_311 = arith.constant 864 : index
      %get3A_312 = tpu.vector_load %arg5[%get3A_311] {strides = array<i32>} : memref<1152xi32, #tpu.memory_space<vmem>>, vector<16xi32>,
      %gather3A_313 = tpu.vector_load_idx %arg6[%get3A_312] : memref<50258xf32, #tpu.memory_space<vmem>>[vector<16xi32>], vector<16xf32>,
      %swap3A_314 = arith.constant 864 : index
      %swap3A_315 = tpu.vector_load %arg8[%swap3A_314] {strides = array<i32>} : memref<1152xf32, #tpu.memory_space<vmem>>, vector<16xf32>,
      tpu.vector_store %arg8[%swap3A_314], %gather3A_313 {strides = array<i32>} : memref<1152xf32, #tpu.memory_space<vmem>>, vector<16xf32>,
      %get3A_316 = arith.constant 880 : index
      %get3A_317 = tpu.vector_load %arg5[%get3A_316] {strides = array<i32>} : memref<1152xi32, #tpu.memory_space<vmem>>, vector<16xi32>,
      %gather3A_318 = tpu.vector_load_idx %arg6[%get3A_317] : memref<50258xf32, #tpu.memory_space<vmem>>[vector<16xi32>], vector<16xf32>,
      %swap3A_319 = arith.constant 880 : index
      %swap3A_320 = tpu.vector_load %arg8[%swap3A_319] {strides = array<i32>} : memref<1152xf32, #tpu.memory_space<vmem>>, vector<16xf32>,
      tpu.vector_store %arg8[%swap3A_319], %gather3A_318 {strides = array<i32>} : memref<1152xf32, #tpu.memory_space<vmem>>, vector<16xf32>,
      %get3A_321 = arith.constant 896 : index
      %get3A_322 = tpu.vector_load %arg5[%get3A_321] {strides = array<i32>} : memref<1152xi32, #tpu.memory_space<vmem>>, vector<16xi32>,
      %gather3A_323 = tpu.vector_load_idx %arg6[%get3A_322] : memref<50258xf32, #tpu.memory_space<vmem>>[vector<16xi32>], vector<16xf32>,
      %swap3A_324 = arith.constant 896 : index
      %swap3A_325 = tpu.vector_load %arg8[%swap3A_324] {strides = array<i32>} : memref<1152xf32, #tpu.memory_space<vmem>>, vector<16xf32>,
      tpu.vector_store %arg8[%swap3A_324], %gather3A_323 {strides = array<i32>} : memref<1152xf32, #tpu.memory_space<vmem>>, vector<16xf32>,
      %get3A_326 = arith.constant 912 : index
      %get3A_327 = tpu.vector_load %arg5[%get3A_326] {strides = array<i32>} : memref<1152xi32, #tpu.memory_space<vmem>>, vector<16xi32>,
      %gather3A_328 = tpu.vector_load_idx %arg6[%get3A_327] : memref<50258xf32, #tpu.memory_space<vmem>>[vector<16xi32>], vector<16xf32>,
      %swap3A_329 = arith.constant 912 : index
      %swap3A_330 = tpu.vector_load %arg8[%swap3A_329] {strides = array<i32>} : memref<1152xf32, #tpu.memory_space<vmem>>, vector<16xf32>,
      tpu.vector_store %arg8[%swap3A_329], %gather3A_328 {strides = array<i32>} : memref<1152xf32, #tpu.memory_space<vmem>>, vector<16xf32>,
      %get3A_331 = arith.constant 928 : index
      %get3A_332 = tpu.vector_load %arg5[%get3A_331] {strides = array<i32>} : memref<1152xi32, #tpu.memory_space<vmem>>, vector<16xi32>,
      %gather3A_333 = tpu.vector_load_idx %arg6[%get3A_332] : memref<50258xf32, #tpu.memory_space<vmem>>[vector<16xi32>], vector<16xf32>,
      %swap3A_334 = arith.constant 928 : index
      %swap3A_335 = tpu.vector_load %arg8[%swap3A_334] {strides = array<i32>} : memref<1152xf32, #tpu.memory_space<vmem>>, vector<16xf32>,
      tpu.vector_store %arg8[%swap3A_334], %gather3A_333 {strides = array<i32>} : memref<1152xf32, #tpu.memory_space<vmem>>, vector<16xf32>,
      %get3A_336 = arith.constant 944 : index
      %get3A_337 = tpu.vector_load %arg5[%get3A_336] {strides = array<i32>} : memref<1152xi32, #tpu.memory_space<vmem>>, vector<16xi32>,
      %gather3A_338 = tpu.vector_load_idx %arg6[%get3A_337] : memref<50258xf32, #tpu.memory_space<vmem>>[vector<16xi32>], vector<16xf32>,
      %swap3A_339 = arith.constant 944 : index
      %swap3A_340 = tpu.vector_load %arg8[%swap3A_339] {strides = array<i32>} : memref<1152xf32, #tpu.memory_space<vmem>>, vector<16xf32>,
      tpu.vector_store %arg8[%swap3A_339], %gather3A_338 {strides = array<i32>} : memref<1152xf32, #tpu.memory_space<vmem>>, vector<16xf32>,
      %get3A_341 = arith.constant 960 : index
      %get3A_342 = tpu.vector_load %arg5[%get3A_341] {strides = array<i32>} : memref<1152xi32, #tpu.memory_space<vmem>>, vector<16xi32>,
      %gather3A_343 = tpu.vector_load_idx %arg6[%get3A_342] : memref<50258xf32, #tpu.memory_space<vmem>>[vector<16xi32>], vector<16xf32>,
      %swap3A_344 = arith.constant 960 : index
      %swap3A_345 = tpu.vector_load %arg8[%swap3A_344] {strides = array<i32>} : memref<1152xf32, #tpu.memory_space<vmem>>, vector<16xf32>,
      tpu.vector_store %arg8[%swap3A_344], %gather3A_343 {strides = array<i32>} : memref<1152xf32, #tpu.memory_space<vmem>>, vector<16xf32>,
      %get3A_346 = arith.constant 976 : index
      %get3A_347 = tpu.vector_load %arg5[%get3A_346] {strides = array<i32>} : memref<1152xi32, #tpu.memory_space<vmem>>, vector<16xi32>,
      %gather3A_348 = tpu.vector_load_idx %arg6[%get3A_347] : memref<50258xf32, #tpu.memory_space<vmem>>[vector<16xi32>], vector<16xf32>,
      %swap3A_349 = arith.constant 976 : index
      %swap3A_350 = tpu.vector_load %arg8[%swap3A_349] {strides = array<i32>} : memref<1152xf32, #tpu.memory_space<vmem>>, vector<16xf32>,
      tpu.vector_store %arg8[%swap3A_349], %gather3A_348 {strides = array<i32>} : memref<1152xf32, #tpu.memory_space<vmem>>, vector<16xf32>,
      %get3A_351 = arith.constant 992 : index
      %get3A_352 = tpu.vector_load %arg5[%get3A_351] {strides = array<i32>} : memref<1152xi32, #tpu.memory_space<vmem>>, vector<16xi32>,
      %gather3A_353 = tpu.vector_load_idx %arg6[%get3A_352] : memref<50258xf32, #tpu.memory_space<vmem>>[vector<16xi32>], vector<16xf32>,
      %swap3A_354 = arith.constant 992 : index
      %swap3A_355 = tpu.vector_load %arg8[%swap3A_354] {strides = array<i32>} : memref<1152xf32, #tpu.memory_space<vmem>>, vector<16xf32>,
      tpu.vector_store %arg8[%swap3A_354], %gather3A_353 {strides = array<i32>} : memref<1152xf32, #tpu.memory_space<vmem>>, vector<16xf32>,
      %get3A_356 = arith.constant 1008 : index
      %get3A_357 = tpu.vector_load %arg5[%get3A_356] {strides = array<i32>} : memref<1152xi32, #tpu.memory_space<vmem>>, vector<16xi32>,
      %gather3A_358 = tpu.vector_load_idx %arg6[%get3A_357] : memref<50258xf32, #tpu.memory_space<vmem>>[vector<16xi32>], vector<16xf32>,
      %swap3A_359 = arith.constant 1008 : index
      %swap3A_360 = tpu.vector_load %arg8[%swap3A_359] {strides = array<i32>} : memref<1152xf32, #tpu.memory_space<vmem>>, vector<16xf32>,
      tpu.vector_store %arg8[%swap3A_359], %gather3A_358 {strides = array<i32>} : memref<1152xf32, #tpu.memory_space<vmem>>, vector<16xf32>,
      %get3A_361 = arith.constant 1024 : index
      %get3A_362 = tpu.vector_load %arg5[%get3A_361] {strides = array<i32>} : memref<1152xi32, #tpu.memory_space<vmem>>, vector<16xi32>,
      %gather3A_363 = tpu.vector_load_idx %arg6[%get3A_362] : memref<50258xf32, #tpu.memory_space<vmem>>[vector<16xi32>], vector<16xf32>,
      %swap3A_364 = arith.constant 1024 : index
      %swap3A_365 = tpu.vector_load %arg8[%swap3A_364] {strides = array<i32>} : memref<1152xf32, #tpu.memory_space<vmem>>, vector<16xf32>,
      tpu.vector_store %arg8[%swap3A_364], %gather3A_363 {strides = array<i32>} : memref<1152xf32, #tpu.memory_space<vmem>>, vector<16xf32>,
      %get3A_366 = arith.constant 1040 : index
      %get3A_367 = tpu.vector_load %arg5[%get3A_366] {strides = array<i32>} : memref<1152xi32, #tpu.memory_space<vmem>>, vector<16xi32>,
      %gather3A_368 = tpu.vector_load_idx %arg6[%get3A_367] : memref<50258xf32, #tpu.memory_space<vmem>>[vector<16xi32>], vector<16xf32>,
      %swap3A_369 = arith.constant 1040 : index
      %swap3A_370 = tpu.vector_load %arg8[%swap3A_369] {strides = array<i32>} : memref<1152xf32, #tpu.memory_space<vmem>>, vector<16xf32>,
      tpu.vector_store %arg8[%swap3A_369], %gather3A_368 {strides = array<i32>} : memref<1152xf32, #tpu.memory_space<vmem>>, vector<16xf32>,
      %get3A_371 = arith.constant 1056 : index
      %get3A_372 = tpu.vector_load %arg5[%get3A_371] {strides = array<i32>} : memref<1152xi32, #tpu.memory_space<vmem>>, vector<16xi32>,
      %gather3A_373 = tpu.vector_load_idx %arg6[%get3A_372] : memref<50258xf32, #tpu.memory_space<vmem>>[vector<16xi32>], vector<16xf32>,
      %swap3A_374 = arith.constant 1056 : index
      %swap3A_375 = tpu.vector_load %arg8[%swap3A_374] {strides = array<i32>} : memref<1152xf32, #tpu.memory_space<vmem>>, vector<16xf32>,
      tpu.vector_store %arg8[%swap3A_374], %gather3A_373 {strides = array<i32>} : memref<1152xf32, #tpu.memory_space<vmem>>, vector<16xf32>,
      %get3A_376 = arith.constant 1072 : index
      %get3A_377 = tpu.vector_load %arg5[%get3A_376] {strides = array<i32>} : memref<1152xi32, #tpu.memory_space<vmem>>, vector<16xi32>,
      %gather3A_378 = tpu.vector_load_idx %arg6[%get3A_377] : memref<50258xf32, #tpu.memory_space<vmem>>[vector<16xi32>], vector<16xf32>,
      %swap3A_379 = arith.constant 1072 : index
      %swap3A_380 = tpu.vector_load %arg8[%swap3A_379] {strides = array<i32>} : memref<1152xf32, #tpu.memory_space<vmem>>, vector<16xf32>,
      tpu.vector_store %arg8[%swap3A_379], %gather3A_378 {strides = array<i32>} : memref<1152xf32, #tpu.memory_space<vmem>>, vector<16xf32>,
      %get3A_381 = arith.constant 1088 : index
      %get3A_382 = tpu.vector_load %arg5[%get3A_381] {strides = array<i32>} : memref<1152xi32, #tpu.memory_space<vmem>>, vector<16xi32>,
      %gather3A_383 = tpu.vector_load_idx %arg6[%get3A_382] : memref<50258xf32, #tpu.memory_space<vmem>>[vector<16xi32>], vector<16xf32>,
      %swap3A_384 = arith.constant 1088 : index
      %swap3A_385 = tpu.vector_load %arg8[%swap3A_384] {strides = array<i32>} : memref<1152xf32, #tpu.memory_space<vmem>>, vector<16xf32>,
      tpu.vector_store %arg8[%swap3A_384], %gather3A_383 {strides = array<i32>} : memref<1152xf32, #tpu.memory_space<vmem>>, vector<16xf32>,
      %get3A_386 = arith.constant 1104 : index
      %get3A_387 = tpu.vector_load %arg5[%get3A_386] {strides = array<i32>} : memref<1152xi32, #tpu.memory_space<vmem>>, vector<16xi32>,
      %gather3A_388 = tpu.vector_load_idx %arg6[%get3A_387] : memref<50258xf32, #tpu.memory_space<vmem>>[vector<16xi32>], vector<16xf32>,
      %swap3A_389 = arith.constant 1104 : index
      %swap3A_390 = tpu.vector_load %arg8[%swap3A_389] {strides = array<i32>} : memref<1152xf32, #tpu.memory_space<vmem>>, vector<16xf32>,
      tpu.vector_store %arg8[%swap3A_389], %gather3A_388 {strides = array<i32>} : memref<1152xf32, #tpu.memory_space<vmem>>, vector<16xf32>,
      %get3A_391 = arith.constant 1120 : index
      %get3A_392 = tpu.vector_load %arg5[%get3A_391] {strides = array<i32>} : memref<1152xi32, #tpu.memory_space<vmem>>, vector<16xi32>,
      %gather3A_393 = tpu.vector_load_idx %arg6[%get3A_392] : memref<50258xf32, #tpu.memory_space<vmem>>[vector<16xi32>], vector<16xf32>,
      %swap3A_394 = arith.constant 1120 : index
      %swap3A_395 = tpu.vector_load %arg8[%swap3A_394] {strides = array<i32>} : memref<1152xf32, #tpu.memory_space<vmem>>, vector<16xf32>,
      tpu.vector_store %arg8[%swap3A_394], %gather3A_393 {strides = array<i32>} : memref<1152xf32, #tpu.memory_space<vmem>>, vector<16xf32>,
      %get3A_396 = arith.constant 1136 : index
      %get3A_397 = tpu.vector_load %arg5[%get3A_396] {strides = array<i32>} : memref<1152xi32, #tpu.memory_space<vmem>>, vector<16xi32>,
      %gather3A_398 = tpu.vector_load_idx %arg6[%get3A_397] : memref<50258xf32, #tpu.memory_space<vmem>>[vector<16xi32>], vector<16xf32>,
      %swap3A_399 = arith.constant 1136 : index
      %swap3A_400 = tpu.vector_load %arg8[%swap3A_399] {strides = array<i32>} : memref<1152xf32, #tpu.memory_space<vmem>>, vector<16xf32>,
      tpu.vector_store %arg8[%swap3A_399], %gather3A_398 {strides = array<i32>} : memref<1152xf32, #tpu.memory_space<vmem>>, vector<16xf32>,
      "tpu.region"() ({
        %run_scoped3A = tpu.sem_alloc : memref<!tpu.dma_semaphore, #tpu.memory_space<semaphore_mem>>
        %dma_start3A_769 = arith.constant 0 : i32
        %dma_start3A_770 = tpu.memref_slice %arg4[%add3A_30, %dma_start3A_769] : memref<1024x1152xf32, #tpu.memory_space<hbm>> -> memref<1x1152xf32, #tpu.memory_space<hbm>>
        %dma_start3A_771 = tpu.memref_squeeze %dma_start3A_770 : memref<1x1152xf32, #tpu.memory_space<hbm>> -> memref<1152xf32, #tpu.memory_space<hbm>>
        %dma_start3A_772 = arith.constant 0 : i32
        %dma_start3A_773 = tpu.memref_slice %arg4[%add3A_30, %dma_start3A_772] : memref<1024x1152xf32, #tpu.memory_space<hbm>> -> memref<1x1152xf32, #tpu.memory_space<hbm>>
        %dma_start3A_774 = tpu.memref_squeeze %dma_start3A_773 : memref<1x1152xf32, #tpu.memory_space<hbm>> -> memref<1152xf32, #tpu.memory_space<hbm>>
        tpu.enqueue_dma source(%arg8 : memref<1152xf32, #tpu.memory_space<vmem>>) target(%dma_start3A_774 : memref<1152xf32, #tpu.memory_space<hbm>>) target_semaphore(%run_scoped3A : memref<!tpu.dma_semaphore, #tpu.memory_space<semaphore_mem>>)
        %dma_wait3A_775 = arith.constant 0 : i32
        %dma_wait3A_776 = tpu.memref_slice %arg4[%add3A_30, %dma_wait3A_775] : memref<1024x1152xf32, #tpu.memory_space<hbm>> -> memref<1x1152xf32, #tpu.memory_space<hbm>>
        %dma_wait3A_777 = tpu.memref_squeeze %dma_wait3A_776 : memref<1x1152xf32, #tpu.memory_space<hbm>> -> memref<1152xf32, #tpu.memory_space<hbm>>
        %dma_wait3A_778 = arith.constant 0 : i32
        %dma_wait3A_779 = tpu.memref_slice %arg4[%add3A_30, %dma_wait3A_778] : memref<1024x1152xf32, #tpu.memory_space<hbm>> -> memref<1x1152xf32, #tpu.memory_space<hbm>>
        %dma_wait3A_780 = tpu.memref_squeeze %dma_wait3A_779 : memref<1x1152xf32, #tpu.memory_space<hbm>> -> memref<1152xf32, #tpu.memory_space<hbm>>
        tpu.wait_dma2 semaphore(%run_scoped3A : memref<!tpu.dma_semaphore, #tpu.memory_space<semaphore_mem>>) src(%arg8 : memref<1152xf32, #tpu.memory_space<vmem>>) dst(%dma_wait3A_780 : memref<1152xf32, #tpu.memory_space<hbm>>)
        tpu.yield
      }) : () -> ()
      %lt3A = arith.constant 15 : i32
      %lt3A_401 = arith.cmpi slt, %add3A_27, %lt3A : i32
      %convert_element_type3A = arith.extui %lt3A_401 : i1 to i32
      %cond3A = arith.constant 0 : i32
      %cond3A_402 = arith.cmpi ne, %convert_element_type3A, %cond3A : i32
      scf.if %cond3A_402 {
        %add3A_769 = arith.constant 2 : i32
        %add3A_770 = arith.addi %add3A_30, %add3A_769 : i32
        %dma_start3A_771 = arith.constant 0 : i32
        %dma_start3A_772 = tpu.memref_slice %arg2[%add3A_770, %dma_start3A_771] : memref<1024x50258xf32, #tpu.memory_space<hbm>> -> memref<1x50258xf32, #tpu.memory_space<hbm>>
        %dma_start3A_773 = tpu.memref_squeeze %dma_start3A_772 : memref<1x50258xf32, #tpu.memory_space<hbm>> -> memref<50258xf32, #tpu.memory_space<hbm>>
        %dma_start3A_774 = arith.constant 0 : i32
        %dma_start3A_775 = tpu.memref_slice %arg2[%add3A_770, %dma_start3A_774] : memref<1024x50258xf32, #tpu.memory_space<hbm>> -> memref<1x50258xf32, #tpu.memory_space<hbm>>
        %dma_start3A_776 = tpu.memref_squeeze %dma_start3A_775 : memref<1x50258xf32, #tpu.memory_space<hbm>> -> memref<50258xf32, #tpu.memory_space<hbm>>
        tpu.enqueue_dma source(%dma_start3A_776 : memref<50258xf32, #tpu.memory_space<hbm>>) target(%arg6 : memref<50258xf32, #tpu.memory_space<vmem>>) target_semaphore(%arg9 : memref<!tpu.dma_semaphore, #tpu.memory_space<semaphore_mem>>)
      } else {
      }
      %dma_wait3A_403 = arith.constant 0 : i32
      %dma_wait3A_404 = tpu.memref_slice %arg2[%add3A_32, %dma_wait3A_403] : memref<1024x50258xf32, #tpu.memory_space<hbm>> -> memref<1x50258xf32, #tpu.memory_space<hbm>>
      %dma_wait3A_405 = tpu.memref_squeeze %dma_wait3A_404 : memref<1x50258xf32, #tpu.memory_space<hbm>> -> memref<50258xf32, #tpu.memory_space<hbm>>
      %dma_wait3A_406 = arith.constant 0 : i32
      %dma_wait3A_407 = tpu.memref_slice %arg2[%add3A_32, %dma_wait3A_406] : memref<1024x50258xf32, #tpu.memory_space<hbm>> -> memref<1x50258xf32, #tpu.memory_space<hbm>>
      %dma_wait3A_408 = tpu.memref_squeeze %dma_wait3A_407 : memref<1x50258xf32, #tpu.memory_space<hbm>> -> memref<50258xf32, #tpu.memory_space<hbm>>
      tpu.wait_dma2 semaphore(%arg10 : memref<!tpu.dma_semaphore, #tpu.memory_space<semaphore_mem>>) src(%dma_wait3A_408 : memref<50258xf32, #tpu.memory_space<hbm>>) dst(%arg7 : memref<50258xf32, #tpu.memory_space<vmem>>)
      %get3A_409 = arith.constant 0 : index
      %get3A_410 = tpu.vector_load %arg5[%get3A_409] {strides = array<i32>} : memref<1152xi32, #tpu.memory_space<vmem>>, vector<16xi32>,
      %gather3A_411 = tpu.vector_load_idx %arg7[%get3A_410] : memref<50258xf32, #tpu.memory_space<vmem>>[vector<16xi32>], vector<16xf32>,
      %swap3A_412 = arith.constant 0 : index
      %swap3A_413 = tpu.vector_load %arg8[%swap3A_412] {strides = array<i32>} : memref<1152xf32, #tpu.memory_space<vmem>>, vector<16xf32>,
      tpu.vector_store %arg8[%swap3A_412], %gather3A_411 {strides = array<i32>} : memref<1152xf32, #tpu.memory_space<vmem>>, vector<16xf32>,
      %get3A_414 = arith.constant 16 : index
      %get3A_415 = tpu.vector_load %arg5[%get3A_414] {strides = array<i32>} : memref<1152xi32, #tpu.memory_space<vmem>>, vector<16xi32>,
      %gather3A_416 = tpu.vector_load_idx %arg7[%get3A_415] : memref<50258xf32, #tpu.memory_space<vmem>>[vector<16xi32>], vector<16xf32>,
      %swap3A_417 = arith.constant 16 : index
      %swap3A_418 = tpu.vector_load %arg8[%swap3A_417] {strides = array<i32>} : memref<1152xf32, #tpu.memory_space<vmem>>, vector<16xf32>,
      tpu.vector_store %arg8[%swap3A_417], %gather3A_416 {strides = array<i32>} : memref<1152xf32, #tpu.memory_space<vmem>>, vector<16xf32>,
      %get3A_419 = arith.constant 32 : index
      %get3A_420 = tpu.vector_load %arg5[%get3A_419] {strides = array<i32>} : memref<1152xi32, #tpu.memory_space<vmem>>, vector<16xi32>,
      %gather3A_421 = tpu.vector_load_idx %arg7[%get3A_420] : memref<50258xf32, #tpu.memory_space<vmem>>[vector<16xi32>], vector<16xf32>,
      %swap3A_422 = arith.constant 32 : index
      %swap3A_423 = tpu.vector_load %arg8[%swap3A_422] {strides = array<i32>} : memref<1152xf32, #tpu.memory_space<vmem>>, vector<16xf32>,
      tpu.vector_store %arg8[%swap3A_422], %gather3A_421 {strides = array<i32>} : memref<1152xf32, #tpu.memory_space<vmem>>, vector<16xf32>,
      %get3A_424 = arith.constant 48 : index
      %get3A_425 = tpu.vector_load %arg5[%get3A_424] {strides = array<i32>} : memref<1152xi32, #tpu.memory_space<vmem>>, vector<16xi32>,
      %gather3A_426 = tpu.vector_load_idx %arg7[%get3A_425] : memref<50258xf32, #tpu.memory_space<vmem>>[vector<16xi32>], vector<16xf32>,
      %swap3A_427 = arith.constant 48 : index
      %swap3A_428 = tpu.vector_load %arg8[%swap3A_427] {strides = array<i32>} : memref<1152xf32, #tpu.memory_space<vmem>>, vector<16xf32>,
      tpu.vector_store %arg8[%swap3A_427], %gather3A_426 {strides = array<i32>} : memref<1152xf32, #tpu.memory_space<vmem>>, vector<16xf32>,
      %get3A_429 = arith.constant 64 : index
      %get3A_430 = tpu.vector_load %arg5[%get3A_429] {strides = array<i32>} : memref<1152xi32, #tpu.memory_space<vmem>>, vector<16xi32>,
      %gather3A_431 = tpu.vector_load_idx %arg7[%get3A_430] : memref<50258xf32, #tpu.memory_space<vmem>>[vector<16xi32>], vector<16xf32>,
      %swap3A_432 = arith.constant 64 : index
      %swap3A_433 = tpu.vector_load %arg8[%swap3A_432] {strides = array<i32>} : memref<1152xf32, #tpu.memory_space<vmem>>, vector<16xf32>,
      tpu.vector_store %arg8[%swap3A_432], %gather3A_431 {strides = array<i32>} : memref<1152xf32, #tpu.memory_space<vmem>>, vector<16xf32>,
      %get3A_434 = arith.constant 80 : index
      %get3A_435 = tpu.vector_load %arg5[%get3A_434] {strides = array<i32>} : memref<1152xi32, #tpu.memory_space<vmem>>, vector<16xi32>,
      %gather3A_436 = tpu.vector_load_idx %arg7[%get3A_435] : memref<50258xf32, #tpu.memory_space<vmem>>[vector<16xi32>], vector<16xf32>,
      %swap3A_437 = arith.constant 80 : index
      %swap3A_438 = tpu.vector_load %arg8[%swap3A_437] {strides = array<i32>} : memref<1152xf32, #tpu.memory_space<vmem>>, vector<16xf32>,
      tpu.vector_store %arg8[%swap3A_437], %gather3A_436 {strides = array<i32>} : memref<1152xf32, #tpu.memory_space<vmem>>, vector<16xf32>,
      %get3A_439 = arith.constant 96 : index
      %get3A_440 = tpu.vector_load %arg5[%get3A_439] {strides = array<i32>} : memref<1152xi32, #tpu.memory_space<vmem>>, vector<16xi32>,
      %gather3A_441 = tpu.vector_load_idx %arg7[%get3A_440] : memref<50258xf32, #tpu.memory_space<vmem>>[vector<16xi32>], vector<16xf32>,
      %swap3A_442 = arith.constant 96 : index
      %swap3A_443 = tpu.vector_load %arg8[%swap3A_442] {strides = array<i32>} : memref<1152xf32, #tpu.memory_space<vmem>>, vector<16xf32>,
      tpu.vector_store %arg8[%swap3A_442], %gather3A_441 {strides = array<i32>} : memref<1152xf32, #tpu.memory_space<vmem>>, vector<16xf32>,
      %get3A_444 = arith.constant 112 : index
      %get3A_445 = tpu.vector_load %arg5[%get3A_444] {strides = array<i32>} : memref<1152xi32, #tpu.memory_space<vmem>>, vector<16xi32>,
      %gather3A_446 = tpu.vector_load_idx %arg7[%get3A_445] : memref<50258xf32, #tpu.memory_space<vmem>>[vector<16xi32>], vector<16xf32>,
      %swap3A_447 = arith.constant 112 : index
      %swap3A_448 = tpu.vector_load %arg8[%swap3A_447] {strides = array<i32>} : memref<1152xf32, #tpu.memory_space<vmem>>, vector<16xf32>,
      tpu.vector_store %arg8[%swap3A_447], %gather3A_446 {strides = array<i32>} : memref<1152xf32, #tpu.memory_space<vmem>>, vector<16xf32>,
      %get3A_449 = arith.constant 128 : index
      %get3A_450 = tpu.vector_load %arg5[%get3A_449] {strides = array<i32>} : memref<1152xi32, #tpu.memory_space<vmem>>, vector<16xi32>,
      %gather3A_451 = tpu.vector_load_idx %arg7[%get3A_450] : memref<50258xf32, #tpu.memory_space<vmem>>[vector<16xi32>], vector<16xf32>,
      %swap3A_452 = arith.constant 128 : index
      %swap3A_453 = tpu.vector_load %arg8[%swap3A_452] {strides = array<i32>} : memref<1152xf32, #tpu.memory_space<vmem>>, vector<16xf32>,
      tpu.vector_store %arg8[%swap3A_452], %gather3A_451 {strides = array<i32>} : memref<1152xf32, #tpu.memory_space<vmem>>, vector<16xf32>,
      %get3A_454 = arith.constant 144 : index
      %get3A_455 = tpu.vector_load %arg5[%get3A_454] {strides = array<i32>} : memref<1152xi32, #tpu.memory_space<vmem>>, vector<16xi32>,
      %gather3A_456 = tpu.vector_load_idx %arg7[%get3A_455] : memref<50258xf32, #tpu.memory_space<vmem>>[vector<16xi32>], vector<16xf32>,
      %swap3A_457 = arith.constant 144 : index
      %swap3A_458 = tpu.vector_load %arg8[%swap3A_457] {strides = array<i32>} : memref<1152xf32, #tpu.memory_space<vmem>>, vector<16xf32>,
      tpu.vector_store %arg8[%swap3A_457], %gather3A_456 {strides = array<i32>} : memref<1152xf32, #tpu.memory_space<vmem>>, vector<16xf32>,
      %get3A_459 = arith.constant 160 : index
      %get3A_460 = tpu.vector_load %arg5[%get3A_459] {strides = array<i32>} : memref<1152xi32, #tpu.memory_space<vmem>>, vector<16xi32>,
      %gather3A_461 = tpu.vector_load_idx %arg7[%get3A_460] : memref<50258xf32, #tpu.memory_space<vmem>>[vector<16xi32>], vector<16xf32>,
      %swap3A_462 = arith.constant 160 : index
      %swap3A_463 = tpu.vector_load %arg8[%swap3A_462] {strides = array<i32>} : memref<1152xf32, #tpu.memory_space<vmem>>, vector<16xf32>,
      tpu.vector_store %arg8[%swap3A_462], %gather3A_461 {strides = array<i32>} : memref<1152xf32, #tpu.memory_space<vmem>>, vector<16xf32>,
      %get3A_464 = arith.constant 176 : index
      %get3A_465 = tpu.vector_load %arg5[%get3A_464] {strides = array<i32>} : memref<1152xi32, #tpu.memory_space<vmem>>, vector<16xi32>,
      %gather3A_466 = tpu.vector_load_idx %arg7[%get3A_465] : memref<50258xf32, #tpu.memory_space<vmem>>[vector<16xi32>], vector<16xf32>,
      %swap3A_467 = arith.constant 176 : index
      %swap3A_468 = tpu.vector_load %arg8[%swap3A_467] {strides = array<i32>} : memref<1152xf32, #tpu.memory_space<vmem>>, vector<16xf32>,
      tpu.vector_store %arg8[%swap3A_467], %gather3A_466 {strides = array<i32>} : memref<1152xf32, #tpu.memory_space<vmem>>, vector<16xf32>,
      %get3A_469 = arith.constant 192 : index
      %get3A_470 = tpu.vector_load %arg5[%get3A_469] {strides = array<i32>} : memref<1152xi32, #tpu.memory_space<vmem>>, vector<16xi32>,
      %gather3A_471 = tpu.vector_load_idx %arg7[%get3A_470] : memref<50258xf32, #tpu.memory_space<vmem>>[vector<16xi32>], vector<16xf32>,
      %swap3A_472 = arith.constant 192 : index
      %swap3A_473 = tpu.vector_load %arg8[%swap3A_472] {strides = array<i32>} : memref<1152xf32, #tpu.memory_space<vmem>>, vector<16xf32>,
      tpu.vector_store %arg8[%swap3A_472], %gather3A_471 {strides = array<i32>} : memref<1152xf32, #tpu.memory_space<vmem>>, vector<16xf32>,
      %get3A_474 = arith.constant 208 : index
      %get3A_475 = tpu.vector_load %arg5[%get3A_474] {strides = array<i32>} : memref<1152xi32, #tpu.memory_space<vmem>>, vector<16xi32>,
      %gather3A_476 = tpu.vector_load_idx %arg7[%get3A_475] : memref<50258xf32, #tpu.memory_space<vmem>>[vector<16xi32>], vector<16xf32>,
      %swap3A_477 = arith.constant 208 : index
      %swap3A_478 = tpu.vector_load %arg8[%swap3A_477] {strides = array<i32>} : memref<1152xf32, #tpu.memory_space<vmem>>, vector<16xf32>,
      tpu.vector_store %arg8[%swap3A_477], %gather3A_476 {strides = array<i32>} : memref<1152xf32, #tpu.memory_space<vmem>>, vector<16xf32>,
      %get3A_479 = arith.constant 224 : index
      %get3A_480 = tpu.vector_load %arg5[%get3A_479] {strides = array<i32>} : memref<1152xi32, #tpu.memory_space<vmem>>, vector<16xi32>,
      %gather3A_481 = tpu.vector_load_idx %arg7[%get3A_480] : memref<50258xf32, #tpu.memory_space<vmem>>[vector<16xi32>], vector<16xf32>,
      %swap3A_482 = arith.constant 224 : index
      %swap3A_483 = tpu.vector_load %arg8[%swap3A_482] {strides = array<i32>} : memref<1152xf32, #tpu.memory_space<vmem>>, vector<16xf32>,
      tpu.vector_store %arg8[%swap3A_482], %gather3A_481 {strides = array<i32>} : memref<1152xf32, #tpu.memory_space<vmem>>, vector<16xf32>,
      %get3A_484 = arith.constant 240 : index
      %get3A_485 = tpu.vector_load %arg5[%get3A_484] {strides = array<i32>} : memref<1152xi32, #tpu.memory_space<vmem>>, vector<16xi32>,
      %gather3A_486 = tpu.vector_load_idx %arg7[%get3A_485] : memref<50258xf32, #tpu.memory_space<vmem>>[vector<16xi32>], vector<16xf32>,
      %swap3A_487 = arith.constant 240 : index
      %swap3A_488 = tpu.vector_load %arg8[%swap3A_487] {strides = array<i32>} : memref<1152xf32, #tpu.memory_space<vmem>>, vector<16xf32>,
      tpu.vector_store %arg8[%swap3A_487], %gather3A_486 {strides = array<i32>} : memref<1152xf32, #tpu.memory_space<vmem>>, vector<16xf32>,
      %get3A_489 = arith.constant 256 : index
      %get3A_490 = tpu.vector_load %arg5[%get3A_489] {strides = array<i32>} : memref<1152xi32, #tpu.memory_space<vmem>>, vector<16xi32>,
      %gather3A_491 = tpu.vector_load_idx %arg7[%get3A_490] : memref<50258xf32, #tpu.memory_space<vmem>>[vector<16xi32>], vector<16xf32>,
      %swap3A_492 = arith.constant 256 : index
      %swap3A_493 = tpu.vector_load %arg8[%swap3A_492] {strides = array<i32>} : memref<1152xf32, #tpu.memory_space<vmem>>, vector<16xf32>,
      tpu.vector_store %arg8[%swap3A_492], %gather3A_491 {strides = array<i32>} : memref<1152xf32, #tpu.memory_space<vmem>>, vector<16xf32>,
      %get3A_494 = arith.constant 272 : index
      %get3A_495 = tpu.vector_load %arg5[%get3A_494] {strides = array<i32>} : memref<1152xi32, #tpu.memory_space<vmem>>, vector<16xi32>,
      %gather3A_496 = tpu.vector_load_idx %arg7[%get3A_495] : memref<50258xf32, #tpu.memory_space<vmem>>[vector<16xi32>], vector<16xf32>,
      %swap3A_497 = arith.constant 272 : index
      %swap3A_498 = tpu.vector_load %arg8[%swap3A_497] {strides = array<i32>} : memref<1152xf32, #tpu.memory_space<vmem>>, vector<16xf32>,
      tpu.vector_store %arg8[%swap3A_497], %gather3A_496 {strides = array<i32>} : memref<1152xf32, #tpu.memory_space<vmem>>, vector<16xf32>,
      %get3A_499 = arith.constant 288 : index
      %get3A_500 = tpu.vector_load %arg5[%get3A_499] {strides = array<i32>} : memref<1152xi32, #tpu.memory_space<vmem>>, vector<16xi32>,
      %gather3A_501 = tpu.vector_load_idx %arg7[%get3A_500] : memref<50258xf32, #tpu.memory_space<vmem>>[vector<16xi32>], vector<16xf32>,
      %swap3A_502 = arith.constant 288 : index
      %swap3A_503 = tpu.vector_load %arg8[%swap3A_502] {strides = array<i32>} : memref<1152xf32, #tpu.memory_space<vmem>>, vector<16xf32>,
      tpu.vector_store %arg8[%swap3A_502], %gather3A_501 {strides = array<i32>} : memref<1152xf32, #tpu.memory_space<vmem>>, vector<16xf32>,
      %get3A_504 = arith.constant 304 : index
      %get3A_505 = tpu.vector_load %arg5[%get3A_504] {strides = array<i32>} : memref<1152xi32, #tpu.memory_space<vmem>>, vector<16xi32>,
      %gather3A_506 = tpu.vector_load_idx %arg7[%get3A_505] : memref<50258xf32, #tpu.memory_space<vmem>>[vector<16xi32>], vector<16xf32>,
      %swap3A_507 = arith.constant 304 : index
      %swap3A_508 = tpu.vector_load %arg8[%swap3A_507] {strides = array<i32>} : memref<1152xf32, #tpu.memory_space<vmem>>, vector<16xf32>,
      tpu.vector_store %arg8[%swap3A_507], %gather3A_506 {strides = array<i32>} : memref<1152xf32, #tpu.memory_space<vmem>>, vector<16xf32>,
      %get3A_509 = arith.constant 320 : index
      %get3A_510 = tpu.vector_load %arg5[%get3A_509] {strides = array<i32>} : memref<1152xi32, #tpu.memory_space<vmem>>, vector<16xi32>,
      %gather3A_511 = tpu.vector_load_idx %arg7[%get3A_510] : memref<50258xf32, #tpu.memory_space<vmem>>[vector<16xi32>], vector<16xf32>,
      %swap3A_512 = arith.constant 320 : index
      %swap3A_513 = tpu.vector_load %arg8[%swap3A_512] {strides = array<i32>} : memref<1152xf32, #tpu.memory_space<vmem>>, vector<16xf32>,
      tpu.vector_store %arg8[%swap3A_512], %gather3A_511 {strides = array<i32>} : memref<1152xf32, #tpu.memory_space<vmem>>, vector<16xf32>,
      %get3A_514 = arith.constant 336 : index
      %get3A_515 = tpu.vector_load %arg5[%get3A_514] {strides = array<i32>} : memref<1152xi32, #tpu.memory_space<vmem>>, vector<16xi32>,
      %gather3A_516 = tpu.vector_load_idx %arg7[%get3A_515] : memref<50258xf32, #tpu.memory_space<vmem>>[vector<16xi32>], vector<16xf32>,
      %swap3A_517 = arith.constant 336 : index
      %swap3A_518 = tpu.vector_load %arg8[%swap3A_517] {strides = array<i32>} : memref<1152xf32, #tpu.memory_space<vmem>>, vector<16xf32>,
      tpu.vector_store %arg8[%swap3A_517], %gather3A_516 {strides = array<i32>} : memref<1152xf32, #tpu.memory_space<vmem>>, vector<16xf32>,
      %get3A_519 = arith.constant 352 : index
      %get3A_520 = tpu.vector_load %arg5[%get3A_519] {strides = array<i32>} : memref<1152xi32, #tpu.memory_space<vmem>>, vector<16xi32>,
      %gather3A_521 = tpu.vector_load_idx %arg7[%get3A_520] : memref<50258xf32, #tpu.memory_space<vmem>>[vector<16xi32>], vector<16xf32>,
      %swap3A_522 = arith.constant 352 : index
      %swap3A_523 = tpu.vector_load %arg8[%swap3A_522] {strides = array<i32>} : memref<1152xf32, #tpu.memory_space<vmem>>, vector<16xf32>,
      tpu.vector_store %arg8[%swap3A_522], %gather3A_521 {strides = array<i32>} : memref<1152xf32, #tpu.memory_space<vmem>>, vector<16xf32>,
      %get3A_524 = arith.constant 368 : index
      %get3A_525 = tpu.vector_load %arg5[%get3A_524] {strides = array<i32>} : memref<1152xi32, #tpu.memory_space<vmem>>, vector<16xi32>,
      %gather3A_526 = tpu.vector_load_idx %arg7[%get3A_525] : memref<50258xf32, #tpu.memory_space<vmem>>[vector<16xi32>], vector<16xf32>,
      %swap3A_527 = arith.constant 368 : index
      %swap3A_528 = tpu.vector_load %arg8[%swap3A_527] {strides = array<i32>} : memref<1152xf32, #tpu.memory_space<vmem>>, vector<16xf32>,
      tpu.vector_store %arg8[%swap3A_527], %gather3A_526 {strides = array<i32>} : memref<1152xf32, #tpu.memory_space<vmem>>, vector<16xf32>,
      %get3A_529 = arith.constant 384 : index
      %get3A_530 = tpu.vector_load %arg5[%get3A_529] {strides = array<i32>} : memref<1152xi32, #tpu.memory_space<vmem>>, vector<16xi32>,
      %gather3A_531 = tpu.vector_load_idx %arg7[%get3A_530] : memref<50258xf32, #tpu.memory_space<vmem>>[vector<16xi32>], vector<16xf32>,
      %swap3A_532 = arith.constant 384 : index
      %swap3A_533 = tpu.vector_load %arg8[%swap3A_532] {strides = array<i32>} : memref<1152xf32, #tpu.memory_space<vmem>>, vector<16xf32>,
      tpu.vector_store %arg8[%swap3A_532], %gather3A_531 {strides = array<i32>} : memref<1152xf32, #tpu.memory_space<vmem>>, vector<16xf32>,
      %get3A_534 = arith.constant 400 : index
      %get3A_535 = tpu.vector_load %arg5[%get3A_534] {strides = array<i32>} : memref<1152xi32, #tpu.memory_space<vmem>>, vector<16xi32>,
      %gather3A_536 = tpu.vector_load_idx %arg7[%get3A_535] : memref<50258xf32, #tpu.memory_space<vmem>>[vector<16xi32>], vector<16xf32>,
      %swap3A_537 = arith.constant 400 : index
      %swap3A_538 = tpu.vector_load %arg8[%swap3A_537] {strides = array<i32>} : memref<1152xf32, #tpu.memory_space<vmem>>, vector<16xf32>,
      tpu.vector_store %arg8[%swap3A_537], %gather3A_536 {strides = array<i32>} : memref<1152xf32, #tpu.memory_space<vmem>>, vector<16xf32>,
      %get3A_539 = arith.constant 416 : index
      %get3A_540 = tpu.vector_load %arg5[%get3A_539] {strides = array<i32>} : memref<1152xi32, #tpu.memory_space<vmem>>, vector<16xi32>,
      %gather3A_541 = tpu.vector_load_idx %arg7[%get3A_540] : memref<50258xf32, #tpu.memory_space<vmem>>[vector<16xi32>], vector<16xf32>,
      %swap3A_542 = arith.constant 416 : index
      %swap3A_543 = tpu.vector_load %arg8[%swap3A_542] {strides = array<i32>} : memref<1152xf32, #tpu.memory_space<vmem>>, vector<16xf32>,
      tpu.vector_store %arg8[%swap3A_542], %gather3A_541 {strides = array<i32>} : memref<1152xf32, #tpu.memory_space<vmem>>, vector<16xf32>,
      %get3A_544 = arith.constant 432 : index
      %get3A_545 = tpu.vector_load %arg5[%get3A_544] {strides = array<i32>} : memref<1152xi32, #tpu.memory_space<vmem>>, vector<16xi32>,
      %gather3A_546 = tpu.vector_load_idx %arg7[%get3A_545] : memref<50258xf32, #tpu.memory_space<vmem>>[vector<16xi32>], vector<16xf32>,
      %swap3A_547 = arith.constant 432 : index
      %swap3A_548 = tpu.vector_load %arg8[%swap3A_547] {strides = array<i32>} : memref<1152xf32, #tpu.memory_space<vmem>>, vector<16xf32>,
      tpu.vector_store %arg8[%swap3A_547], %gather3A_546 {strides = array<i32>} : memref<1152xf32, #tpu.memory_space<vmem>>, vector<16xf32>,
      %get3A_549 = arith.constant 448 : index
      %get3A_550 = tpu.vector_load %arg5[%get3A_549] {strides = array<i32>} : memref<1152xi32, #tpu.memory_space<vmem>>, vector<16xi32>,
      %gather3A_551 = tpu.vector_load_idx %arg7[%get3A_550] : memref<50258xf32, #tpu.memory_space<vmem>>[vector<16xi32>], vector<16xf32>,
      %swap3A_552 = arith.constant 448 : index
      %swap3A_553 = tpu.vector_load %arg8[%swap3A_552] {strides = array<i32>} : memref<1152xf32, #tpu.memory_space<vmem>>, vector<16xf32>,
      tpu.vector_store %arg8[%swap3A_552], %gather3A_551 {strides = array<i32>} : memref<1152xf32, #tpu.memory_space<vmem>>, vector<16xf32>,
      %get3A_554 = arith.constant 464 : index
      %get3A_555 = tpu.vector_load %arg5[%get3A_554] {strides = array<i32>} : memref<1152xi32, #tpu.memory_space<vmem>>, vector<16xi32>,
      %gather3A_556 = tpu.vector_load_idx %arg7[%get3A_555] : memref<50258xf32, #tpu.memory_space<vmem>>[vector<16xi32>], vector<16xf32>,
      %swap3A_557 = arith.constant 464 : index
      %swap3A_558 = tpu.vector_load %arg8[%swap3A_557] {strides = array<i32>} : memref<1152xf32, #tpu.memory_space<vmem>>, vector<16xf32>,
      tpu.vector_store %arg8[%swap3A_557], %gather3A_556 {strides = array<i32>} : memref<1152xf32, #tpu.memory_space<vmem>>, vector<16xf32>,
      %get3A_559 = arith.constant 480 : index
      %get3A_560 = tpu.vector_load %arg5[%get3A_559] {strides = array<i32>} : memref<1152xi32, #tpu.memory_space<vmem>>, vector<16xi32>,
      %gather3A_561 = tpu.vector_load_idx %arg7[%get3A_560] : memref<50258xf32, #tpu.memory_space<vmem>>[vector<16xi32>], vector<16xf32>,
      %swap3A_562 = arith.constant 480 : index
      %swap3A_563 = tpu.vector_load %arg8[%swap3A_562] {strides = array<i32>} : memref<1152xf32, #tpu.memory_space<vmem>>, vector<16xf32>,
      tpu.vector_store %arg8[%swap3A_562], %gather3A_561 {strides = array<i32>} : memref<1152xf32, #tpu.memory_space<vmem>>, vector<16xf32>,
      %get3A_564 = arith.constant 496 : index
      %get3A_565 = tpu.vector_load %arg5[%get3A_564] {strides = array<i32>} : memref<1152xi32, #tpu.memory_space<vmem>>, vector<16xi32>,
      %gather3A_566 = tpu.vector_load_idx %arg7[%get3A_565] : memref<50258xf32, #tpu.memory_space<vmem>>[vector<16xi32>], vector<16xf32>,
      %swap3A_567 = arith.constant 496 : index
      %swap3A_568 = tpu.vector_load %arg8[%swap3A_567] {strides = array<i32>} : memref<1152xf32, #tpu.memory_space<vmem>>, vector<16xf32>,
      tpu.vector_store %arg8[%swap3A_567], %gather3A_566 {strides = array<i32>} : memref<1152xf32, #tpu.memory_space<vmem>>, vector<16xf32>,
      %get3A_569 = arith.constant 512 : index
      %get3A_570 = tpu.vector_load %arg5[%get3A_569] {strides = array<i32>} : memref<1152xi32, #tpu.memory_space<vmem>>, vector<16xi32>,
      %gather3A_571 = tpu.vector_load_idx %arg7[%get3A_570] : memref<50258xf32, #tpu.memory_space<vmem>>[vector<16xi32>], vector<16xf32>,
      %swap3A_572 = arith.constant 512 : index
      %swap3A_573 = tpu.vector_load %arg8[%swap3A_572] {strides = array<i32>} : memref<1152xf32, #tpu.memory_space<vmem>>, vector<16xf32>,
      tpu.vector_store %arg8[%swap3A_572], %gather3A_571 {strides = array<i32>} : memref<1152xf32, #tpu.memory_space<vmem>>, vector<16xf32>,
      %get3A_574 = arith.constant 528 : index
      %get3A_575 = tpu.vector_load %arg5[%get3A_574] {strides = array<i32>} : memref<1152xi32, #tpu.memory_space<vmem>>, vector<16xi32>,
      %gather3A_576 = tpu.vector_load_idx %arg7[%get3A_575] : memref<50258xf32, #tpu.memory_space<vmem>>[vector<16xi32>], vector<16xf32>,
      %swap3A_577 = arith.constant 528 : index
      %swap3A_578 = tpu.vector_load %arg8[%swap3A_577] {strides = array<i32>} : memref<1152xf32, #tpu.memory_space<vmem>>, vector<16xf32>,
      tpu.vector_store %arg8[%swap3A_577], %gather3A_576 {strides = array<i32>} : memref<1152xf32, #tpu.memory_space<vmem>>, vector<16xf32>,
      %get3A_579 = arith.constant 544 : index
      %get3A_580 = tpu.vector_load %arg5[%get3A_579] {strides = array<i32>} : memref<1152xi32, #tpu.memory_space<vmem>>, vector<16xi32>,
      %gather3A_581 = tpu.vector_load_idx %arg7[%get3A_580] : memref<50258xf32, #tpu.memory_space<vmem>>[vector<16xi32>], vector<16xf32>,
      %swap3A_582 = arith.constant 544 : index
      %swap3A_583 = tpu.vector_load %arg8[%swap3A_582] {strides = array<i32>} : memref<1152xf32, #tpu.memory_space<vmem>>, vector<16xf32>,
      tpu.vector_store %arg8[%swap3A_582], %gather3A_581 {strides = array<i32>} : memref<1152xf32, #tpu.memory_space<vmem>>, vector<16xf32>,
      %get3A_584 = arith.constant 560 : index
      %get3A_585 = tpu.vector_load %arg5[%get3A_584] {strides = array<i32>} : memref<1152xi32, #tpu.memory_space<vmem>>, vector<16xi32>,
      %gather3A_586 = tpu.vector_load_idx %arg7[%get3A_585] : memref<50258xf32, #tpu.memory_space<vmem>>[vector<16xi32>], vector<16xf32>,
      %swap3A_587 = arith.constant 560 : index
      %swap3A_588 = tpu.vector_load %arg8[%swap3A_587] {strides = array<i32>} : memref<1152xf32, #tpu.memory_space<vmem>>, vector<16xf32>,
      tpu.vector_store %arg8[%swap3A_587], %gather3A_586 {strides = array<i32>} : memref<1152xf32, #tpu.memory_space<vmem>>, vector<16xf32>,
      %get3A_589 = arith.constant 576 : index
      %get3A_590 = tpu.vector_load %arg5[%get3A_589] {strides = array<i32>} : memref<1152xi32, #tpu.memory_space<vmem>>, vector<16xi32>,
      %gather3A_591 = tpu.vector_load_idx %arg7[%get3A_590] : memref<50258xf32, #tpu.memory_space<vmem>>[vector<16xi32>], vector<16xf32>,
      %swap3A_592 = arith.constant 576 : index
      %swap3A_593 = tpu.vector_load %arg8[%swap3A_592] {strides = array<i32>} : memref<1152xf32, #tpu.memory_space<vmem>>, vector<16xf32>,
      tpu.vector_store %arg8[%swap3A_592], %gather3A_591 {strides = array<i32>} : memref<1152xf32, #tpu.memory_space<vmem>>, vector<16xf32>,
      %get3A_594 = arith.constant 592 : index
      %get3A_595 = tpu.vector_load %arg5[%get3A_594] {strides = array<i32>} : memref<1152xi32, #tpu.memory_space<vmem>>, vector<16xi32>,
      %gather3A_596 = tpu.vector_load_idx %arg7[%get3A_595] : memref<50258xf32, #tpu.memory_space<vmem>>[vector<16xi32>], vector<16xf32>,
      %swap3A_597 = arith.constant 592 : index
      %swap3A_598 = tpu.vector_load %arg8[%swap3A_597] {strides = array<i32>} : memref<1152xf32, #tpu.memory_space<vmem>>, vector<16xf32>,
      tpu.vector_store %arg8[%swap3A_597], %gather3A_596 {strides = array<i32>} : memref<1152xf32, #tpu.memory_space<vmem>>, vector<16xf32>,
      %get3A_599 = arith.constant 608 : index
      %get3A_600 = tpu.vector_load %arg5[%get3A_599] {strides = array<i32>} : memref<1152xi32, #tpu.memory_space<vmem>>, vector<16xi32>,
      %gather3A_601 = tpu.vector_load_idx %arg7[%get3A_600] : memref<50258xf32, #tpu.memory_space<vmem>>[vector<16xi32>], vector<16xf32>,
      %swap3A_602 = arith.constant 608 : index
      %swap3A_603 = tpu.vector_load %arg8[%swap3A_602] {strides = array<i32>} : memref<1152xf32, #tpu.memory_space<vmem>>, vector<16xf32>,
      tpu.vector_store %arg8[%swap3A_602], %gather3A_601 {strides = array<i32>} : memref<1152xf32, #tpu.memory_space<vmem>>, vector<16xf32>,
      %get3A_604 = arith.constant 624 : index
      %get3A_605 = tpu.vector_load %arg5[%get3A_604] {strides = array<i32>} : memref<1152xi32, #tpu.memory_space<vmem>>, vector<16xi32>,
      %gather3A_606 = tpu.vector_load_idx %arg7[%get3A_605] : memref<50258xf32, #tpu.memory_space<vmem>>[vector<16xi32>], vector<16xf32>,
      %swap3A_607 = arith.constant 624 : index
      %swap3A_608 = tpu.vector_load %arg8[%swap3A_607] {strides = array<i32>} : memref<1152xf32, #tpu.memory_space<vmem>>, vector<16xf32>,
      tpu.vector_store %arg8[%swap3A_607], %gather3A_606 {strides = array<i32>} : memref<1152xf32, #tpu.memory_space<vmem>>, vector<16xf32>,
      %get3A_609 = arith.constant 640 : index
      %get3A_610 = tpu.vector_load %arg5[%get3A_609] {strides = array<i32>} : memref<1152xi32, #tpu.memory_space<vmem>>, vector<16xi32>,
      %gather3A_611 = tpu.vector_load_idx %arg7[%get3A_610] : memref<50258xf32, #tpu.memory_space<vmem>>[vector<16xi32>], vector<16xf32>,
      %swap3A_612 = arith.constant 640 : index
      %swap3A_613 = tpu.vector_load %arg8[%swap3A_612] {strides = array<i32>} : memref<1152xf32, #tpu.memory_space<vmem>>, vector<16xf32>,
      tpu.vector_store %arg8[%swap3A_612], %gather3A_611 {strides = array<i32>} : memref<1152xf32, #tpu.memory_space<vmem>>, vector<16xf32>,
      %get3A_614 = arith.constant 656 : index
      %get3A_615 = tpu.vector_load %arg5[%get3A_614] {strides = array<i32>} : memref<1152xi32, #tpu.memory_space<vmem>>, vector<16xi32>,
      %gather3A_616 = tpu.vector_load_idx %arg7[%get3A_615] : memref<50258xf32, #tpu.memory_space<vmem>>[vector<16xi32>], vector<16xf32>,
      %swap3A_617 = arith.constant 656 : index
      %swap3A_618 = tpu.vector_load %arg8[%swap3A_617] {strides = array<i32>} : memref<1152xf32, #tpu.memory_space<vmem>>, vector<16xf32>,
      tpu.vector_store %arg8[%swap3A_617], %gather3A_616 {strides = array<i32>} : memref<1152xf32, #tpu.memory_space<vmem>>, vector<16xf32>,
      %get3A_619 = arith.constant 672 : index
      %get3A_620 = tpu.vector_load %arg5[%get3A_619] {strides = array<i32>} : memref<1152xi32, #tpu.memory_space<vmem>>, vector<16xi32>,
      %gather3A_621 = tpu.vector_load_idx %arg7[%get3A_620] : memref<50258xf32, #tpu.memory_space<vmem>>[vector<16xi32>], vector<16xf32>,
      %swap3A_622 = arith.constant 672 : index
      %swap3A_623 = tpu.vector_load %arg8[%swap3A_622] {strides = array<i32>} : memref<1152xf32, #tpu.memory_space<vmem>>, vector<16xf32>,
      tpu.vector_store %arg8[%swap3A_622], %gather3A_621 {strides = array<i32>} : memref<1152xf32, #tpu.memory_space<vmem>>, vector<16xf32>,
      %get3A_624 = arith.constant 688 : index
      %get3A_625 = tpu.vector_load %arg5[%get3A_624] {strides = array<i32>} : memref<1152xi32, #tpu.memory_space<vmem>>, vector<16xi32>,
      %gather3A_626 = tpu.vector_load_idx %arg7[%get3A_625] : memref<50258xf32, #tpu.memory_space<vmem>>[vector<16xi32>], vector<16xf32>,
      %swap3A_627 = arith.constant 688 : index
      %swap3A_628 = tpu.vector_load %arg8[%swap3A_627] {strides = array<i32>} : memref<1152xf32, #tpu.memory_space<vmem>>, vector<16xf32>,
      tpu.vector_store %arg8[%swap3A_627], %gather3A_626 {strides = array<i32>} : memref<1152xf32, #tpu.memory_space<vmem>>, vector<16xf32>,
      %get3A_629 = arith.constant 704 : index
      %get3A_630 = tpu.vector_load %arg5[%get3A_629] {strides = array<i32>} : memref<1152xi32, #tpu.memory_space<vmem>>, vector<16xi32>,
      %gather3A_631 = tpu.vector_load_idx %arg7[%get3A_630] : memref<50258xf32, #tpu.memory_space<vmem>>[vector<16xi32>], vector<16xf32>,
      %swap3A_632 = arith.constant 704 : index
      %swap3A_633 = tpu.vector_load %arg8[%swap3A_632] {strides = array<i32>} : memref<1152xf32, #tpu.memory_space<vmem>>, vector<16xf32>,
      tpu.vector_store %arg8[%swap3A_632], %gather3A_631 {strides = array<i32>} : memref<1152xf32, #tpu.memory_space<vmem>>, vector<16xf32>,
      %get3A_634 = arith.constant 720 : index
      %get3A_635 = tpu.vector_load %arg5[%get3A_634] {strides = array<i32>} : memref<1152xi32, #tpu.memory_space<vmem>>, vector<16xi32>,
      %gather3A_636 = tpu.vector_load_idx %arg7[%get3A_635] : memref<50258xf32, #tpu.memory_space<vmem>>[vector<16xi32>], vector<16xf32>,
      %swap3A_637 = arith.constant 720 : index
      %swap3A_638 = tpu.vector_load %arg8[%swap3A_637] {strides = array<i32>} : memref<1152xf32, #tpu.memory_space<vmem>>, vector<16xf32>,
      tpu.vector_store %arg8[%swap3A_637], %gather3A_636 {strides = array<i32>} : memref<1152xf32, #tpu.memory_space<vmem>>, vector<16xf32>,
      %get3A_639 = arith.constant 736 : index
      %get3A_640 = tpu.vector_load %arg5[%get3A_639] {strides = array<i32>} : memref<1152xi32, #tpu.memory_space<vmem>>, vector<16xi32>,
      %gather3A_641 = tpu.vector_load_idx %arg7[%get3A_640] : memref<50258xf32, #tpu.memory_space<vmem>>[vector<16xi32>], vector<16xf32>,
      %swap3A_642 = arith.constant 736 : index
      %swap3A_643 = tpu.vector_load %arg8[%swap3A_642] {strides = array<i32>} : memref<1152xf32, #tpu.memory_space<vmem>>, vector<16xf32>,
      tpu.vector_store %arg8[%swap3A_642], %gather3A_641 {strides = array<i32>} : memref<1152xf32, #tpu.memory_space<vmem>>, vector<16xf32>,
      %get3A_644 = arith.constant 752 : index
      %get3A_645 = tpu.vector_load %arg5[%get3A_644] {strides = array<i32>} : memref<1152xi32, #tpu.memory_space<vmem>>, vector<16xi32>,
      %gather3A_646 = tpu.vector_load_idx %arg7[%get3A_645] : memref<50258xf32, #tpu.memory_space<vmem>>[vector<16xi32>], vector<16xf32>,
      %swap3A_647 = arith.constant 752 : index
      %swap3A_648 = tpu.vector_load %arg8[%swap3A_647] {strides = array<i32>} : memref<1152xf32, #tpu.memory_space<vmem>>, vector<16xf32>,
      tpu.vector_store %arg8[%swap3A_647], %gather3A_646 {strides = array<i32>} : memref<1152xf32, #tpu.memory_space<vmem>>, vector<16xf32>,
      %get3A_649 = arith.constant 768 : index
      %get3A_650 = tpu.vector_load %arg5[%get3A_649] {strides = array<i32>} : memref<1152xi32, #tpu.memory_space<vmem>>, vector<16xi32>,
      %gather3A_651 = tpu.vector_load_idx %arg7[%get3A_650] : memref<50258xf32, #tpu.memory_space<vmem>>[vector<16xi32>], vector<16xf32>,
      %swap3A_652 = arith.constant 768 : index
      %swap3A_653 = tpu.vector_load %arg8[%swap3A_652] {strides = array<i32>} : memref<1152xf32, #tpu.memory_space<vmem>>, vector<16xf32>,
      tpu.vector_store %arg8[%swap3A_652], %gather3A_651 {strides = array<i32>} : memref<1152xf32, #tpu.memory_space<vmem>>, vector<16xf32>,
      %get3A_654 = arith.constant 784 : index
      %get3A_655 = tpu.vector_load %arg5[%get3A_654] {strides = array<i32>} : memref<1152xi32, #tpu.memory_space<vmem>>, vector<16xi32>,
      %gather3A_656 = tpu.vector_load_idx %arg7[%get3A_655] : memref<50258xf32, #tpu.memory_space<vmem>>[vector<16xi32>], vector<16xf32>,
      %swap3A_657 = arith.constant 784 : index
      %swap3A_658 = tpu.vector_load %arg8[%swap3A_657] {strides = array<i32>} : memref<1152xf32, #tpu.memory_space<vmem>>, vector<16xf32>,
      tpu.vector_store %arg8[%swap3A_657], %gather3A_656 {strides = array<i32>} : memref<1152xf32, #tpu.memory_space<vmem>>, vector<16xf32>,
      %get3A_659 = arith.constant 800 : index
      %get3A_660 = tpu.vector_load %arg5[%get3A_659] {strides = array<i32>} : memref<1152xi32, #tpu.memory_space<vmem>>, vector<16xi32>,
      %gather3A_661 = tpu.vector_load_idx %arg7[%get3A_660] : memref<50258xf32, #tpu.memory_space<vmem>>[vector<16xi32>], vector<16xf32>,
      %swap3A_662 = arith.constant 800 : index
      %swap3A_663 = tpu.vector_load %arg8[%swap3A_662] {strides = array<i32>} : memref<1152xf32, #tpu.memory_space<vmem>>, vector<16xf32>,
      tpu.vector_store %arg8[%swap3A_662], %gather3A_661 {strides = array<i32>} : memref<1152xf32, #tpu.memory_space<vmem>>, vector<16xf32>,
      %get3A_664 = arith.constant 816 : index
      %get3A_665 = tpu.vector_load %arg5[%get3A_664] {strides = array<i32>} : memref<1152xi32, #tpu.memory_space<vmem>>, vector<16xi32>,
      %gather3A_666 = tpu.vector_load_idx %arg7[%get3A_665] : memref<50258xf32, #tpu.memory_space<vmem>>[vector<16xi32>], vector<16xf32>,
      %swap3A_667 = arith.constant 816 : index
      %swap3A_668 = tpu.vector_load %arg8[%swap3A_667] {strides = array<i32>} : memref<1152xf32, #tpu.memory_space<vmem>>, vector<16xf32>,
      tpu.vector_store %arg8[%swap3A_667], %gather3A_666 {strides = array<i32>} : memref<1152xf32, #tpu.memory_space<vmem>>, vector<16xf32>,
      %get3A_669 = arith.constant 832 : index
      %get3A_670 = tpu.vector_load %arg5[%get3A_669] {strides = array<i32>} : memref<1152xi32, #tpu.memory_space<vmem>>, vector<16xi32>,
      %gather3A_671 = tpu.vector_load_idx %arg7[%get3A_670] : memref<50258xf32, #tpu.memory_space<vmem>>[vector<16xi32>], vector<16xf32>,
      %swap3A_672 = arith.constant 832 : index
      %swap3A_673 = tpu.vector_load %arg8[%swap3A_672] {strides = array<i32>} : memref<1152xf32, #tpu.memory_space<vmem>>, vector<16xf32>,
      tpu.vector_store %arg8[%swap3A_672], %gather3A_671 {strides = array<i32>} : memref<1152xf32, #tpu.memory_space<vmem>>, vector<16xf32>,
      %get3A_674 = arith.constant 848 : index
      %get3A_675 = tpu.vector_load %arg5[%get3A_674] {strides = array<i32>} : memref<1152xi32, #tpu.memory_space<vmem>>, vector<16xi32>,
      %gather3A_676 = tpu.vector_load_idx %arg7[%get3A_675] : memref<50258xf32, #tpu.memory_space<vmem>>[vector<16xi32>], vector<16xf32>,
      %swap3A_677 = arith.constant 848 : index
      %swap3A_678 = tpu.vector_load %arg8[%swap3A_677] {strides = array<i32>} : memref<1152xf32, #tpu.memory_space<vmem>>, vector<16xf32>,
      tpu.vector_store %arg8[%swap3A_677], %gather3A_676 {strides = array<i32>} : memref<1152xf32, #tpu.memory_space<vmem>>, vector<16xf32>,
      %get3A_679 = arith.constant 864 : index
      %get3A_680 = tpu.vector_load %arg5[%get3A_679] {strides = array<i32>} : memref<1152xi32, #tpu.memory_space<vmem>>, vector<16xi32>,
      %gather3A_681 = tpu.vector_load_idx %arg7[%get3A_680] : memref<50258xf32, #tpu.memory_space<vmem>>[vector<16xi32>], vector<16xf32>,
      %swap3A_682 = arith.constant 864 : index
      %swap3A_683 = tpu.vector_load %arg8[%swap3A_682] {strides = array<i32>} : memref<1152xf32, #tpu.memory_space<vmem>>, vector<16xf32>,
      tpu.vector_store %arg8[%swap3A_682], %gather3A_681 {strides = array<i32>} : memref<1152xf32, #tpu.memory_space<vmem>>, vector<16xf32>,
      %get3A_684 = arith.constant 880 : index
      %get3A_685 = tpu.vector_load %arg5[%get3A_684] {strides = array<i32>} : memref<1152xi32, #tpu.memory_space<vmem>>, vector<16xi32>,
      %gather3A_686 = tpu.vector_load_idx %arg7[%get3A_685] : memref<50258xf32, #tpu.memory_space<vmem>>[vector<16xi32>], vector<16xf32>,
      %swap3A_687 = arith.constant 880 : index
      %swap3A_688 = tpu.vector_load %arg8[%swap3A_687] {strides = array<i32>} : memref<1152xf32, #tpu.memory_space<vmem>>, vector<16xf32>,
      tpu.vector_store %arg8[%swap3A_687], %gather3A_686 {strides = array<i32>} : memref<1152xf32, #tpu.memory_space<vmem>>, vector<16xf32>,
      %get3A_689 = arith.constant 896 : index
      %get3A_690 = tpu.vector_load %arg5[%get3A_689] {strides = array<i32>} : memref<1152xi32, #tpu.memory_space<vmem>>, vector<16xi32>,
      %gather3A_691 = tpu.vector_load_idx %arg7[%get3A_690] : memref<50258xf32, #tpu.memory_space<vmem>>[vector<16xi32>], vector<16xf32>,
      %swap3A_692 = arith.constant 896 : index
      %swap3A_693 = tpu.vector_load %arg8[%swap3A_692] {strides = array<i32>} : memref<1152xf32, #tpu.memory_space<vmem>>, vector<16xf32>,
      tpu.vector_store %arg8[%swap3A_692], %gather3A_691 {strides = array<i32>} : memref<1152xf32, #tpu.memory_space<vmem>>, vector<16xf32>,
      %get3A_694 = arith.constant 912 : index
      %get3A_695 = tpu.vector_load %arg5[%get3A_694] {strides = array<i32>} : memref<1152xi32, #tpu.memory_space<vmem>>, vector<16xi32>,
      %gather3A_696 = tpu.vector_load_idx %arg7[%get3A_695] : memref<50258xf32, #tpu.memory_space<vmem>>[vector<16xi32>], vector<16xf32>,
      %swap3A_697 = arith.constant 912 : index
      %swap3A_698 = tpu.vector_load %arg8[%swap3A_697] {strides = array<i32>} : memref<1152xf32, #tpu.memory_space<vmem>>, vector<16xf32>,
      tpu.vector_store %arg8[%swap3A_697], %gather3A_696 {strides = array<i32>} : memref<1152xf32, #tpu.memory_space<vmem>>, vector<16xf32>,
      %get3A_699 = arith.constant 928 : index
      %get3A_700 = tpu.vector_load %arg5[%get3A_699] {strides = array<i32>} : memref<1152xi32, #tpu.memory_space<vmem>>, vector<16xi32>,
      %gather3A_701 = tpu.vector_load_idx %arg7[%get3A_700] : memref<50258xf32, #tpu.memory_space<vmem>>[vector<16xi32>], vector<16xf32>,
      %swap3A_702 = arith.constant 928 : index
      %swap3A_703 = tpu.vector_load %arg8[%swap3A_702] {strides = array<i32>} : memref<1152xf32, #tpu.memory_space<vmem>>, vector<16xf32>,
      tpu.vector_store %arg8[%swap3A_702], %gather3A_701 {strides = array<i32>} : memref<1152xf32, #tpu.memory_space<vmem>>, vector<16xf32>,
      %get3A_704 = arith.constant 944 : index
      %get3A_705 = tpu.vector_load %arg5[%get3A_704] {strides = array<i32>} : memref<1152xi32, #tpu.memory_space<vmem>>, vector<16xi32>,
      %gather3A_706 = tpu.vector_load_idx %arg7[%get3A_705] : memref<50258xf32, #tpu.memory_space<vmem>>[vector<16xi32>], vector<16xf32>,
      %swap3A_707 = arith.constant 944 : index
      %swap3A_708 = tpu.vector_load %arg8[%swap3A_707] {strides = array<i32>} : memref<1152xf32, #tpu.memory_space<vmem>>, vector<16xf32>,
      tpu.vector_store %arg8[%swap3A_707], %gather3A_706 {strides = array<i32>} : memref<1152xf32, #tpu.memory_space<vmem>>, vector<16xf32>,
      %get3A_709 = arith.constant 960 : index
      %get3A_710 = tpu.vector_load %arg5[%get3A_709] {strides = array<i32>} : memref<1152xi32, #tpu.memory_space<vmem>>, vector<16xi32>,
      %gather3A_711 = tpu.vector_load_idx %arg7[%get3A_710] : memref<50258xf32, #tpu.memory_space<vmem>>[vector<16xi32>], vector<16xf32>,
      %swap3A_712 = arith.constant 960 : index
      %swap3A_713 = tpu.vector_load %arg8[%swap3A_712] {strides = array<i32>} : memref<1152xf32, #tpu.memory_space<vmem>>, vector<16xf32>,
      tpu.vector_store %arg8[%swap3A_712], %gather3A_711 {strides = array<i32>} : memref<1152xf32, #tpu.memory_space<vmem>>, vector<16xf32>,
      %get3A_714 = arith.constant 976 : index
      %get3A_715 = tpu.vector_load %arg5[%get3A_714] {strides = array<i32>} : memref<1152xi32, #tpu.memory_space<vmem>>, vector<16xi32>,
      %gather3A_716 = tpu.vector_load_idx %arg7[%get3A_715] : memref<50258xf32, #tpu.memory_space<vmem>>[vector<16xi32>], vector<16xf32>,
      %swap3A_717 = arith.constant 976 : index
      %swap3A_718 = tpu.vector_load %arg8[%swap3A_717] {strides = array<i32>} : memref<1152xf32, #tpu.memory_space<vmem>>, vector<16xf32>,
      tpu.vector_store %arg8[%swap3A_717], %gather3A_716 {strides = array<i32>} : memref<1152xf32, #tpu.memory_space<vmem>>, vector<16xf32>,
      %get3A_719 = arith.constant 992 : index
      %get3A_720 = tpu.vector_load %arg5[%get3A_719] {strides = array<i32>} : memref<1152xi32, #tpu.memory_space<vmem>>, vector<16xi32>,
      %gather3A_721 = tpu.vector_load_idx %arg7[%get3A_720] : memref<50258xf32, #tpu.memory_space<vmem>>[vector<16xi32>], vector<16xf32>,
      %swap3A_722 = arith.constant 992 : index
      %swap3A_723 = tpu.vector_load %arg8[%swap3A_722] {strides = array<i32>} : memref<1152xf32, #tpu.memory_space<vmem>>, vector<16xf32>,
      tpu.vector_store %arg8[%swap3A_722], %gather3A_721 {strides = array<i32>} : memref<1152xf32, #tpu.memory_space<vmem>>, vector<16xf32>,
      %get3A_724 = arith.constant 1008 : index
      %get3A_725 = tpu.vector_load %arg5[%get3A_724] {strides = array<i32>} : memref<1152xi32, #tpu.memory_space<vmem>>, vector<16xi32>,
      %gather3A_726 = tpu.vector_load_idx %arg7[%get3A_725] : memref<50258xf32, #tpu.memory_space<vmem>>[vector<16xi32>], vector<16xf32>,
      %swap3A_727 = arith.constant 1008 : index
      %swap3A_728 = tpu.vector_load %arg8[%swap3A_727] {strides = array<i32>} : memref<1152xf32, #tpu.memory_space<vmem>>, vector<16xf32>,
      tpu.vector_store %arg8[%swap3A_727], %gather3A_726 {strides = array<i32>} : memref<1152xf32, #tpu.memory_space<vmem>>, vector<16xf32>,
      %get3A_729 = arith.constant 1024 : index
      %get3A_730 = tpu.vector_load %arg5[%get3A_729] {strides = array<i32>} : memref<1152xi32, #tpu.memory_space<vmem>>, vector<16xi32>,
      %gather3A_731 = tpu.vector_load_idx %arg7[%get3A_730] : memref<50258xf32, #tpu.memory_space<vmem>>[vector<16xi32>], vector<16xf32>,
      %swap3A_732 = arith.constant 1024 : index
      %swap3A_733 = tpu.vector_load %arg8[%swap3A_732] {strides = array<i32>} : memref<1152xf32, #tpu.memory_space<vmem>>, vector<16xf32>,
      tpu.vector_store %arg8[%swap3A_732], %gather3A_731 {strides = array<i32>} : memref<1152xf32, #tpu.memory_space<vmem>>, vector<16xf32>,
      %get3A_734 = arith.constant 1040 : index
      %get3A_735 = tpu.vector_load %arg5[%get3A_734] {strides = array<i32>} : memref<1152xi32, #tpu.memory_space<vmem>>, vector<16xi32>,
      %gather3A_736 = tpu.vector_load_idx %arg7[%get3A_735] : memref<50258xf32, #tpu.memory_space<vmem>>[vector<16xi32>], vector<16xf32>,
      %swap3A_737 = arith.constant 1040 : index
      %swap3A_738 = tpu.vector_load %arg8[%swap3A_737] {strides = array<i32>} : memref<1152xf32, #tpu.memory_space<vmem>>, vector<16xf32>,
      tpu.vector_store %arg8[%swap3A_737], %gather3A_736 {strides = array<i32>} : memref<1152xf32, #tpu.memory_space<vmem>>, vector<16xf32>,
      %get3A_739 = arith.constant 1056 : index
      %get3A_740 = tpu.vector_load %arg5[%get3A_739] {strides = array<i32>} : memref<1152xi32, #tpu.memory_space<vmem>>, vector<16xi32>,
      %gather3A_741 = tpu.vector_load_idx %arg7[%get3A_740] : memref<50258xf32, #tpu.memory_space<vmem>>[vector<16xi32>], vector<16xf32>,
      %swap3A_742 = arith.constant 1056 : index
      %swap3A_743 = tpu.vector_load %arg8[%swap3A_742] {strides = array<i32>} : memref<1152xf32, #tpu.memory_space<vmem>>, vector<16xf32>,
      tpu.vector_store %arg8[%swap3A_742], %gather3A_741 {strides = array<i32>} : memref<1152xf32, #tpu.memory_space<vmem>>, vector<16xf32>,
      %get3A_744 = arith.constant 1072 : index
      %get3A_745 = tpu.vector_load %arg5[%get3A_744] {strides = array<i32>} : memref<1152xi32, #tpu.memory_space<vmem>>, vector<16xi32>,
      %gather3A_746 = tpu.vector_load_idx %arg7[%get3A_745] : memref<50258xf32, #tpu.memory_space<vmem>>[vector<16xi32>], vector<16xf32>,
      %swap3A_747 = arith.constant 1072 : index
      %swap3A_748 = tpu.vector_load %arg8[%swap3A_747] {strides = array<i32>} : memref<1152xf32, #tpu.memory_space<vmem>>, vector<16xf32>,
      tpu.vector_store %arg8[%swap3A_747], %gather3A_746 {strides = array<i32>} : memref<1152xf32, #tpu.memory_space<vmem>>, vector<16xf32>,
      %get3A_749 = arith.constant 1088 : index
      %get3A_750 = tpu.vector_load %arg5[%get3A_749] {strides = array<i32>} : memref<1152xi32, #tpu.memory_space<vmem>>, vector<16xi32>,
      %gather3A_751 = tpu.vector_load_idx %arg7[%get3A_750] : memref<50258xf32, #tpu.memory_space<vmem>>[vector<16xi32>], vector<16xf32>,
      %swap3A_752 = arith.constant 1088 : index
      %swap3A_753 = tpu.vector_load %arg8[%swap3A_752] {strides = array<i32>} : memref<1152xf32, #tpu.memory_space<vmem>>, vector<16xf32>,
      tpu.vector_store %arg8[%swap3A_752], %gather3A_751 {strides = array<i32>} : memref<1152xf32, #tpu.memory_space<vmem>>, vector<16xf32>,
      %get3A_754 = arith.constant 1104 : index
      %get3A_755 = tpu.vector_load %arg5[%get3A_754] {strides = array<i32>} : memref<1152xi32, #tpu.memory_space<vmem>>, vector<16xi32>,
      %gather3A_756 = tpu.vector_load_idx %arg7[%get3A_755] : memref<50258xf32, #tpu.memory_space<vmem>>[vector<16xi32>], vector<16xf32>,
      %swap3A_757 = arith.constant 1104 : index
      %swap3A_758 = tpu.vector_load %arg8[%swap3A_757] {strides = array<i32>} : memref<1152xf32, #tpu.memory_space<vmem>>, vector<16xf32>,
      tpu.vector_store %arg8[%swap3A_757], %gather3A_756 {strides = array<i32>} : memref<1152xf32, #tpu.memory_space<vmem>>, vector<16xf32>,
      %get3A_759 = arith.constant 1120 : index
      %get3A_760 = tpu.vector_load %arg5[%get3A_759] {strides = array<i32>} : memref<1152xi32, #tpu.memory_space<vmem>>, vector<16xi32>,
      %gather3A_761 = tpu.vector_load_idx %arg7[%get3A_760] : memref<50258xf32, #tpu.memory_space<vmem>>[vector<16xi32>], vector<16xf32>,
      %swap3A_762 = arith.constant 1120 : index
      %swap3A_763 = tpu.vector_load %arg8[%swap3A_762] {strides = array<i32>} : memref<1152xf32, #tpu.memory_space<vmem>>, vector<16xf32>,
      tpu.vector_store %arg8[%swap3A_762], %gather3A_761 {strides = array<i32>} : memref<1152xf32, #tpu.memory_space<vmem>>, vector<16xf32>,
      %get3A_764 = arith.constant 1136 : index
      %get3A_765 = tpu.vector_load %arg5[%get3A_764] {strides = array<i32>} : memref<1152xi32, #tpu.memory_space<vmem>>, vector<16xi32>,
      %gather3A_766 = tpu.vector_load_idx %arg7[%get3A_765] : memref<50258xf32, #tpu.memory_space<vmem>>[vector<16xi32>], vector<16xf32>,
      %swap3A_767 = arith.constant 1136 : index
      %swap3A_768 = tpu.vector_load %arg8[%swap3A_767] {strides = array<i32>} : memref<1152xf32, #tpu.memory_space<vmem>>, vector<16xf32>,
      tpu.vector_store %arg8[%swap3A_767], %gather3A_766 {strides = array<i32>} : memref<1152xf32, #tpu.memory_space<vmem>>, vector<16xf32>,
      "tpu.region"() ({
        %run_scoped3A = tpu.sem_alloc : memref<!tpu.dma_semaphore, #tpu.memory_space<semaphore_mem>>
        %dma_start3A_769 = arith.constant 0 : i32
        %dma_start3A_770 = tpu.memref_slice %arg4[%add3A_32, %dma_start3A_769] : memref<1024x1152xf32, #tpu.memory_space<hbm>> -> memref<1x1152xf32, #tpu.memory_space<hbm>>
        %dma_start3A_771 = tpu.memref_squeeze %dma_start3A_770 : memref<1x1152xf32, #tpu.memory_space<hbm>> -> memref<1152xf32, #tpu.memory_space<hbm>>
        %dma_start3A_772 = arith.constant 0 : i32
        %dma_start3A_773 = tpu.memref_slice %arg4[%add3A_32, %dma_start3A_772] : memref<1024x1152xf32, #tpu.memory_space<hbm>> -> memref<1x1152xf32, #tpu.memory_space<hbm>>
        %dma_start3A_774 = tpu.memref_squeeze %dma_start3A_773 : memref<1x1152xf32, #tpu.memory_space<hbm>> -> memref<1152xf32, #tpu.memory_space<hbm>>
        tpu.enqueue_dma source(%arg8 : memref<1152xf32, #tpu.memory_space<vmem>>) target(%dma_start3A_774 : memref<1152xf32, #tpu.memory_space<hbm>>) target_semaphore(%run_scoped3A : memref<!tpu.dma_semaphore, #tpu.memory_space<semaphore_mem>>)
        %dma_wait3A_775 = arith.constant 0 : i32
        %dma_wait3A_776 = tpu.memref_slice %arg4[%add3A_32, %dma_wait3A_775] : memref<1024x1152xf32, #tpu.memory_space<hbm>> -> memref<1x1152xf32, #tpu.memory_space<hbm>>
        %dma_wait3A_777 = tpu.memref_squeeze %dma_wait3A_776 : memref<1x1152xf32, #tpu.memory_space<hbm>> -> memref<1152xf32, #tpu.memory_space<hbm>>
        %dma_wait3A_778 = arith.constant 0 : i32
        %dma_wait3A_779 = tpu.memref_slice %arg4[%add3A_32, %dma_wait3A_778] : memref<1024x1152xf32, #tpu.memory_space<hbm>> -> memref<1x1152xf32, #tpu.memory_space<hbm>>
        %dma_wait3A_780 = tpu.memref_squeeze %dma_wait3A_779 : memref<1x1152xf32, #tpu.memory_space<hbm>> -> memref<1152xf32, #tpu.memory_space<hbm>>
        tpu.wait_dma2 semaphore(%run_scoped3A : memref<!tpu.dma_semaphore, #tpu.memory_space<semaphore_mem>>) src(%arg8 : memref<1152xf32, #tpu.memory_space<vmem>>) dst(%dma_wait3A_780 : memref<1152xf32, #tpu.memory_space<hbm>>)
        tpu.yield
      }) : () -> ()
    }
    return
  }
}

module attributes {stable_mosaic.version = 14 : i64} {
  func.func @_reduce_body(%arg0: i32, %arg1: memref<1024x1152xf32, #tpu.memory_space<vmem>>, %arg2: memref<1024x1xf32, #tpu.memory_space<vmem>>, %arg3: memref<1024x1xi32, #tpu.memory_space<vmem>>, %arg4: memref<1x1152xi32, #tpu.memory_space<vmem>>, %arg5: memref<1x1xf32, #tpu.memory_space<vmem>>) attributes {dimension_semantics = [#tpu.dimension_semantics<arbitrary>], iteration_bounds = array<i64: 1>, scalar_prefetch = 0 : i64, scratch_operands = 0 : i64, tpu.core_type = #tpu.core_type<tc>, window_params = [{pipeline_mode = #tpu.pipeline_mode<synchronous>, transform_indices = @transform_0, window_bounds = array<i64: 1024, 1152>}, {pipeline_mode = #tpu.pipeline_mode<synchronous>, transform_indices = @transform_1, window_bounds = array<i64: 1024, 1>}, {pipeline_mode = #tpu.pipeline_mode<synchronous>, transform_indices = @transform_2, window_bounds = array<i64: 1024, 1>}, {pipeline_mode = #tpu.pipeline_mode<synchronous>, transform_indices = @transform_3, window_bounds = array<i64: 1, 1152>}, {pipeline_mode = #tpu.pipeline_mode<synchronous>, transform_indices = @transform_4, window_bounds = array<i64: 1, 1>}]} {
    %get3A = arith.constant 0 : index
    %get3A_0 = arith.constant 0 : index
    %get3A_1 = vector.load %arg1[%get3A, %get3A_0] : memref<1024x1152xf32, #tpu.memory_space<vmem>>, vector<1024x1152xf32>
    %get3A_2 = arith.constant 0 : index
    %get3A_3 = arith.constant 0 : index
    %get3A_4 = vector.load %arg2[%get3A_2, %get3A_3] : memref<1024x1xf32, #tpu.memory_space<vmem>>, vector<1024x1xf32>
    %get3A_5 = arith.constant 0 : index
    %get3A_6 = arith.constant 0 : index
    %get3A_7 = vector.load %arg3[%get3A_5, %get3A_6] : memref<1024x1xi32, #tpu.memory_space<vmem>>, vector<1024x1xi32>
    %get3A_8 = arith.constant 0 : index
    %get3A_9 = arith.constant 0 : index
    %get3A_10 = vector.load %arg4[%get3A_8, %get3A_9] : memref<1x1152xi32, #tpu.memory_space<vmem>>, vector<1x1152xi32>
    %iota3A = tpu.iota {dimensions = array<i32: 0>} : vector<1024x1152xi32>
    %iota3A_11 = tpu.iota {dimensions = array<i32: 1>} : vector<1024x1152xi32>
    %eq3A = vector.broadcast %get3A_7 : vector<1024x1xi32> to vector<1024x1152xi32>
    %eq3A_12 = vector.broadcast %get3A_10 : vector<1x1152xi32> to vector<1024x1152xi32>
    %eq3A_13 = arith.cmpi eq, %eq3A, %eq3A_12 : vector<1024x1152xi32>
    %lt3A = arith.cmpi slt, %iota3A, %iota3A_11 : vector<1024x1152xi32>
    %and3A = arith.andi %eq3A_13, %lt3A : vector<1024x1152xi1>
    %jit3A = arith.constant 1 : i32
    %jit3A_14 = arith.constant 0 : i32
    %broadcast_in_dim3A = vector.broadcast %jit3A : i32 to vector<1024x1152xi32>
    %broadcast_in_dim3A_15 = vector.broadcast %jit3A_14 : i32 to vector<1024x1152xi32>
    %select_n3A = arith.select %and3A, %broadcast_in_dim3A, %broadcast_in_dim3A_15 : vector<1024x1152xi1>, vector<1024x1152xi32>
    %reduce_sum3A = arith.constant dense<0> : vector<1152xi32>
    %reduce_sum3A_16 = vector.multi_reduction <add>, %select_n3A, %reduce_sum3A [0] : vector<1024x1152xi32> to vector<1152xi32>
    %broadcast_in_dim3A_17 = vector.shape_cast %reduce_sum3A_16 : vector<1152xi32> to vector<1x1152xi32>
    %eq3A_18 = arith.constant 0 : i32
    %eq3A_19 = vector.broadcast %eq3A_18 : i32 to vector<1x1152xi32>
    %eq3A_20 = arith.cmpi eq, %broadcast_in_dim3A_17, %eq3A_19 : vector<1x1152xi32>
    %sub3A = vector.broadcast %get3A_4 : vector<1024x1xf32> to vector<1024x1152xf32>
    %sub3A_21 = arith.subf %get3A_1, %sub3A : vector<1024x1152xf32>
    %exp3A = math.exp %sub3A_21 : vector<1024x1152xf32>
    %sub3A_22 = arith.constant 1.000000e+00 : f32
    %sub3A_23 = vector.broadcast %sub3A_22 : f32 to vector<1024x1152xf32>
    %sub3A_24 = arith.subf %sub3A_23, %exp3A : vector<1024x1152xf32>
    %max3A = arith.constant 9.99999974E-6 : f32
    %max3A_25 = vector.broadcast %max3A : f32 to vector<1024x1152xf32>
    %max3A_26 = arith.maximumf %sub3A_24, %max3A_25 : vector<1024x1152xf32>
    %log3A = math.log %max3A_26 : vector<1024x1152xf32>
    %neg3A = arith.constant 0.000000e+00 : f32
    %neg3A_27 = vector.broadcast %neg3A : f32 to vector<1024x1152xf32>
    %neg3A_28 = arith.subf %neg3A_27, %log3A : vector<1024x1152xf32>
    %lt3A_29 = arith.cmpi slt, %iota3A_11, %iota3A : vector<1024x1152xi32>
    %not3A = arith.constant dense<true> : vector<1024x1152xi1>
    %not3A_30 = arith.xori %eq3A_13, %not3A : vector<1024x1152xi1>
    %and3A_31 = arith.andi %lt3A_29, %not3A_30 : vector<1024x1152xi1>
    %and3A_32 = vector.broadcast %eq3A_20 : vector<1x1152xi1> to vector<1024x1152xi1>
    %and3A_33 = arith.andi %and3A_31, %and3A_32 : vector<1024x1152xi1>
    %lt3A_34 = arith.constant 1024 : i32
    %lt3A_35 = vector.broadcast %lt3A_34 : i32 to vector<1024x1152xi32>
    %lt3A_36 = arith.cmpi slt, %iota3A_11, %lt3A_35 : vector<1024x1152xi32>
    %and3A_37 = arith.andi %and3A_33, %lt3A_36 : vector<1024x1152xi1>
    %eq3A_38 = arith.constant 1024 : i32
    %eq3A_39 = vector.broadcast %eq3A_38 : i32 to vector<1024x1152xi32>
    %eq3A_40 = arith.cmpi eq, %iota3A_11, %eq3A_39 : vector<1024x1152xi32>
    %or3A = arith.ori %and3A_37, %eq3A_40 : vector<1024x1152xi1>
    %jit3A_41 = arith.constant 0.000000e+00 : f32
    %broadcast_in_dim3A_42 = vector.broadcast %jit3A_41 : f32 to vector<1024x1152xf32>
    %select_n3A_43 = arith.select %or3A, %neg3A_28, %broadcast_in_dim3A_42 : vector<1024x1152xi1>, vector<1024x1152xf32>
    %reduce_sum3A_44 = vector.shape_cast %select_n3A_43 : vector<1024x1152xf32> to vector<1x1024x1152xf32>
    %reduce_sum3A_45 = arith.constant dense<0.000000e+00> : vector<1xf32>
    %reduce_sum3A_46 = vector.multi_reduction <add>, %reduce_sum3A_44, %reduce_sum3A_45 [1, 2] : vector<1x1024x1152xf32> to vector<1xf32>
    %reduce_sum3A_47 = vector.shape_cast %reduce_sum3A_46 : vector<1xf32> to vector<1x1x1xf32>
    %reduce_sum3A_48 = vector.extract %reduce_sum3A_47[0, 0, 0] : f32 from vector<1x1x1xf32>
    %reduce_sum3A_49 = vector.shape_cast %get3A_4 : vector<1024x1xf32> to vector<1x1024x1xf32>
    %reduce_sum3A_50 = arith.constant dense<0.000000e+00> : vector<1xf32>
    %reduce_sum3A_51 = vector.multi_reduction <add>, %reduce_sum3A_49, %reduce_sum3A_50 [1, 2] : vector<1x1024x1xf32> to vector<1xf32>
    %reduce_sum3A_52 = vector.shape_cast %reduce_sum3A_51 : vector<1xf32> to vector<1x1x1xf32>
    %reduce_sum3A_53 = vector.extract %reduce_sum3A_52[0, 0, 0] : f32 from vector<1x1x1xf32>
    %eq3A_54 = arith.cmpi eq, %iota3A, %iota3A_11 : vector<1024x1152xi32>
    %jit3A_55 = arith.constant 0.000000e+00 : f32
    %broadcast_in_dim3A_56 = vector.broadcast %jit3A_55 : f32 to vector<1024x1152xf32>
    %select_n3A_57 = arith.select %eq3A_54, %get3A_1, %broadcast_in_dim3A_56 : vector<1024x1152xi1>, vector<1024x1152xf32>
    %reduce_sum3A_58 = vector.shape_cast %select_n3A_57 : vector<1024x1152xf32> to vector<1x1024x1152xf32>
    %reduce_sum3A_59 = arith.constant dense<0.000000e+00> : vector<1xf32>
    %reduce_sum3A_60 = vector.multi_reduction <add>, %reduce_sum3A_58, %reduce_sum3A_59 [1, 2] : vector<1x1024x1152xf32> to vector<1xf32>
    %reduce_sum3A_61 = vector.shape_cast %reduce_sum3A_60 : vector<1xf32> to vector<1x1x1xf32>
    %reduce_sum3A_62 = vector.extract %reduce_sum3A_61[0, 0, 0] : f32 from vector<1x1x1xf32>
    %sub3A_63 = arith.subf %reduce_sum3A_53, %reduce_sum3A_62 : f32
    %mul3A = arith.constant 2.000000e-01 : f32
    %mul3A_64 = arith.mulf %mul3A, %reduce_sum3A_48 : f32
    %add3A = arith.addf %sub3A_63, %mul3A_64 : f32
    %reshape3A = vector.broadcast %add3A : f32 to vector<1x1xf32>
    %swap3A = arith.constant 0 : index
    %swap3A_65 = arith.constant 0 : index
    %swap3A_66 = vector.load %arg5[%swap3A, %swap3A_65] : memref<1x1xf32, #tpu.memory_space<vmem>>, vector<1x1xf32>
    tpu.vector_store %arg5[%swap3A, %swap3A_65], %reshape3A {strides = array<i32>} : memref<1x1xf32, #tpu.memory_space<vmem>>, vector<1x1xf32>,
    return
  }
  func.func @transform_0(%arg0: i32) -> (i32, i32) {
    %c0_i32 = arith.constant 0 : i32
    %c0_i32_0 = arith.constant 0 : i32
    %c0_i32_1 = arith.constant 0 : i32
    return %c0_i32, %c0_i32_0 : i32, i32
  }
  func.func @transform_1(%arg0: i32) -> (i32, i32) {
    %c0_i32 = arith.constant 0 : i32
    %c0_i32_0 = arith.constant 0 : i32
    %c0_i32_1 = arith.constant 0 : i32
    return %c0_i32, %c0_i32_0 : i32, i32
  }
  func.func @transform_2(%arg0: i32) -> (i32, i32) {
    %c0_i32 = arith.constant 0 : i32
    %c0_i32_0 = arith.constant 0 : i32
    %c0_i32_1 = arith.constant 0 : i32
    return %c0_i32, %c0_i32_0 : i32, i32
  }
  func.func @transform_3(%arg0: i32) -> (i32, i32) {
    %c0_i32 = arith.constant 0 : i32
    %c0_i32_0 = arith.constant 0 : i32
    %c0_i32_1 = arith.constant 0 : i32
    return %c0_i32, %c0_i32_0 : i32, i32
  }
  func.func @transform_4(%arg0: i32) -> (i32, i32) {
    %c0_i32 = arith.constant 0 : i32
    %c0_i32_0 = arith.constant 0 : i32
    %c0_i32_1 = arith.constant 0 : i32
    return %c0_i32, %c0_i32_0 : i32, i32
  }
}

module attributes {stable_mosaic.version = 14 : i64} {
  func.func @_lse_body(%arg0: i32, %arg1: memref<1024x2048xf32, #tpu.memory_space<vmem>>, %arg2: memref<1024x1xf32, #tpu.memory_space<vmem>>, %arg3: memref<1024x1xf32, #tpu.memory_space<vmem>>, %arg4: memref<1024x1xf32, #tpu.memory_space<vmem>>) attributes {dimension_semantics = [#tpu.dimension_semantics<arbitrary>], iteration_bounds = array<i64: 25>, scalar_prefetch = 0 : i64, scratch_operands = 2 : i64, tpu.core_type = #tpu.core_type<tc>, window_params = [{transform_indices = @transform_0, window_bounds = array<i64: 1024, 2048>}, {pipeline_mode = #tpu.pipeline_mode<synchronous>, transform_indices = @transform_1, window_bounds = array<i64: 1024, 1>}]} {
    %lt3A = arith.constant 24 : i32
    %lt3A_0 = arith.cmpi slt, %arg0, %lt3A : i32
    %convert_element_type3A = arith.extui %lt3A_0 : i1 to i32
    %cond3A = arith.constant 0 : i32
    %cond3A_1 = arith.cmpi ne, %convert_element_type3A, %cond3A : i32
    scf.if %cond3A_1 {
      %get3A = arith.constant 0 : index
      %get3A_6 = arith.constant 0 : index
      %get3A_7 = vector.load %arg1[%get3A, %get3A_6] : memref<1024x2048xf32, #tpu.memory_space<vmem>>, vector<1024x2048xf32>
      %reduce_max3A = arith.constant dense<0xFF800000> : vector<1024xf32>
      %reduce_max3A_8 = vector.multi_reduction <maximumf>, %get3A_7, %reduce_max3A [1] : vector<1024x2048xf32> to vector<1024xf32>
      %broadcast_in_dim3A = vector.shape_cast %reduce_max3A_8 : vector<1024xf32> to vector<1024x1xf32>
      %eq3A_9 = arith.constant 0 : i32
      %eq3A_10 = arith.cmpi eq, %arg0, %eq3A_9 : i32
      %convert_element_type3A_11 = arith.extui %eq3A_10 : i1 to i32
      %cond3A_12 = arith.constant 0 : i32
      %cond3A_13 = arith.cmpi ne, %convert_element_type3A_11, %cond3A_12 : i32
      scf.if %cond3A_13 {
        %swap3A = arith.constant 0 : index
        %swap3A_18 = arith.constant 0 : index
        %swap3A_19 = vector.load %arg3[%swap3A, %swap3A_18] : memref<1024x1xf32, #tpu.memory_space<vmem>>, vector<1024x1xf32>
        tpu.vector_store %arg3[%swap3A, %swap3A_18], %broadcast_in_dim3A {strides = array<i32>} : memref<1024x1xf32, #tpu.memory_space<vmem>>, vector<1024x1xf32>,
        %sub3A = vector.broadcast %broadcast_in_dim3A : vector<1024x1xf32> to vector<1024x2048xf32>
        %sub3A_20 = arith.subf %get3A_7, %sub3A : vector<1024x2048xf32>
        %exp3A = math.exp %sub3A_20 : vector<1024x2048xf32>
        %reduce_sum3A = arith.constant dense<0.000000e+00> : vector<1024xf32>
        %reduce_sum3A_21 = vector.multi_reduction <add>, %exp3A, %reduce_sum3A [1] : vector<1024x2048xf32> to vector<1024xf32>
        %broadcast_in_dim3A_22 = vector.shape_cast %reduce_sum3A_21 : vector<1024xf32> to vector<1024x1xf32>
        %swap3A_23 = arith.constant 0 : index
        %swap3A_24 = arith.constant 0 : index
        %swap3A_25 = vector.load %arg4[%swap3A_23, %swap3A_24] : memref<1024x1xf32, #tpu.memory_space<vmem>>, vector<1024x1xf32>
        tpu.vector_store %arg4[%swap3A_23, %swap3A_24], %broadcast_in_dim3A_22 {strides = array<i32>} : memref<1024x1xf32, #tpu.memory_space<vmem>>, vector<1024x1xf32>,
      } else {
      }
      %gt3A = arith.constant 0 : i32
      %gt3A_14 = arith.cmpi sgt, %arg0, %gt3A : i32
      %convert_element_type3A_15 = arith.extui %gt3A_14 : i1 to i32
      %cond3A_16 = arith.constant 0 : i32
      %cond3A_17 = arith.cmpi ne, %convert_element_type3A_15, %cond3A_16 : i32
      scf.if %cond3A_17 {
        %get3A_18 = arith.constant 0 : index
        %get3A_19 = arith.constant 0 : index
        %get3A_20 = vector.load %arg3[%get3A_18, %get3A_19] : memref<1024x1xf32, #tpu.memory_space<vmem>>, vector<1024x1xf32>
        %max3A = arith.maximumf %get3A_20, %broadcast_in_dim3A : vector<1024x1xf32>
        %get3A_21 = arith.constant 0 : index
        %get3A_22 = arith.constant 0 : index
        %get3A_23 = vector.load %arg4[%get3A_21, %get3A_22] : memref<1024x1xf32, #tpu.memory_space<vmem>>, vector<1024x1xf32>
        %sub3A = arith.subf %get3A_20, %max3A : vector<1024x1xf32>
        %exp3A = math.exp %sub3A : vector<1024x1xf32>
        %mul3A = arith.mulf %get3A_23, %exp3A : vector<1024x1xf32>
        %sub3A_24 = vector.broadcast %max3A : vector<1024x1xf32> to vector<1024x2048xf32>
        %sub3A_25 = arith.subf %get3A_7, %sub3A_24 : vector<1024x2048xf32>
        %exp3A_26 = math.exp %sub3A_25 : vector<1024x2048xf32>
        %reduce_sum3A = arith.constant dense<0.000000e+00> : vector<1024xf32>
        %reduce_sum3A_27 = vector.multi_reduction <add>, %exp3A_26, %reduce_sum3A [1] : vector<1024x2048xf32> to vector<1024xf32>
        %broadcast_in_dim3A_28 = vector.shape_cast %reduce_sum3A_27 : vector<1024xf32> to vector<1024x1xf32>
        %add3A = arith.addf %mul3A, %broadcast_in_dim3A_28 : vector<1024x1xf32>
        %swap3A = arith.constant 0 : index
        %swap3A_29 = arith.constant 0 : index
        %swap3A_30 = vector.load %arg4[%swap3A, %swap3A_29] : memref<1024x1xf32, #tpu.memory_space<vmem>>, vector<1024x1xf32>
        tpu.vector_store %arg4[%swap3A, %swap3A_29], %add3A {strides = array<i32>} : memref<1024x1xf32, #tpu.memory_space<vmem>>, vector<1024x1xf32>,
        %swap3A_31 = arith.constant 0 : index
        %swap3A_32 = arith.constant 0 : index
        %swap3A_33 = vector.load %arg3[%swap3A_31, %swap3A_32] : memref<1024x1xf32, #tpu.memory_space<vmem>>, vector<1024x1xf32>
        tpu.vector_store %arg3[%swap3A_31, %swap3A_32], %max3A {strides = array<i32>} : memref<1024x1xf32, #tpu.memory_space<vmem>>, vector<1024x1xf32>,
      } else {
      }
    } else {
    }
    %eq3A = arith.constant 24 : i32
    %eq3A_2 = arith.cmpi eq, %arg0, %eq3A : i32
    %convert_element_type3A_3 = arith.extui %eq3A_2 : i1 to i32
    %cond3A_4 = arith.constant 0 : i32
    %cond3A_5 = arith.cmpi ne, %convert_element_type3A_3, %cond3A_4 : i32
    scf.if %cond3A_5 {
      %iota3A = tpu.iota {dimensions = array<i32: 1>} : vector<1024x2048xi32>
      %mul3A = arith.constant 2048 : i32
      %mul3A_6 = arith.muli %arg0, %mul3A : i32
      %add3A = vector.broadcast %mul3A_6 : i32 to vector<1024x2048xi32>
      %add3A_7 = arith.addi %iota3A, %add3A : vector<1024x2048xi32>
      %lt3A_8 = arith.constant 50258 : i32
      %lt3A_9 = vector.broadcast %lt3A_8 : i32 to vector<1024x2048xi32>
      %lt3A_10 = arith.cmpi slt, %add3A_7, %lt3A_9 : vector<1024x2048xi32>
      %get3A = arith.constant 0 : index
      %get3A_11 = arith.constant 0 : index
      %get3A_12 = vector.load %arg1[%get3A, %get3A_11] : memref<1024x2048xf32, #tpu.memory_space<vmem>>, vector<1024x2048xf32>
      %jit3A = arith.constant 0xFF800000 : f32
      %broadcast_in_dim3A = vector.broadcast %jit3A : f32 to vector<1024x2048xf32>
      %select_n3A = arith.select %lt3A_10, %get3A_12, %broadcast_in_dim3A : vector<1024x2048xi1>, vector<1024x2048xf32>
      %reduce_max3A = arith.constant dense<0xFF800000> : vector<1024xf32>
      %reduce_max3A_13 = vector.multi_reduction <maximumf>, %select_n3A, %reduce_max3A [1] : vector<1024x2048xf32> to vector<1024xf32>
      %broadcast_in_dim3A_14 = vector.shape_cast %reduce_max3A_13 : vector<1024xf32> to vector<1024x1xf32>
      %eq3A_15 = arith.constant 0 : i32
      %eq3A_16 = arith.cmpi eq, %arg0, %eq3A_15 : i32
      %convert_element_type3A_17 = arith.extui %eq3A_16 : i1 to i32
      %cond3A_18 = arith.constant 0 : i32
      %cond3A_19 = arith.cmpi ne, %convert_element_type3A_17, %cond3A_18 : i32
      scf.if %cond3A_19 {
        %swap3A_33 = arith.constant 0 : index
        %swap3A_34 = arith.constant 0 : index
        %swap3A_35 = vector.load %arg3[%swap3A_33, %swap3A_34] : memref<1024x1xf32, #tpu.memory_space<vmem>>, vector<1024x1xf32>
        tpu.vector_store %arg3[%swap3A_33, %swap3A_34], %broadcast_in_dim3A_14 {strides = array<i32>} : memref<1024x1xf32, #tpu.memory_space<vmem>>, vector<1024x1xf32>,
        %sub3A = vector.broadcast %broadcast_in_dim3A_14 : vector<1024x1xf32> to vector<1024x2048xf32>
        %sub3A_36 = arith.subf %select_n3A, %sub3A : vector<1024x2048xf32>
        %exp3A = math.exp %sub3A_36 : vector<1024x2048xf32>
        %reduce_sum3A = arith.constant dense<0.000000e+00> : vector<1024xf32>
        %reduce_sum3A_37 = vector.multi_reduction <add>, %exp3A, %reduce_sum3A [1] : vector<1024x2048xf32> to vector<1024xf32>
        %broadcast_in_dim3A_38 = vector.shape_cast %reduce_sum3A_37 : vector<1024xf32> to vector<1024x1xf32>
        %swap3A_39 = arith.constant 0 : index
        %swap3A_40 = arith.constant 0 : index
        %swap3A_41 = vector.load %arg4[%swap3A_39, %swap3A_40] : memref<1024x1xf32, #tpu.memory_space<vmem>>, vector<1024x1xf32>
        tpu.vector_store %arg4[%swap3A_39, %swap3A_40], %broadcast_in_dim3A_38 {strides = array<i32>} : memref<1024x1xf32, #tpu.memory_space<vmem>>, vector<1024x1xf32>,
      } else {
      }
      %gt3A = arith.constant 0 : i32
      %gt3A_20 = arith.cmpi sgt, %arg0, %gt3A : i32
      %convert_element_type3A_21 = arith.extui %gt3A_20 : i1 to i32
      %cond3A_22 = arith.constant 0 : i32
      %cond3A_23 = arith.cmpi ne, %convert_element_type3A_21, %cond3A_22 : i32
      scf.if %cond3A_23 {
        %get3A_33 = arith.constant 0 : index
        %get3A_34 = arith.constant 0 : index
        %get3A_35 = vector.load %arg3[%get3A_33, %get3A_34] : memref<1024x1xf32, #tpu.memory_space<vmem>>, vector<1024x1xf32>
        %max3A = arith.maximumf %get3A_35, %broadcast_in_dim3A_14 : vector<1024x1xf32>
        %get3A_36 = arith.constant 0 : index
        %get3A_37 = arith.constant 0 : index
        %get3A_38 = vector.load %arg4[%get3A_36, %get3A_37] : memref<1024x1xf32, #tpu.memory_space<vmem>>, vector<1024x1xf32>
        %sub3A = arith.subf %get3A_35, %max3A : vector<1024x1xf32>
        %exp3A = math.exp %sub3A : vector<1024x1xf32>
        %mul3A_39 = arith.mulf %get3A_38, %exp3A : vector<1024x1xf32>
        %sub3A_40 = vector.broadcast %max3A : vector<1024x1xf32> to vector<1024x2048xf32>
        %sub3A_41 = arith.subf %select_n3A, %sub3A_40 : vector<1024x2048xf32>
        %exp3A_42 = math.exp %sub3A_41 : vector<1024x2048xf32>
        %reduce_sum3A = arith.constant dense<0.000000e+00> : vector<1024xf32>
        %reduce_sum3A_43 = vector.multi_reduction <add>, %exp3A_42, %reduce_sum3A [1] : vector<1024x2048xf32> to vector<1024xf32>
        %broadcast_in_dim3A_44 = vector.shape_cast %reduce_sum3A_43 : vector<1024xf32> to vector<1024x1xf32>
        %add3A_45 = arith.addf %mul3A_39, %broadcast_in_dim3A_44 : vector<1024x1xf32>
        %swap3A_46 = arith.constant 0 : index
        %swap3A_47 = arith.constant 0 : index
        %swap3A_48 = vector.load %arg4[%swap3A_46, %swap3A_47] : memref<1024x1xf32, #tpu.memory_space<vmem>>, vector<1024x1xf32>
        tpu.vector_store %arg4[%swap3A_46, %swap3A_47], %add3A_45 {strides = array<i32>} : memref<1024x1xf32, #tpu.memory_space<vmem>>, vector<1024x1xf32>,
        %swap3A_49 = arith.constant 0 : index
        %swap3A_50 = arith.constant 0 : index
        %swap3A_51 = vector.load %arg3[%swap3A_49, %swap3A_50] : memref<1024x1xf32, #tpu.memory_space<vmem>>, vector<1024x1xf32>
        tpu.vector_store %arg3[%swap3A_49, %swap3A_50], %max3A {strides = array<i32>} : memref<1024x1xf32, #tpu.memory_space<vmem>>, vector<1024x1xf32>,
      } else {
      }
      %get3A_24 = arith.constant 0 : index
      %get3A_25 = arith.constant 0 : index
      %get3A_26 = vector.load %arg3[%get3A_24, %get3A_25] : memref<1024x1xf32, #tpu.memory_space<vmem>>, vector<1024x1xf32>
      %get3A_27 = arith.constant 0 : index
      %get3A_28 = arith.constant 0 : index
      %get3A_29 = vector.load %arg4[%get3A_27, %get3A_28] : memref<1024x1xf32, #tpu.memory_space<vmem>>, vector<1024x1xf32>
      %log3A = math.log %get3A_29 : vector<1024x1xf32>
      %add3A_30 = arith.addf %get3A_26, %log3A : vector<1024x1xf32>
      %swap3A = arith.constant 0 : index
      %swap3A_31 = arith.constant 0 : index
      %swap3A_32 = vector.load %arg2[%swap3A, %swap3A_31] : memref<1024x1xf32, #tpu.memory_space<vmem>>, vector<1024x1xf32>
      tpu.vector_store %arg2[%swap3A, %swap3A_31], %add3A_30 {strides = array<i32>} : memref<1024x1xf32, #tpu.memory_space<vmem>>, vector<1024x1xf32>,
    } else {
    }
    return
  }
  func.func @transform_0(%arg0: i32) -> (i32, i32) {
    %c0_i32 = arith.constant 0 : i32
    %c0_i32_0 = arith.constant 0 : i32
    return %c0_i32, %arg0 : i32, i32
  }
  func.func @transform_1(%arg0: i32) -> (i32, i32) {
    %c0_i32 = arith.constant 0 : i32
    %c0_i32_0 = arith.constant 0 : i32
    %c0_i32_1 = arith.constant 0 : i32
    return %c0_i32, %c0_i32_0 : i32, i32
  }
}

</mosaic_0001>

<sc_bundles>
// kernel: kernel.5.cloned.1.call-start
scs
__scs_entry_jumppad:
0x0: {  	(pc) =	sbr.rel $0x88, $3  }
0x1: {  	(tag) =	ssettag $0x0;
	lr =	simm.s32 $0x1  }
0x2: {  	[smem:$0x3F9F] =	sst lr;
	_ =	strace $0xD0000000  }
0x3: {  	_ = 	snop  }
0x4: {  	_ = 	snop  }
0x5: {  	_ = 	snop  }
0x6: {  	_ = 	snop  }
0x7: {  	_ = 	snop  }
__scs_overlays_trampoline_lowered:
0x8: {  	[smem:$0x3FAE] =	sst s0  }
0x9: {  	[smem:$0x3FAF] =	sst s1  }
0xa: {  	[smem:$0x3FB0] =	sst s2  }
0xb: {  	[smem:$0x3FB1] =	sst s3  }
0xc: {  	[smem:$0x3FB2] =	sst s4  }
0xd: {  	[smem:$0x3FB3] =	sst s5  }
0xe: {  	[smem:$0x3FB4] =	sst s6  }
0xf: {  	[smem:$0x3FB5] =	sst s7  }
0x10: {  	[smem:$0x3FB6] =	sst s8  }
0x11: {  	[smem:$0x3FB7] =	sst s9;
	s0 =	simm.s32 @!p0 $0x0  }
0x12: {  	s1 =	sld [smem:$0x3F9D];
	s0 =	simm.s32 @p0 $0x1  }
0x13: {  	[smem:$0x3FB8] =	sst s0;
	s0 =	simm.s32 @!p1 $0x0  }
0x14: {  	s2 =	sld [smem:$0x3F9C];
	s0 =	simm.s32 @p1 $0x1  }
0x15: {  	[smem:$0x3FB9] =	sst s0;
	s0 =	simm.s32 @!p2 $0x0  }
0x16: {  	s3 =	sld [smem:$0x3FDB];
	s0 =	simm.s32 @p2 $0x1  }
0x17: {  	s4 =	simm.s32 $0x1BF5;
	[smem:$0x3FBB] =	sst s0  }
0x18: {  	s0 =	sld [smem:$0x3F9E];
	_ =	swait.ge [sflag:s4], $0x0  }
0x19: {  	s7 =	sld [smem:$0x3F9F]  }
0x1a: {  	s8 =	sadd.s32 $0xFFFFE003, lr  }
0x1b: {  	s9 =	sadd.s32 $0xFFFFFEF7, lr;
	s5 =	simm.s32 $0xFFFFFFFF;
	p2 =	slt.u32 s8, $0xFFFFF086  }
0x1c: {  	p1 =	slt.u32 s9, $0xF7A;
	s5 =	simm.s32 @!p2 $0x0  }
0x1d: {  	s5 =	simm.s32 @p1 $0x1;
	p0 =	seq.s32 s7, s2  }
0x1e: {  	s7 =	smul.u32 @!p0 $0xF7A, s2;
	p2 =	seq.s32 @!p0 s5, $0x0  }
0x1f: {  	s9 =	smul.u32 $0xF7A, s1;
	s8 =	simm.s32 @!p0 $0x1BF5;
	p2 =	por !p2, p0  }
0x20: {  	[sflag:s8] =	ssyncset.s32 @!p0 $0xFFFFF086;
	s6 =	sadd.s32 @!p0 s3, s7;
	s7 =	simm.s32 @!p0 $0x108  }
0x21: {  	s3 =	sadd.s32 s3, s9;
	s6 =	sadd.s32 @!p0 $0x88, s6;
	s7 =	simm.s32 @p2 $0x1082  }
0x22: {  	[simem:s7], [sflag:s8] =	dma.local @!p0 [hbm:s6], $0xF7A  }
0x23: {  	s9 =	sor.u32 $0xD0000000, s2;
	s6 =	simm.s32 $0x108;
	_ =	swait.ge @!p0 [sflag:s8], $0x0  }
0x24: {  	s3 =	sadd.s32 $0x88, s3;
	s6 =	simm.s32 @!p1 $0x1082;
	[sflag:s4] =	ssyncset.s32 $0xFFFFF086  }
0x25: {  	[simem:s6], [sflag:s4] =	dma.local [hbm:s3], $0xF7A  }
0x26: {  	[smem:$0x3F9F] =	sst s1;
	(tag) =	ssettag s2;
	_ =	strace s9  }
0x27: {  	s1 =	sld [smem:$0x3FAF]  }
0x28: {  	s2 =	sld [smem:$0x3FB0]  }
0x29: {  	s4 =	sld [smem:$0x3FB2]  }
0x2a: {  	p0 =	seq.s32 s5, $0x0;
	s5 =	sld [smem:$0x3FB3]  }
0x2b: {  	s6 =	sld [smem:$0x3FB4]  }
0x2c: {  	s7 =	sld [smem:$0x3FB5]  }
0x2d: {  	s3 =	simm.s32 $0x108;
	s8 =	sld [smem:$0x3FB6]  }
0x2e: {  	s3 =	simm.s32 @!p0 $0x1082;
	s9 =	sld [smem:$0x3FB7]  }
0x2f: {  	lr =	sadd.s32 s0, s3;
	s0 =	sld [smem:$0x3FAE]  }
0x30: {  	s3 =	sld [smem:$0x3FB1]  }
0x31: {  	[smem:$0x3FBA] =	sst s10  }
0x32: {  	s10 =	sld [smem:$0x3FB8];
	_ =	sdelay $0x3  }
0x33: {  	p0 =	seq.s32 s10, $0x1;
	s10 =	sld [smem:$0x3FBA];
	_ =	sdelay $0x3  }
0x34: {  	[smem:$0x3FBA] =	sst s10  }
0x35: {  	s10 =	sld [smem:$0x3FB9];
	_ =	sdelay $0x3  }
0x36: {  	p1 =	seq.s32 s10, $0x1;
	s10 =	sld [smem:$0x3FBA];
	_ =	sdelay $0x3  }
0x37: {  	[smem:$0x3FBA] =	sst s10  }
0x38: {  	s10 =	sld [smem:$0x3FBB]  }
0x39: {  	_ = 	snop;
	(pc) =	sbr.ind lr, $3  }
0x3a: {  	_ = 	snop  }
0x3b: {  	_ = 	snop  }
0x3c: {  	p2 =	seq.s32 s10, $0x1;
	s10 =	sld [smem:$0x3FBA]  }
0x3d: {  	_ =	shalt  }
0x3e: {  	_ =	shalt  }
0x3f: {  	_ =	shalt  }
0x40: {  	_ =	shalt  }
0x41: {  	_ =	shalt  }
0x42: {  	_ =	shalt  }
0x43: {  	_ =	shalt  }
0x44: {  	_ =	shalt  }
0x45: {  	_ =	shalt  }
0x46: {  	_ =	shalt  }
0x47: {  	_ =	shalt  }
0x48: {  	_ =	shalt  }
0x49: {  	_ =	shalt  }
0x4a: {  	_ =	shalt  }
0x4b: {  	_ =	shalt  }
0x4c: {  	_ =	shalt  }
0x4d: {  	_ =	shalt  }
0x4e: {  	_ =	shalt  }
0x4f: {  	_ =	shalt  }
0x50: {  	_ =	shalt  }
0x51: {  	_ =	shalt  }
0x52: {  	_ =	shalt  }
0x53: {  	_ =	shalt  }
0x54: {  	_ =	shalt  }
0x55: {  	_ =	shalt  }
0x56: {  	_ =	shalt  }
0x57: {  	_ =	shalt  }
0x58: {  	_ =	shalt  }
0x59: {  	_ =	shalt  }
0x5a: {  	_ =	shalt  }
0x5b: {  	_ =	shalt  }
0x5c: {  	_ =	shalt  }
0x5d: {  	_ =	shalt  }
0x5e: {  	_ =	shalt  }
0x5f: {  	_ =	shalt  }
0x60: {  	_ =	shalt  }
0x61: {  	_ =	shalt  }
0x62: {  	_ =	shalt  }
0x63: {  	_ =	shalt  }
0x64: {  	_ =	shalt  }
0x65: {  	_ =	shalt  }
0x66: {  	_ =	shalt  }
0x67: {  	_ =	shalt  }
0x68: {  	_ =	shalt  }
0x69: {  	_ =	shalt  }
0x6a: {  	_ =	shalt  }
0x6b: {  	_ =	shalt  }
0x6c: {  	_ =	shalt  }
0x6d: {  	_ =	shalt  }
0x6e: {  	_ =	shalt  }
0x6f: {  	_ =	shalt  }
0x70: {  	_ =	shalt  }
0x71: {  	_ =	shalt  }
0x72: {  	_ =	shalt  }
0x73: {  	_ =	shalt  }
0x74: {  	_ =	shalt  }
0x75: {  	_ =	shalt  }
0x76: {  	_ =	shalt  }
0x77: {  	_ =	shalt  }
0x78: {  	_ =	shalt  }
0x79: {  	_ =	shalt  }
0x7a: {  	_ =	shalt  }
0x7b: {  	_ =	shalt  }
0x7c: {  	_ =	shalt  }
0x7d: {  	_ =	shalt  }
0x7e: {  	_ =	shalt  }
0x7f: {  	_ =	shalt  }
0x80: {  	_ =	shalt  }
0x81: {  	_ =	shalt  }
0x82: {  	_ =	shalt  }
0x83: {  	_ =	shalt  }
0x84: {  	_ =	shalt  }
0x85: {  	_ =	shalt  }
0x86: {  	_ =	shalt  }
0x87: {  	_ =	shalt  }
.Lfunc_end0:
.L_simem_size_0:
called_computation_lowered:
.L_overlay_start_0:
0x88: {  	s2 =	sld [smem:$0x3FD9]  }
0x89: {  	s3 =	sld [smem:$0x3FFE];
	_ =	sdelay $0x1  }
0x8a: {  	s1 =	srdreg.scid  }
0x8b: {  	s0 =	sand.u32 $0x1, s1  }
0x8c: {  	s16 =	sshll.u32 s0, $0xA;
	s2 =	sadd.s32 s3, s2  }
0x8d: {  	s2 =	sadd.s32 s2, s16  }
0x8e: {  	[smem:$0x3FC6] =	sst s2  }
0x8f: {  	_ = 	snop  }
0x90: {  	(tm) =	ssettm $0x1  }
0x91: {  	s17 =	sld [smem:$0x3FFB];
	_ =	sdelay $0x3  }
0x92: {  	_ =	strace s17  }
0x93: {  	s2 =	sld [smem:$0x3FFC];
	_ =	sdelay $0x3  }
0x94: {  	_ =	strace s2  }
0x95: {  	s2 =	sld [smem:$0x3FFD];
	_ =	sdelay $0x3  }
0x96: {  	_ =	strace s2  }
0x97: {  	_ =	strace $0x8FFFFFFF  }
0x98: {  	s18 =	sld [smem:$0x3FDB];
	_ =	sdelay $0x1  }
0x99: {  	s19 =	simm.s32 $_scs_section_size  }
0x9a: {  	s4 =	simm.s32 $_size__tile_overlayer_lowered;
	s5 =	simm.s32 $_tile_overlayer_lowered  }
0x9b: {  	s22 =	simm.s32 $0x1BFF;
	s21 =	sshll.u32 s5, $0x1;
	s2 =	sadd.s32 s19, s18  }
0x9c: {  	s6 =	simm.s32 $0x0;
	s20 =	sshll.u32 s4, $0x1;
	s4 =	sadd.s32 s21, s2  }
0x9d: {  	[timem:s6], [sflag:s22] =	dma.local [hbm:s4], s20  }
0x9e: {  	_ =	swait.ge [sflag:s22], s20  }
0x9f: {  	s3 =	ssub.s32 $0x0, s20;
	[sflag:s22] =	ssyncset.done $0x0  }
0xa0: {  	[sflag:s22] =	ssyncadd.s32 s3;
	_ =	sdelay $0x1  }
0xa1: {  	s23 =	simm.s32 $0x1B8B  }
0xa2: {  	_ =	swait.ge [sflag:s23], $0x1  }
0xa3: {  	[sflag:s23] =	ssyncset.done $0x0  }
0xa4: {  	s25 =	simm.s32 $0x1B8E;
	s24 =	sld [smem:$0x3FFE];
	[sflag:s23] =	ssyncadd.s32 $0xFFFFFFFF  }
0xa5: {  	s26 =	simm.s32 $execute0_lowered;
	[smem:$0x3FD2] =	sst s25  }
0xa6: {  	s4 =	sshll.u32 s26, $0x1;
	_ =	strace $0x80000046;
	[dreg:$0x1] =	wrdreg $0xFFFFFFFF  }
0xa7: {  	s28 =	simm.s32 $_size_execute0_lowered;
	s2 =	sadd.s32 s2, s4;
	[dreg:$0x0] =	wrdreg $0x0  }
0xa8: {  	s4 =	sshll.u32 s28, $0x1;
	[dreg:$0x2] =	wrdreg s2  }
0xa9: {  	[dreg:$0x3] =	wrdreg s4  }
0xaa: {  	[dreg:$0x4] =	wrdreg $0xC0  }
0xab: {  	_ =	task [dreg:s6], $0x5FFFF  }
0xac: {  	[dreg:$0x1] =	wrdreg $0xFFFFFFFF  }
0xad: {  	[dreg:$0x0] =	wrdreg $0x60  }
0xae: {  	[dreg:$0x2] =	wrdreg s24  }
0xaf: {  	[dreg:$0x3] =	wrdreg $0x9  }
0xb0: {  	_ =	task.clear_ibuf [dreg:s6], $0x4FFFF;
	_ =	strace $0x90000046  }
0xb1: {  	s29 =	simm.s32 $0x9;
	_ =	strace $0x80000048  }
0xb2: {  	_ =	swait.ge [sflag:s29], $0x1  }
0xb3: {  	[sflag:s29] =	ssyncadd.s32 $0xFFFFFFFF  }
0xb4: {  	_ =	strace $0x90000048  }
0xb5: {  	_ =	sfence  }
0xb6: {  	s30 =	sld [smem:$0x0];
	_ =	sdelay $0x2  }
0xb7: {  	s31 =	sshll.u32 s1, $0xD;
	s1 =	sshrl.u32 s1, $0x2  }
0xb8: {  	s3 =	sand.u32 $0x4000, s31;
	s1 =	sadd.s32 s1, s30  }
0xb9: {  	s0 =	sor.u32 s3, s0;
	s1 =	sshll.u32 s1, $0x11  }
0xba: {  	s0 =	sor.u32 s1, s0  }
0xbb: {  	s0 =	sadd.s32 $0x8F2B, s0  }
0xbc: {  	[sflag:s0] =	ssyncadd.remote.s32 $0x1  }
0xbd: {  	_ =	sfence.sel $0xFFFF  }
0xbe: {  	[dreg:$0x0] =	wrdreg $0xFFFFFFFF;
	(pc) =	sbr.abs _section_cstart, $3  }
0xbf: {  	[dreg:$0x1] =	wrdreg $0xFFFFFFFF  }
0xc0: {  	_ =	task.clear_ibuf [dreg:s6], $0x2FFFF;
	_ =	strace $0x9FFFFFFF  }
0xc1: {  	(tm) =	ssettm $0x7FFFFFFF  }
tec
execute0_lowered:
.L_overlay_start_1:
0x0: {  	(tag) =	ssettag $0x1  }
0x1: {  	s6 =	rddreg [dreg:$0x0]  }
0x2: {  	s0 =	rddreg [dreg:$0x1]  }
0x3: {  	s2 =	simm.s32 $0x0;
	s3 =	srdreg.scid;
	s1 =	stileid.u32  }
0x4: {  	s12 =	simm.s32 $0x480;
	s13 =	simm.s32 $0xC900;
	s14 =	simm.s32 $0x1  }
0x5: {  	s15 =	simm.s32 $0x18D80;
	s16 =	simm.s32 $0x2;
	s17 =	simm.s32 $0x0  }
0x6: {  	[smem:$0x7FF] =	sst s2;
	s7 =	sand.u32 $0x1, s3;
	s3 =	sadd.s32 $0x1400, s6  }
0x7: {  	s5 =	sshll.u32 s1, $0x6;
	s4 =	sadd.s32 $0x1200, s6;
	s10 =	sshll.u32 s1, $0xD  }
0x8: {  	s6 =	sadd.s32 $0x625400, s6;
	_ =	strace $0x80000047;
	s8 =	sshll.u32 s7, $0x5  }
0x9: {  	s9 =	ssub.s32 $0x2, s7;
	s7 =	sshll.u32 s7, $0xC;
	s5 =	sor.u32 s8, s5  }
0xa: {  	s11 =	sshrl.u32 s9, $0x1;
	s7 =	sor.u32 s7, s10;
	s8 =	sshrl.u32 s5, $0x3  }
0xb: {  	s9 =	ssub.s32 s9, s11;
	s10 =	sor.u32 $0x100, s7;
	s8 =	smul.u32 $0xC480, s8  }
0xc: {  	s11 =	simm.s32 $0x400;
	[dreg:$0x2] =	wrdreg s10;
	s10 =	simm.s32 $0x80  }
0xd: {  	s7 =	sadd.s32 s3, s8;
	s8 =	smax.u32 s9, $0x1;
	s9 =	simm.s32 $0x3  }
.LBB2_1:
0xe: {  	[tilespmem:s2], [sflag:$0x3] =	stream.linear.gather [hbm4b:s4+s2], $0x480, $0x38;
	[tilespmem:$0x19200] =	vst v63  }
0xf: {  	_ =	swait.ge [sflag:s9], $0x480  }
0x10: {  	[sflag:s9] =	ssyncset.done $0x0  }
0x11: {  	s18 =	smov.u32 s5;
	s19 =	simm.s32 $0x0;
	[sflag:s9] =	ssyncadd.s32 $0xFFFFFB80  }
0x12: {  	[tilespmem:s12], [sflag:$0x1] =	stream.strided.gather [hbm4b:s7+s10], $0xC480, s11, s10, $0x38;
	[tilespmem:$0x19200] =	vst v63  }
.LBB2_2:
0x13: {  	s21 =	sshrl.u32 s18, $0x3  }
0x14: {  	s22 =	sand.u32 $0x300, s19;
	s23 =	smul.u32 $0x62400, s21  }
0x15: {  	s20 =	sor.u32 $0x80, s22  }
0x16: {  	s23 =	sor.u32 s20, s23  }
0x17: {  	s23 =	sshrl.u32 s23, $0x3  }
0x18: {  	s23 =	sadd.s32 s3, s23  }
0x19: {  	[tilespmem:s13], [sflag:$0x2] =	stream.strided.gather [hbm4b:s23+s10], $0xC480, s11, s10, $0x38;
	[tilespmem:$0x19200] =	vst v63  }
0x1a: {  	_ =	swait.ge [sflag:s14], $0xC480  }
0x1b: {  	[sflag:s14] =	ssyncset.done $0x0  }
0x1c: {  	[sflag:s14] =	ssyncadd.s32 $0xFFFF3B80  }
0x1d: {  	v0 =	vld [tilespmem:$0x0];
	_ =	sdelay $0x5  }
0x1e: {  	v1 =	vld [tilespmem:$0x10];
	_ =	sdelay $0x1  }
0x1f: {  	v0 =	vld.idx.msk [tilespmem:v0+s12+$0x0], $0xffff;
	_ =	sdelay $0x3  }
0x20: {  	v2 =	vld [tilespmem:$0x20]  }
0x21: {  	[tilespmem:$0x18D80] =	vst v0  }
0x22: {  	v0 =	vld.idx.msk [tilespmem:v1+s12+$0x0], $0xffff;
	_ =	sdelay $0x3  }
0x23: {  	v43 =	vld [tilespmem:$0x30]  }
0x24: {  	[tilespmem:$0x18D90] =	vst v0  }
0x25: {  	v0 =	vld.idx.msk [tilespmem:v2+s12+$0x0], $0xffff;
	_ =	sdelay $0x3  }
0x26: {  	v44 =	vld [tilespmem:$0x40]  }
0x27: {  	[tilespmem:$0x18DA0] =	vst v0  }
0x28: {  	v0 =	vld.idx.msk [tilespmem:v43+s12+$0x0], $0xffff;
	_ =	sdelay $0x3  }
0x29: {  	v45 =	vld [tilespmem:$0x50]  }
0x2a: {  	[tilespmem:$0x18DB0] =	vst v0  }
0x2b: {  	v0 =	vld.idx.msk [tilespmem:v44+s12+$0x0], $0xffff;
	_ =	sdelay $0x3  }
0x2c: {  	v46 =	vld [tilespmem:$0x60]  }
0x2d: {  	[tilespmem:$0x18DC0] =	vst v0  }
0x2e: {  	v0 =	vld.idx.msk [tilespmem:v45+s12+$0x0], $0xffff;
	_ =	sdelay $0x3  }
0x2f: {  	v47 =	vld [tilespmem:$0x70]  }
0x30: {  	[tilespmem:$0x18DD0] =	vst v0  }
0x31: {  	v0 =	vld.idx.msk [tilespmem:v46+s12+$0x0], $0xffff;
	_ =	sdelay $0x3  }
0x32: {  	v48 =	vld [tilespmem:$0x80]  }
0x33: {  	[tilespmem:$0x18DE0] =	vst v0  }
0x34: {  	v0 =	vld.idx.msk [tilespmem:v47+s12+$0x0], $0xffff;
	_ =	sdelay $0x3  }
0x35: {  	v49 =	vld [tilespmem:$0x90]  }
0x36: {  	[tilespmem:$0x18DF0] =	vst v0  }
0x37: {  	v0 =	vld.idx.msk [tilespmem:v48+s12+$0x0], $0xffff;
	_ =	sdelay $0x3  }
0x38: {  	v50 =	vld [tilespmem:$0xA0]  }
0x39: {  	[tilespmem:$0x18E00] =	vst v0  }
0x3a: {  	v0 =	vld.idx.msk [tilespmem:v49+s12+$0x0], $0xffff;
	_ =	sdelay $0x3  }
0x3b: {  	v51 =	vld [tilespmem:$0xB0]  }
0x3c: {  	[tilespmem:$0x18E10] =	vst v0  }
0x3d: {  	v0 =	vld.idx.msk [tilespmem:v50+s12+$0x0], $0xffff;
	_ =	sdelay $0x3  }
0x3e: {  	v52 =	vld [tilespmem:$0xC0]  }
0x3f: {  	[tilespmem:$0x18E20] =	vst v0  }
0x40: {  	v0 =	vld.idx.msk [tilespmem:v51+s12+$0x0], $0xffff;
	_ =	sdelay $0x3  }
0x41: {  	v53 =	vld [tilespmem:$0xD0]  }
0x42: {  	[tilespmem:$0x18E30] =	vst v0  }
0x43: {  	v0 =	vld.idx.msk [tilespmem:v52+s12+$0x0], $0xffff;
	_ =	sdelay $0x3  }
0x44: {  	v54 =	vld [tilespmem:$0xE0]  }
0x45: {  	[tilespmem:$0x18E40] =	vst v0  }
0x46: {  	v0 =	vld.idx.msk [tilespmem:v53+s12+$0x0], $0xffff;
	_ =	sdelay $0x3  }
0x47: {  	v55 =	vld [tilespmem:$0xF0]  }
0x48: {  	[tilespmem:$0x18E50] =	vst v0  }
0x49: {  	v0 =	vld.idx.msk [tilespmem:v54+s12+$0x0], $0xffff;
	_ =	sdelay $0x3  }
0x4a: {  	v56 =	vld [tilespmem:$0x100]  }
0x4b: {  	[tilespmem:$0x18E60] =	vst v0  }
0x4c: {  	v0 =	vld.idx.msk [tilespmem:v55+s12+$0x0], $0xffff;
	_ =	sdelay $0x3  }
0x4d: {  	v57 =	vld [tilespmem:$0x110]  }
0x4e: {  	[tilespmem:$0x18E70] =	vst v0  }
0x4f: {  	v0 =	vld.idx.msk [tilespmem:v56+s12+$0x0], $0xffff;
	_ =	sdelay $0x3  }
0x50: {  	v58 =	vld [tilespmem:$0x120]  }
0x51: {  	[tilespmem:$0x18E80] =	vst v0  }
0x52: {  	v0 =	vld.idx.msk [tilespmem:v57+s12+$0x0], $0xffff;
	_ =	sdelay $0x3  }
0x53: {  	v59 =	vld [tilespmem:$0x130]  }
0x54: {  	[tilespmem:$0x18E90] =	vst v0  }
0x55: {  	v0 =	vld.idx.msk [tilespmem:v58+s12+$0x0], $0xffff;
	_ =	sdelay $0x3  }
0x56: {  	v60 =	vld [tilespmem:$0x140]  }
0x57: {  	[tilespmem:$0x18EA0] =	vst v0  }
0x58: {  	v0 =	vld.idx.msk [tilespmem:v59+s12+$0x0], $0xffff;
	_ =	sdelay $0x3  }
0x59: {  	v61 =	vld [tilespmem:$0x150]  }
0x5a: {  	[tilespmem:$0x18EB0] =	vst v0  }
0x5b: {  	v0 =	vld.idx.msk [tilespmem:v60+s12+$0x0], $0xffff;
	_ =	sdelay $0x3  }
0x5c: {  	v62 =	vld [tilespmem:$0x160]  }
0x5d: {  	[tilespmem:$0x18EC0] =	vst v0  }
0x5e: {  	v0 =	vld.idx.msk [tilespmem:v61+s12+$0x0], $0xffff;
	_ =	sdelay $0x3  }
0x5f: {  	v63 =	vld [tilespmem:$0x170]  }
0x60: {  	[tilespmem:$0x18ED0] =	vst v0  }
0x61: {  	v0 =	vld.idx.msk [tilespmem:v62+s12+$0x0], $0xffff;
	_ =	sdelay $0x3  }
0x62: {  	v4 =	vld [tilespmem:$0x180]  }
0x63: {  	[tilespmem:$0x18EE0] =	vst v0  }
0x64: {  	v0 =	vld.idx.msk [tilespmem:v63+s12+$0x0], $0xffff;
	_ =	sdelay $0x3  }
0x65: {  	v5 =	vld [tilespmem:$0x190]  }
0x66: {  	[tilespmem:$0x18EF0] =	vst v0  }
0x67: {  	v0 =	vld.idx.msk [tilespmem:v4+s12+$0x0], $0xffff;
	_ =	sdelay $0x3  }
0x68: {  	v6 =	vld [tilespmem:$0x1A0]  }
0x69: {  	[tilespmem:$0x18F00] =	vst v0  }
0x6a: {  	v0 =	vld.idx.msk [tilespmem:v5+s12+$0x0], $0xffff;
	_ =	sdelay $0x3  }
0x6b: {  	v7 =	vld [tilespmem:$0x1B0]  }
0x6c: {  	[tilespmem:$0x18F10] =	vst v0  }
0x6d: {  	v0 =	vld.idx.msk [tilespmem:v6+s12+$0x0], $0xffff;
	_ =	sdelay $0x3  }
0x6e: {  	v8 =	vld [tilespmem:$0x1C0]  }
0x6f: {  	[tilespmem:$0x18F20] =	vst v0  }
0x70: {  	v0 =	vld.idx.msk [tilespmem:v7+s12+$0x0], $0xffff;
	_ =	sdelay $0x3  }
0x71: {  	v9 =	vld [tilespmem:$0x1D0]  }
0x72: {  	[tilespmem:$0x18F30] =	vst v0  }
0x73: {  	v0 =	vld.idx.msk [tilespmem:v8+s12+$0x0], $0xffff;
	_ =	sdelay $0x3  }
0x74: {  	v10 =	vld [tilespmem:$0x1E0]  }
0x75: {  	[tilespmem:$0x18F40] =	vst v0  }
0x76: {  	v0 =	vld.idx.msk [tilespmem:v9+s12+$0x0], $0xffff;
	_ =	sdelay $0x3  }
0x77: {  	v11 =	vld [tilespmem:$0x1F0]  }
0x78: {  	[tilespmem:$0x18F50] =	vst v0  }
0x79: {  	v0 =	vld.idx.msk [tilespmem:v10+s12+$0x0], $0xffff;
	_ =	sdelay $0x3  }
0x7a: {  	v12 =	vld [tilespmem:$0x200]  }
0x7b: {  	[tilespmem:$0x18F60] =	vst v0  }
0x7c: {  	v0 =	vld.idx.msk [tilespmem:v11+s12+$0x0], $0xffff;
	_ =	sdelay $0x3  }
0x7d: {  	v13 =	vld [tilespmem:$0x210]  }
0x7e: {  	[tilespmem:$0x18F70] =	vst v0  }
0x7f: {  	v0 =	vld.idx.msk [tilespmem:v12+s12+$0x0], $0xffff;
	_ =	sdelay $0x3  }
0x80: {  	v14 =	vld [tilespmem:$0x220]  }
0x81: {  	[tilespmem:$0x18F80] =	vst v0  }
0x82: {  	v0 =	vld.idx.msk [tilespmem:v13+s12+$0x0], $0xffff;
	_ =	sdelay $0x3  }
0x83: {  	v15 =	vld [tilespmem:$0x230]  }
0x84: {  	[tilespmem:$0x18F90] =	vst v0  }
0x85: {  	v0 =	vld.idx.msk [tilespmem:v14+s12+$0x0], $0xffff;
	_ =	sdelay $0x3  }
0x86: {  	v16 =	vld [tilespmem:$0x240]  }
0x87: {  	[tilespmem:$0x18FA0] =	vst v0  }
0x88: {  	v0 =	vld.idx.msk [tilespmem:v15+s12+$0x0], $0xffff;
	_ =	sdelay $0x3  }
0x89: {  	v17 =	vld [tilespmem:$0x250]  }
0x8a: {  	[tilespmem:$0x18FB0] =	vst v0  }
0x8b: {  	v0 =	vld.idx.msk [tilespmem:v16+s12+$0x0], $0xffff;
	_ =	sdelay $0x3  }
0x8c: {  	v18 =	vld [tilespmem:$0x260]  }
0x8d: {  	[tilespmem:$0x18FC0] =	vst v0  }
0x8e: {  	v0 =	vld.idx.msk [tilespmem:v17+s12+$0x0], $0xffff;
	_ =	sdelay $0x3  }
0x8f: {  	v19 =	vld [tilespmem:$0x270]  }
0x90: {  	[tilespmem:$0x18FD0] =	vst v0  }
0x91: {  	v0 =	vld.idx.msk [tilespmem:v18+s12+$0x0], $0xffff;
	_ =	sdelay $0x3  }
0x92: {  	v20 =	vld [tilespmem:$0x280]  }
0x93: {  	[tilespmem:$0x18FE0] =	vst v0  }
0x94: {  	v0 =	vld.idx.msk [tilespmem:v19+s12+$0x0], $0xffff;
	_ =	sdelay $0x3  }
0x95: {  	v21 =	vld [tilespmem:$0x290]  }
0x96: {  	[tilespmem:$0x18FF0] =	vst v0  }
0x97: {  	v0 =	vld.idx.msk [tilespmem:v20+s12+$0x0], $0xffff;
	_ =	sdelay $0x3  }
0x98: {  	v22 =	vld [tilespmem:$0x2A0]  }
0x99: {  	[tilespmem:$0x19000] =	vst v0  }
0x9a: {  	v0 =	vld.idx.msk [tilespmem:v21+s12+$0x0], $0xffff;
	_ =	sdelay $0x3  }
0x9b: {  	v23 =	vld [tilespmem:$0x2B0]  }
0x9c: {  	[tilespmem:$0x19010] =	vst v0  }
0x9d: {  	v0 =	vld.idx.msk [tilespmem:v22+s12+$0x0], $0xffff;
	_ =	sdelay $0x3  }
0x9e: {  	v24 =	vld [tilespmem:$0x2C0]  }
0x9f: {  	[tilespmem:$0x19020] =	vst v0  }
0xa0: {  	v0 =	vld.idx.msk [tilespmem:v23+s12+$0x0], $0xffff;
	_ =	sdelay $0x3  }
0xa1: {  	v25 =	vld [tilespmem:$0x2D0]  }
0xa2: {  	[tilespmem:$0x19030] =	vst v0  }
0xa3: {  	v0 =	vld.idx.msk [tilespmem:v24+s12+$0x0], $0xffff;
	_ =	sdelay $0x3  }
0xa4: {  	v26 =	vld [tilespmem:$0x2E0]  }
0xa5: {  	[tilespmem:$0x19040] =	vst v0  }
0xa6: {  	v0 =	vld.idx.msk [tilespmem:v25+s12+$0x0], $0xffff;
	_ =	sdelay $0x3  }
0xa7: {  	v27 =	vld [tilespmem:$0x2F0]  }
0xa8: {  	[tilespmem:$0x19050] =	vst v0  }
0xa9: {  	v0 =	vld.idx.msk [tilespmem:v26+s12+$0x0], $0xffff;
	_ =	sdelay $0x3  }
0xaa: {  	v28 =	vld [tilespmem:$0x300]  }
0xab: {  	[tilespmem:$0x19060] =	vst v0  }
0xac: {  	v0 =	vld.idx.msk [tilespmem:v27+s12+$0x0], $0xffff;
	_ =	sdelay $0x3  }
0xad: {  	v29 =	vld [tilespmem:$0x310]  }
0xae: {  	[tilespmem:$0x19070] =	vst v0  }
0xaf: {  	v0 =	vld.idx.msk [tilespmem:v28+s12+$0x0], $0xffff;
	_ =	sdelay $0x3  }
0xb0: {  	v30 =	vld [tilespmem:$0x320]  }
0xb1: {  	[tilespmem:$0x19080] =	vst v0  }
0xb2: {  	v0 =	vld.idx.msk [tilespmem:v29+s12+$0x0], $0xffff;
	_ =	sdelay $0x3  }
0xb3: {  	v31 =	vld [tilespmem:$0x330]  }
0xb4: {  	[tilespmem:$0x19090] =	vst v0  }
0xb5: {  	v0 =	vld.idx.msk [tilespmem:v30+s12+$0x0], $0xffff;
	_ =	sdelay $0x3  }
0xb6: {  	v32 =	vld [tilespmem:$0x340]  }
0xb7: {  	[tilespmem:$0x190A0] =	vst v0  }
0xb8: {  	v0 =	vld.idx.msk [tilespmem:v31+s12+$0x0], $0xffff;
	_ =	sdelay $0x3  }
0xb9: {  	v33 =	vld [tilespmem:$0x350]  }
0xba: {  	[tilespmem:$0x190B0] =	vst v0  }
0xbb: {  	v0 =	vld.idx.msk [tilespmem:v32+s12+$0x0], $0xffff;
	_ =	sdelay $0x3  }
0xbc: {  	v34 =	vld [tilespmem:$0x360]  }
0xbd: {  	[tilespmem:$0x190C0] =	vst v0  }
0xbe: {  	v0 =	vld.idx.msk [tilespmem:v33+s12+$0x0], $0xffff;
	_ =	sdelay $0x3  }
0xbf: {  	v35 =	vld [tilespmem:$0x370]  }
0xc0: {  	[tilespmem:$0x190D0] =	vst v0  }
0xc1: {  	v0 =	vld.idx.msk [tilespmem:v34+s12+$0x0], $0xffff;
	_ =	sdelay $0x3  }
0xc2: {  	v36 =	vld [tilespmem:$0x380]  }
0xc3: {  	[tilespmem:$0x190E0] =	vst v0  }
0xc4: {  	v0 =	vld.idx.msk [tilespmem:v35+s12+$0x0], $0xffff;
	_ =	sdelay $0x3  }
0xc5: {  	v37 =	vld [tilespmem:$0x390]  }
0xc6: {  	[tilespmem:$0x190F0] =	vst v0  }
0xc7: {  	v0 =	vld.idx.msk [tilespmem:v36+s12+$0x0], $0xffff;
	_ =	sdelay $0x3  }
0xc8: {  	v38 =	vld [tilespmem:$0x3A0]  }
0xc9: {  	[tilespmem:$0x19100] =	vst v0  }
0xca: {  	v0 =	vld.idx.msk [tilespmem:v37+s12+$0x0], $0xffff;
	_ =	sdelay $0x3  }
0xcb: {  	v39 =	vld [tilespmem:$0x3B0]  }
0xcc: {  	[tilespmem:$0x19110] =	vst v0  }
0xcd: {  	v0 =	vld.idx.msk [tilespmem:v38+s12+$0x0], $0xffff;
	_ =	sdelay $0x3  }
0xce: {  	v40 =	vld [tilespmem:$0x3C0]  }
0xcf: {  	[tilespmem:$0x19120] =	vst v0  }
0xd0: {  	v0 =	vld.idx.msk [tilespmem:v39+s12+$0x0], $0xffff;
	_ =	sdelay $0x3  }
0xd1: {  	v41 =	vld [tilespmem:$0x3D0]  }
0xd2: {  	[tilespmem:$0x19130] =	vst v0  }
0xd3: {  	v0 =	vld.idx.msk [tilespmem:v40+s12+$0x0], $0xffff;
	_ =	sdelay $0x3  }
0xd4: {  	v42 =	vld [tilespmem:$0x3E0]  }
0xd5: {  	[tilespmem:$0x19140] =	vst v0  }
0xd6: {  	v0 =	vld.idx.msk [tilespmem:v41+s12+$0x0], $0xffff;
	_ =	sdelay $0x3  }
0xd7: {  	v43 =	vld [tilespmem:$0x3F0]  }
0xd8: {  	[tilespmem:$0x19150] =	vst v0  }
0xd9: {  	v0 =	vld.idx.msk [tilespmem:v42+s12+$0x0], $0xffff;
	_ =	sdelay $0x3  }
0xda: {  	v44 =	vld [tilespmem:$0x400]  }
0xdb: {  	[tilespmem:$0x19160] =	vst v0  }
0xdc: {  	v0 =	vld.idx.msk [tilespmem:v43+s12+$0x0], $0xffff;
	_ =	sdelay $0x3  }
0xdd: {  	v45 =	vld [tilespmem:$0x410]  }
0xde: {  	[tilespmem:$0x19170] =	vst v0  }
0xdf: {  	v0 =	vld.idx.msk [tilespmem:v44+s12+$0x0], $0xffff;
	_ =	sdelay $0x3  }
0xe0: {  	v46 =	vld [tilespmem:$0x420]  }
0xe1: {  	[tilespmem:$0x19180] =	vst v0  }
0xe2: {  	v0 =	vld.idx.msk [tilespmem:v45+s12+$0x0], $0xffff;
	_ =	sdelay $0x3  }
0xe3: {  	v47 =	vld [tilespmem:$0x430]  }
0xe4: {  	[tilespmem:$0x19190] =	vst v0  }
0xe5: {  	v0 =	vld.idx.msk [tilespmem:v46+s12+$0x0], $0xffff;
	_ =	sdelay $0x3  }
0xe6: {  	v48 =	vld [tilespmem:$0x440]  }
0xe7: {  	[tilespmem:$0x191A0] =	vst v0  }
0xe8: {  	v0 =	vld.idx.msk [tilespmem:v47+s12+$0x0], $0xffff;
	_ =	sdelay $0x3  }
0xe9: {  	v49 =	vld [tilespmem:$0x450]  }
0xea: {  	[tilespmem:$0x191B0] =	vst v0  }
0xeb: {  	v0 =	vld.idx.msk [tilespmem:v48+s12+$0x0], $0xffff;
	_ =	sdelay $0x3  }
0xec: {  	v50 =	vld [tilespmem:$0x460]  }
0xed: {  	[tilespmem:$0x191C0] =	vst v0  }
0xee: {  	v0 =	vld.idx.msk [tilespmem:v49+s12+$0x0], $0xffff;
	_ =	sdelay $0x3  }
0xef: {  	v51 =	vld [tilespmem:$0x470]  }
0xf0: {  	[tilespmem:$0x191D0] =	vst v0  }
0xf1: {  	v0 =	vld.idx.msk [tilespmem:v50+s12+$0x0], $0xffff;
	_ =	sdelay $0x4  }
0xf2: {  	[tilespmem:$0x191E0] =	vst v0  }
0xf3: {  	v0 =	vld.idx.msk [tilespmem:v51+s12+$0x0], $0xffff  }
0xf4: {  	s21 =	smul.u32 $0x2400, s21;
	_ =	sdelay $0x1  }
0xf5: {  	s22 =	sor.u32 s22, s21  }
0xf6: {  	s22 =	sshrl.u32 s22, $0x3  }
0xf7: {  	p0 =	seq.s32 s19, $0xF00;
	s22 =	sadd.s32 s6, s22;
	[tilespmem:$0x191F0] =	vst v0  }
0xf8: {  	[hbm4b:s22+s10] =	stream.strided.scatter [tilespmem:s15], [sflag:$0x3], $0x480, s11, s10, $0x38;
	[tilespmem:$0x19200] =	vst v63  }
0xf9: {  	s23 =	sadd.s32 @!p0 $0x2, s18;
	_ =	swait.ge [sflag:s9], $0x480  }
0xfa: {  	s23 =	sshrl.u32 @!p0 s23, $0x3;
	s22 =	rddreg [dreg:$0x2]  }
0xfb: {  	s23 =	smul.u32 @!p0 $0x62400, s23;
	s22 =	sadd.s32 @!p0 s19, s22  }
0xfc: {  	s22 =	sand.u32 @!p0 $0x300, s22  }
0xfd: {  	s24 =	simm.s32 @!p0 $0x400;
	s22 =	sor.u32 @!p0 s22, s23  }
0xfe: {  	s25 =	simm.s32 @!p0 $0x480;
	[sflag:s9] =	ssyncset.done $0x0;
	s22 =	sshrl.u32 @!p0 s22, $0x3  }
0xff: {  	[sflag:s9] =	ssyncadd.s32 $0xFFFFFB80;
	s23 =	simm.s32 @!p0 $0x80;
	s22 =	sadd.s32 @!p0 s3, s22  }
0x100: {  	[tilespmem:s25], [sflag:$0x1] =	stream.strided.gather @!p0 [hbm4b:s22+s23], $0xC480, s24, s23, $0x38;
	[tilespmem:$0x19200] =	vst v63  }
0x101: {  	_ =	swait.ge [sflag:s16], $0xC480  }
0x102: {  	[sflag:s16] =	ssyncset.done $0x0  }
0x103: {  	[sflag:s16] =	ssyncadd.s32 $0xFFFF3B80  }
0x104: {  	v52 =	vld [tilespmem:$0x0];
	_ =	sdelay $0x5  }
0x105: {  	v53 =	vld [tilespmem:$0x10];
	_ =	sdelay $0x1  }
0x106: {  	v0 =	vld.idx.msk [tilespmem:v52+s13+$0x0], $0xffff;
	_ =	sdelay $0x3  }
0x107: {  	v54 =	vld [tilespmem:$0x20]  }
0x108: {  	[tilespmem:$0x18D80] =	vst v0  }
0x109: {  	v0 =	vld.idx.msk [tilespmem:v53+s13+$0x0], $0xffff;
	_ =	sdelay $0x3  }
0x10a: {  	v55 =	vld [tilespmem:$0x30]  }
0x10b: {  	[tilespmem:$0x18D90] =	vst v0  }
0x10c: {  	v0 =	vld.idx.msk [tilespmem:v54+s13+$0x0], $0xffff;
	_ =	sdelay $0x3  }
0x10d: {  	v56 =	vld [tilespmem:$0x40]  }
0x10e: {  	[tilespmem:$0x18DA0] =	vst v0  }
0x10f: {  	v0 =	vld.idx.msk [tilespmem:v55+s13+$0x0], $0xffff;
	_ =	sdelay $0x3  }
0x110: {  	v57 =	vld [tilespmem:$0x50]  }
0x111: {  	[tilespmem:$0x18DB0] =	vst v0  }
0x112: {  	v0 =	vld.idx.msk [tilespmem:v56+s13+$0x0], $0xffff;
	_ =	sdelay $0x3  }
0x113: {  	v58 =	vld [tilespmem:$0x60]  }
0x114: {  	[tilespmem:$0x18DC0] =	vst v0  }
0x115: {  	v0 =	vld.idx.msk [tilespmem:v57+s13+$0x0], $0xffff;
	_ =	sdelay $0x3  }
0x116: {  	v59 =	vld [tilespmem:$0x70]  }
0x117: {  	[tilespmem:$0x18DD0] =	vst v0  }
0x118: {  	v0 =	vld.idx.msk [tilespmem:v58+s13+$0x0], $0xffff;
	_ =	sdelay $0x3  }
0x119: {  	v60 =	vld [tilespmem:$0x80]  }
0x11a: {  	[tilespmem:$0x18DE0] =	vst v0  }
0x11b: {  	v0 =	vld.idx.msk [tilespmem:v59+s13+$0x0], $0xffff;
	_ =	sdelay $0x3  }
0x11c: {  	v61 =	vld [tilespmem:$0x90]  }
0x11d: {  	[tilespmem:$0x18DF0] =	vst v0  }
0x11e: {  	v0 =	vld.idx.msk [tilespmem:v60+s13+$0x0], $0xffff;
	_ =	sdelay $0x3  }
0x11f: {  	v62 =	vld [tilespmem:$0xA0]  }
0x120: {  	[tilespmem:$0x18E00] =	vst v0  }
0x121: {  	v0 =	vld.idx.msk [tilespmem:v61+s13+$0x0], $0xffff;
	_ =	sdelay $0x3  }
0x122: {  	v63 =	vld [tilespmem:$0xB0]  }
0x123: {  	[tilespmem:$0x18E10] =	vst v0  }
0x124: {  	v0 =	vld.idx.msk [tilespmem:v62+s13+$0x0], $0xffff;
	_ =	sdelay $0x3  }
0x125: {  	v4 =	vld [tilespmem:$0xC0]  }
0x126: {  	[tilespmem:$0x18E20] =	vst v0  }
0x127: {  	v0 =	vld.idx.msk [tilespmem:v63+s13+$0x0], $0xffff;
	_ =	sdelay $0x3  }
0x128: {  	v5 =	vld [tilespmem:$0xD0]  }
0x129: {  	[tilespmem:$0x18E30] =	vst v0  }
0x12a: {  	v0 =	vld.idx.msk [tilespmem:v4+s13+$0x0], $0xffff;
	_ =	sdelay $0x3  }
0x12b: {  	v6 =	vld [tilespmem:$0xE0]  }
0x12c: {  	[tilespmem:$0x18E40] =	vst v0  }
0x12d: {  	v0 =	vld.idx.msk [tilespmem:v5+s13+$0x0], $0xffff;
	_ =	sdelay $0x3  }
0x12e: {  	v7 =	vld [tilespmem:$0xF0]  }
0x12f: {  	[tilespmem:$0x18E50] =	vst v0  }
0x130: {  	v0 =	vld.idx.msk [tilespmem:v6+s13+$0x0], $0xffff;
	_ =	sdelay $0x3  }
0x131: {  	v8 =	vld [tilespmem:$0x100]  }
0x132: {  	[tilespmem:$0x18E60] =	vst v0  }
0x133: {  	v0 =	vld.idx.msk [tilespmem:v7+s13+$0x0], $0xffff;
	_ =	sdelay $0x3  }
0x134: {  	v9 =	vld [tilespmem:$0x110]  }
0x135: {  	[tilespmem:$0x18E70] =	vst v0  }
0x136: {  	v0 =	vld.idx.msk [tilespmem:v8+s13+$0x0], $0xffff;
	_ =	sdelay $0x3  }
0x137: {  	v10 =	vld [tilespmem:$0x120]  }
0x138: {  	[tilespmem:$0x18E80] =	vst v0  }
0x139: {  	v0 =	vld.idx.msk [tilespmem:v9+s13+$0x0], $0xffff;
	_ =	sdelay $0x3  }
0x13a: {  	v11 =	vld [tilespmem:$0x130]  }
0x13b: {  	[tilespmem:$0x18E90] =	vst v0  }
0x13c: {  	v0 =	vld.idx.msk [tilespmem:v10+s13+$0x0], $0xffff;
	_ =	sdelay $0x3  }
0x13d: {  	v12 =	vld [tilespmem:$0x140]  }
0x13e: {  	[tilespmem:$0x18EA0] =	vst v0  }
0x13f: {  	v0 =	vld.idx.msk [tilespmem:v11+s13+$0x0], $0xffff;
	_ =	sdelay $0x3  }
0x140: {  	v13 =	vld [tilespmem:$0x150]  }
0x141: {  	[tilespmem:$0x18EB0] =	vst v0  }
0x142: {  	v0 =	vld.idx.msk [tilespmem:v12+s13+$0x0], $0xffff;
	_ =	sdelay $0x3  }
0x143: {  	v14 =	vld [tilespmem:$0x160]  }
0x144: {  	[tilespmem:$0x18EC0] =	vst v0  }
0x145: {  	v0 =	vld.idx.msk [tilespmem:v13+s13+$0x0], $0xffff;
	_ =	sdelay $0x3  }
0x146: {  	v15 =	vld [tilespmem:$0x170]  }
0x147: {  	[tilespmem:$0x18ED0] =	vst v0  }
0x148: {  	v0 =	vld.idx.msk [tilespmem:v14+s13+$0x0], $0xffff;
	_ =	sdelay $0x3  }
0x149: {  	v16 =	vld [tilespmem:$0x180]  }
0x14a: {  	[tilespmem:$0x18EE0] =	vst v0  }
0x14b: {  	v0 =	vld.idx.msk [tilespmem:v15+s13+$0x0], $0xffff;
	_ =	sdelay $0x3  }
0x14c: {  	v17 =	vld [tilespmem:$0x190]  }
0x14d: {  	[tilespmem:$0x18EF0] =	vst v0  }
0x14e: {  	v0 =	vld.idx.msk [tilespmem:v16+s13+$0x0], $0xffff;
	_ =	sdelay $0x3  }
0x14f: {  	v18 =	vld [tilespmem:$0x1A0]  }
0x150: {  	[tilespmem:$0x18F00] =	vst v0  }
0x151: {  	v0 =	vld.idx.msk [tilespmem:v17+s13+$0x0], $0xffff;
	_ =	sdelay $0x3  }
0x152: {  	v19 =	vld [tilespmem:$0x1B0]  }
0x153: {  	[tilespmem:$0x18F10] =	vst v0  }
0x154: {  	v0 =	vld.idx.msk [tilespmem:v18+s13+$0x0], $0xffff;
	_ =	sdelay $0x3  }
0x155: {  	v20 =	vld [tilespmem:$0x1C0]  }
0x156: {  	[tilespmem:$0x18F20] =	vst v0  }
0x157: {  	v0 =	vld.idx.msk [tilespmem:v19+s13+$0x0], $0xffff;
	_ =	sdelay $0x3  }
0x158: {  	v21 =	vld [tilespmem:$0x1D0]  }
0x159: {  	[tilespmem:$0x18F30] =	vst v0  }
0x15a: {  	v0 =	vld.idx.msk [tilespmem:v20+s13+$0x0], $0xffff;
	_ =	sdelay $0x3  }
0x15b: {  	v22 =	vld [tilespmem:$0x1E0]  }
0x15c: {  	[tilespmem:$0x18F40] =	vst v0  }
0x15d: {  	v0 =	vld.idx.msk [tilespmem:v21+s13+$0x0], $0xffff;
	_ =	sdelay $0x3  }
0x15e: {  	v23 =	vld [tilespmem:$0x1F0]  }
0x15f: {  	[tilespmem:$0x18F50] =	vst v0  }
0x160: {  	v0 =	vld.idx.msk [tilespmem:v22+s13+$0x0], $0xffff;
	_ =	sdelay $0x3  }
0x161: {  	v24 =	vld [tilespmem:$0x200]  }
0x162: {  	[tilespmem:$0x18F60] =	vst v0  }
0x163: {  	v0 =	vld.idx.msk [tilespmem:v23+s13+$0x0], $0xffff;
	_ =	sdelay $0x3  }
0x164: {  	v25 =	vld [tilespmem:$0x210]  }
0x165: {  	[tilespmem:$0x18F70] =	vst v0  }
0x166: {  	v0 =	vld.idx.msk [tilespmem:v24+s13+$0x0], $0xffff;
	_ =	sdelay $0x3  }
0x167: {  	v26 =	vld [tilespmem:$0x220]  }
0x168: {  	[tilespmem:$0x18F80] =	vst v0  }
0x169: {  	v0 =	vld.idx.msk [tilespmem:v25+s13+$0x0], $0xffff;
	_ =	sdelay $0x3  }
0x16a: {  	v27 =	vld [tilespmem:$0x230]  }
0x16b: {  	[tilespmem:$0x18F90] =	vst v0  }
0x16c: {  	v0 =	vld.idx.msk [tilespmem:v26+s13+$0x0], $0xffff;
	_ =	sdelay $0x3  }
0x16d: {  	v28 =	vld [tilespmem:$0x240]  }
0x16e: {  	[tilespmem:$0x18FA0] =	vst v0  }
0x16f: {  	v0 =	vld.idx.msk [tilespmem:v27+s13+$0x0], $0xffff;
	_ =	sdelay $0x3  }
0x170: {  	v29 =	vld [tilespmem:$0x250]  }
0x171: {  	[tilespmem:$0x18FB0] =	vst v0  }
0x172: {  	v0 =	vld.idx.msk [tilespmem:v28+s13+$0x0], $0xffff;
	_ =	sdelay $0x3  }
0x173: {  	v30 =	vld [tilespmem:$0x260]  }
0x174: {  	[tilespmem:$0x18FC0] =	vst v0  }
0x175: {  	v0 =	vld.idx.msk [tilespmem:v29+s13+$0x0], $0xffff;
	_ =	sdelay $0x3  }
0x176: {  	v31 =	vld [tilespmem:$0x270]  }
0x177: {  	[tilespmem:$0x18FD0] =	vst v0  }
0x178: {  	v0 =	vld.idx.msk [tilespmem:v30+s13+$0x0], $0xffff;
	_ =	sdelay $0x3  }
0x179: {  	v32 =	vld [tilespmem:$0x280]  }
0x17a: {  	[tilespmem:$0x18FE0] =	vst v0  }
0x17b: {  	v0 =	vld.idx.msk [tilespmem:v31+s13+$0x0], $0xffff;
	_ =	sdelay $0x3  }
0x17c: {  	v33 =	vld [tilespmem:$0x290]  }
0x17d: {  	[tilespmem:$0x18FF0] =	vst v0  }
0x17e: {  	v0 =	vld.idx.msk [tilespmem:v32+s13+$0x0], $0xffff;
	_ =	sdelay $0x3  }
0x17f: {  	v34 =	vld [tilespmem:$0x2A0]  }
0x180: {  	[tilespmem:$0x19000] =	vst v0  }
0x181: {  	v0 =	vld.idx.msk [tilespmem:v33+s13+$0x0], $0xffff;
	_ =	sdelay $0x3  }
0x182: {  	v35 =	vld [tilespmem:$0x2B0]  }
0x183: {  	[tilespmem:$0x19010] =	vst v0  }
0x184: {  	v0 =	vld.idx.msk [tilespmem:v34+s13+$0x0], $0xffff;
	_ =	sdelay $0x3  }
0x185: {  	v36 =	vld [tilespmem:$0x2C0]  }
0x186: {  	[tilespmem:$0x19020] =	vst v0  }
0x187: {  	v0 =	vld.idx.msk [tilespmem:v35+s13+$0x0], $0xffff;
	_ =	sdelay $0x3  }
0x188: {  	v37 =	vld [tilespmem:$0x2D0]  }
0x189: {  	[tilespmem:$0x19030] =	vst v0  }
0x18a: {  	v0 =	vld.idx.msk [tilespmem:v36+s13+$0x0], $0xffff;
	_ =	sdelay $0x3  }
0x18b: {  	v38 =	vld [tilespmem:$0x2E0]  }
0x18c: {  	[tilespmem:$0x19040] =	vst v0  }
0x18d: {  	v0 =	vld.idx.msk [tilespmem:v37+s13+$0x0], $0xffff;
	_ =	sdelay $0x3  }
0x18e: {  	v39 =	vld [tilespmem:$0x2F0]  }
0x18f: {  	[tilespmem:$0x19050] =	vst v0  }
0x190: {  	v0 =	vld.idx.msk [tilespmem:v38+s13+$0x0], $0xffff;
	_ =	sdelay $0x3  }
0x191: {  	v40 =	vld [tilespmem:$0x300]  }
0x192: {  	[tilespmem:$0x19060] =	vst v0  }
0x193: {  	v0 =	vld.idx.msk [tilespmem:v39+s13+$0x0], $0xffff;
	_ =	sdelay $0x3  }
0x194: {  	v41 =	vld [tilespmem:$0x310]  }
0x195: {  	[tilespmem:$0x19070] =	vst v0  }
0x196: {  	v0 =	vld.idx.msk [tilespmem:v40+s13+$0x0], $0xffff;
	_ =	sdelay $0x3  }
0x197: {  	v42 =	vld [tilespmem:$0x320]  }
0x198: {  	[tilespmem:$0x19080] =	vst v0  }
0x199: {  	v0 =	vld.idx.msk [tilespmem:v41+s13+$0x0], $0xffff;
	_ =	sdelay $0x3  }
0x19a: {  	v43 =	vld [tilespmem:$0x330]  }
0x19b: {  	[tilespmem:$0x19090] =	vst v0  }
0x19c: {  	v0 =	vld.idx.msk [tilespmem:v42+s13+$0x0], $0xffff;
	_ =	sdelay $0x3  }
0x19d: {  	v44 =	vld [tilespmem:$0x340]  }
0x19e: {  	[tilespmem:$0x190A0] =	vst v0  }
0x19f: {  	v0 =	vld.idx.msk [tilespmem:v43+s13+$0x0], $0xffff;
	_ =	sdelay $0x3  }
0x1a0: {  	v45 =	vld [tilespmem:$0x350]  }
0x1a1: {  	[tilespmem:$0x190B0] =	vst v0  }
0x1a2: {  	v0 =	vld.idx.msk [tilespmem:v44+s13+$0x0], $0xffff;
	_ =	sdelay $0x3  }
0x1a3: {  	v46 =	vld [tilespmem:$0x360]  }
0x1a4: {  	[tilespmem:$0x190C0] =	vst v0  }
0x1a5: {  	v0 =	vld.idx.msk [tilespmem:v45+s13+$0x0], $0xffff;
	_ =	sdelay $0x3  }
0x1a6: {  	v47 =	vld [tilespmem:$0x370]  }
0x1a7: {  	[tilespmem:$0x190D0] =	vst v0  }
0x1a8: {  	v0 =	vld.idx.msk [tilespmem:v46+s13+$0x0], $0xffff;
	_ =	sdelay $0x3  }
0x1a9: {  	v48 =	vld [tilespmem:$0x380]  }
0x1aa: {  	[tilespmem:$0x190E0] =	vst v0  }
0x1ab: {  	v0 =	vld.idx.msk [tilespmem:v47+s13+$0x0], $0xffff;
	_ =	sdelay $0x3  }
0x1ac: {  	v49 =	vld [tilespmem:$0x390]  }
0x1ad: {  	[tilespmem:$0x190F0] =	vst v0  }
0x1ae: {  	v0 =	vld.idx.msk [tilespmem:v48+s13+$0x0], $0xffff;
	_ =	sdelay $0x3  }
0x1af: {  	v50 =	vld [tilespmem:$0x3A0]  }
0x1b0: {  	[tilespmem:$0x19100] =	vst v0  }
0x1b1: {  	v0 =	vld.idx.msk [tilespmem:v49+s13+$0x0], $0xffff;
	_ =	sdelay $0x3  }
0x1b2: {  	v51 =	vld [tilespmem:$0x3B0]  }
0x1b3: {  	[tilespmem:$0x19110] =	vst v0  }
0x1b4: {  	v0 =	vld.idx.msk [tilespmem:v50+s13+$0x0], $0xffff;
	_ =	sdelay $0x3  }
0x1b5: {  	v52 =	vld [tilespmem:$0x3C0]  }
0x1b6: {  	[tilespmem:$0x19120] =	vst v0  }
0x1b7: {  	v0 =	vld.idx.msk [tilespmem:v51+s13+$0x0], $0xffff;
	_ =	sdelay $0x3  }
0x1b8: {  	v53 =	vld [tilespmem:$0x3D0]  }
0x1b9: {  	[tilespmem:$0x19130] =	vst v0  }
0x1ba: {  	v0 =	vld.idx.msk [tilespmem:v52+s13+$0x0], $0xffff;
	_ =	sdelay $0x3  }
0x1bb: {  	v54 =	vld [tilespmem:$0x3E0]  }
0x1bc: {  	[tilespmem:$0x19140] =	vst v0  }
0x1bd: {  	v0 =	vld.idx.msk [tilespmem:v53+s13+$0x0], $0xffff;
	_ =	sdelay $0x3  }
0x1be: {  	v55 =	vld [tilespmem:$0x3F0]  }
0x1bf: {  	[tilespmem:$0x19150] =	vst v0  }
0x1c0: {  	v0 =	vld.idx.msk [tilespmem:v54+s13+$0x0], $0xffff;
	_ =	sdelay $0x3  }
0x1c1: {  	v56 =	vld [tilespmem:$0x400]  }
0x1c2: {  	[tilespmem:$0x19160] =	vst v0  }
0x1c3: {  	v0 =	vld.idx.msk [tilespmem:v55+s13+$0x0], $0xffff;
	_ =	sdelay $0x3  }
0x1c4: {  	v57 =	vld [tilespmem:$0x410]  }
0x1c5: {  	[tilespmem:$0x19170] =	vst v0  }
0x1c6: {  	v0 =	vld.idx.msk [tilespmem:v56+s13+$0x0], $0xffff;
	_ =	sdelay $0x3  }
0x1c7: {  	v58 =	vld [tilespmem:$0x420]  }
0x1c8: {  	[tilespmem:$0x19180] =	vst v0  }
0x1c9: {  	v0 =	vld.idx.msk [tilespmem:v57+s13+$0x0], $0xffff;
	_ =	sdelay $0x3  }
0x1ca: {  	v59 =	vld [tilespmem:$0x430]  }
0x1cb: {  	[tilespmem:$0x19190] =	vst v0  }
0x1cc: {  	v0 =	vld.idx.msk [tilespmem:v58+s13+$0x0], $0xffff;
	_ =	sdelay $0x3  }
0x1cd: {  	v60 =	vld [tilespmem:$0x440]  }
0x1ce: {  	[tilespmem:$0x191A0] =	vst v0  }
0x1cf: {  	v0 =	vld.idx.msk [tilespmem:v59+s13+$0x0], $0xffff;
	_ =	sdelay $0x3  }
0x1d0: {  	v61 =	vld [tilespmem:$0x450]  }
0x1d1: {  	[tilespmem:$0x191B0] =	vst v0  }
0x1d2: {  	v0 =	vld.idx.msk [tilespmem:v60+s13+$0x0], $0xffff;
	_ =	sdelay $0x3  }
0x1d3: {  	v62 =	vld [tilespmem:$0x460]  }
0x1d4: {  	[tilespmem:$0x191C0] =	vst v0  }
0x1d5: {  	v0 =	vld.idx.msk [tilespmem:v61+s13+$0x0], $0xffff;
	_ =	sdelay $0x3  }
0x1d6: {  	v63 =	vld [tilespmem:$0x470]  }
0x1d7: {  	[tilespmem:$0x191D0] =	vst v0  }
0x1d8: {  	v0 =	vld.idx.msk [tilespmem:v62+s13+$0x0], $0xffff;
	_ =	sdelay $0x4  }
0x1d9: {  	[tilespmem:$0x191E0] =	vst v0  }
0x1da: {  	v0 =	vld.idx.msk [tilespmem:v63+s13+$0x0], $0xffff;
	_ =	sdelay $0x2  }
0x1db: {  	s20 =	sor.u32 s20, s21;
	s19 =	sadd.s32 $0x100, s19  }
0x1dc: {  	s20 =	sshrl.u32 s20, $0x3;
	p0 =	sne.s32 s19, $0x1000  }
.Ltmp0:
0x1dd: {  	s20 =	sadd.s32 s6, s20;
	[tilespmem:$0x191F0] =	vst v0;
	(pc) =	sbr.rel @p0 .LBB2_2-.Ltmp0, $4  }
0x1de: {  	[hbm4b:s20+s10] =	stream.strided.scatter [tilespmem:s15], [sflag:$0x3], $0x480, s11, s10, $0x38;
	[tilespmem:$0x19200] =	vst v63  }
0x1df: {  	_ =	swait.ge [sflag:s9], $0x480  }
0x1e0: {  	[sflag:s9] =	ssyncset.done $0x0  }
0x1e1: {  	s18 =	sadd.s32 $0x2, s18;
	[sflag:s9] =	ssyncadd.s32 $0xFFFFFB80  }
0x1e2: {  	s17 =	sadd.s32 $0x1, s17  }
0x1e3: {  	p0 =	sne.s32 s17, s8  }
.Ltmp1:
0x1e4: {  	_ = 	snop;
	(pc) =	sbr.rel @p0 .LBB2_1-.Ltmp1, $1  }
0x1e5: {  	_ =	sdelay $0x3  }
0x1e6: {  	_ =	sfence.sel $0x180000  }
0x1e7: {  	[bflag:$0x0] =	sbarrier.arrive $0xFFFF  }
0x1e8: {  	p0 =	sne.s32 s1, $0x0;
	_ =	strace $0x90000047  }
0x1e9: {  	s0 =	sadd.s32 @!p0 $0x100000, s0;
	[bflag:$0x2] =	sbarrier.arrive $0xFFFF  }
0x1ea: {  	[sflag:s0] =	ssyncadd.tile.s32 @!p0 $0x1;
	_ =	shalt  }
.Lfunc_end2:
_tile_overlayer_lowered:
.L_overlay_start_2:
0x1eb: {  	(tag) =	ssettag $0x2  }
0x1ec: {  	s0 =	rddreg [dreg:$0x0];
	s2 =	stileid.u32  }
0x1ed: {  	s1 =	rddreg [dreg:$0x1];
	p0 =	sne.s32 s2, $0x0  }
0x1ee: {  	s3 =	rddreg [dreg:$0x2];
	[bflag:$0x3] =	sbarrier.arrive $0xFFFF;
	s2 =	simm.s32 @!p0 $0x1C03  }
0x1ef: {  	[timem:s3], [sflag:s2] =	dma.local @!p0 [hbm:s0], s1  }
0x1f0: {  	s0 =	simm.s32 @!p0 $0x3  }
0x1f1: {  	_ =	swait.ge @!p0 [sflag:s0], s1  }
0x1f2: {  	s1 =	ssub.s32 @!p0 $0x0, s1;
	[sflag:s0] =	ssyncset.done @!p0 $0x0  }
0x1f3: {  	[sflag:s0] =	ssyncadd.s32 @!p0 s1  }
0x1f4: {  	[bflag:$0x3] =	sbarrier.arrive $0xFFFF  }
0x1f5: {  	_ =	shalt  }

</sc_bundles>
